<compile_context>
chip_gen: v7x
topology: tpu7x:2x2x1
jax: 0.10.2.dev20260603
libtpu: 0.0.44.dev20260713+nightly
codegen_flags: <defaults>
</compile_context>

<pallas_src>
import functools

import jax
import jax.numpy as jnp
from jax import lax
from jax.experimental import pallas as pl
from jax.experimental.pallas import tpu as pltpu
from jax.experimental.pallas import tpu_sc as plsc

N = 10000
E = 320000
D = 128
NC = 2
NS = 16
NW = NC * NS
K = 128
CH = -(-E // (NW * K))
CH0 = 112
CH1 = 2 * CH - CH0
CHM = max(CH0, CH1)
EP = NS * (CH0 + CH1) * K
NPAD = 10240
ZR = 32
BR = 2000


def _agg_body(src0_hbm, dst0_hbm, src1_hbm, dst1_hbm, x_hbm, out_hbm, src_v,
              dst_v, rows_v, zero_v, agg_sh, sem):
    cid = lax.axis_index("c")
    sid = lax.axis_index("s")

    zv = jnp.zeros((16,), jnp.float32)

    def zbody(i, c):
        zero_v[i // 8, pl.ds((i % 8) * 16, 16)] = zv
        return c

    lax.fori_loop(0, ZR * 8, zbody, 0)
    rows_per_tile = NPAD // NS
    for t in range(rows_per_tile // ZR):
        pltpu.sync_copy(zero_v,
                        agg_sh.at[pl.ds(sid * rows_per_tile + t * ZR, ZR)])
    plsc.subcore_barrier()

    def body(j, c):
        pltpu.async_copy(x_hbm.at[src_v.at[j]], rows_v, sem).wait()
        pltpu.sync_copy(rows_v, agg_sh.at[dst_v.at[j]], add=True)
        return c

    @pl.when(cid == 0)
    def _():
        pltpu.sync_copy(src0_hbm.at[sid], src_v.at[pl.ds(0, CH0)])
        pltpu.sync_copy(dst0_hbm.at[sid], dst_v.at[pl.ds(0, CH0)])
        lax.fori_loop(0, CH0, body, 0)

    @pl.when(cid == 1)
    def _():
        pltpu.sync_copy(src1_hbm.at[sid], src_v.at[pl.ds(0, CH1)])
        pltpu.sync_copy(dst1_hbm.at[sid], dst_v.at[pl.ds(0, CH1)])
        lax.fori_loop(0, CH1, body, 0)

    plsc.subcore_barrier()
    ro = NPAD // NS
    pltpu.sync_copy(agg_sh.at[pl.ds(sid * ro, ro)],
                    out_hbm.at[cid, pl.ds(sid * ro, ro)])


@functools.partial(
    pl.kernel,
    out_type=jax.ShapeDtypeStruct((NC, NPAD, D), jnp.float32),
    mesh=plsc.VectorSubcoreMesh(core_axis_name="c", subcore_axis_name="s"),
    scratch_types=[
        pltpu.VMEM((CHM, K), jnp.int32),
        pltpu.VMEM((CHM, K), jnp.int32),
        pltpu.VMEM((K, D), jnp.float32),
        pltpu.VMEM((ZR, D), jnp.float32),
        pltpu.VMEM_SHARED((NPAD, D), jnp.float32),
        pltpu.SemaphoreType.DMA,
    ],
)
def _agg(src0_hbm, dst0_hbm, src1_hbm, dst1_hbm, x_hbm, out_hbm, src_v,
         dst_v, rows_v, zero_v, agg_sh, sem):
    _agg_body(src0_hbm, dst0_hbm, src1_hbm, dst1_hbm, x_hbm, out_hbm, src_v,
              dst_v, rows_v, zero_v, agg_sh, sem)


def _mlp_body(scale_ref, h_ref, p0_ref, p1_ref, Wa_ref, ba_ref, Wb_ref,
              bb_ref, o_ref):
    z = scale_ref[0, 0] * h_ref[...] + (p0_ref[...] + p1_ref[...])
    t = jnp.dot(z, Wa_ref[...], preferred_element_type=jnp.float32)
    t = jnp.maximum(t + ba_ref[...], 0.0)
    o_ref[...] = jnp.dot(t, Wb_ref[...],
                         preferred_element_type=jnp.float32) + bb_ref[...]


def _mlp(scale, h, p0, p1, Wa, ba, Wb, bb):
    return pl.pallas_call(
        _mlp_body,
        grid=(N // BR,),
        in_specs=[
            pl.BlockSpec(memory_space=pltpu.SMEM),
            pl.BlockSpec((BR, D), lambda i: (i, 0)),
            pl.BlockSpec((BR, D), lambda i: (i, 0)),
            pl.BlockSpec((BR, D), lambda i: (i, 0)),
            pl.BlockSpec((D, D), lambda i: (0, 0)),
            pl.BlockSpec((1, D), lambda i: (0, 0)),
            pl.BlockSpec((D, D), lambda i: (0, 0)),
            pl.BlockSpec((1, D), lambda i: (0, 0)),
        ],
        out_specs=pl.BlockSpec((BR, D), lambda i: (i, 0)),
        out_shape=jax.ShapeDtypeStruct((N, D), jnp.float32),
    )(scale, h, p0, p1, Wa, ba, Wb, bb)


def _final_body(x_ref, h1_ref, h2_ref, h3_ref, Wf_ref, bf_ref, o_ref):
    acc = jnp.dot(x_ref[...], Wf_ref[0], preferred_element_type=jnp.float32)
    acc += jnp.dot(h1_ref[...], Wf_ref[1], preferred_element_type=jnp.float32)
    acc += jnp.dot(h2_ref[...], Wf_ref[2], preferred_element_type=jnp.float32)
    acc += jnp.dot(h3_ref[...], Wf_ref[3], preferred_element_type=jnp.float32)
    o_ref[...] = acc + bf_ref[...]


def _final(x, h1, h2, h3, Wf4, bf):
    return pl.pallas_call(
        _final_body,
        grid=(N // BR,),
        in_specs=[
            pl.BlockSpec((BR, D), lambda i: (i, 0)),
            pl.BlockSpec((BR, D), lambda i: (i, 0)),
            pl.BlockSpec((BR, D), lambda i: (i, 0)),
            pl.BlockSpec((BR, D), lambda i: (i, 0)),
            pl.BlockSpec((4, D, D), lambda i: (0, 0, 0)),
            pl.BlockSpec((1, D), lambda i: (0, 0)),
        ],
        out_specs=pl.BlockSpec((BR, D), lambda i: (i, 0)),
        out_shape=jax.ShapeDtypeStruct((N, D), jnp.float32),
    )(x, h1, h2, h3, Wf4, bf)


def kernel(x, edge_index, eps1, W1a, b1a, W1b, b1b, eps2, W2a, b2a, W2b, b2b,
           eps3, W3a, b3a, W3b, b3b, Wf, bf):
    src = edge_index[0].astype(jnp.int32)
    dst = edge_index[1].astype(jnp.int32)
    pad = EP - E
    srcp = jnp.concatenate([src, jnp.zeros((pad,), jnp.int32)])
    dstp = jnp.concatenate([dst, jnp.full((pad,), N, jnp.int32)])
    e0 = NS * CH0 * K
    src0 = srcp[:e0].reshape(NS, CH0, K)
    dst0 = dstp[:e0].reshape(NS, CH0, K)
    src1 = srcp[e0:].reshape(NS, CH1, K)
    dst1 = dstp[e0:].reshape(NS, CH1, K)

    def layer(h, eps, Wa, ba, Wb, bb):
        p = _agg(src0, dst0, src1, dst1, h)
        scale = jnp.reshape(1.0 + eps, (1, 1)).astype(jnp.float32)
        return _mlp(scale, h, p[0, :N], p[1, :N], Wa, jnp.reshape(ba, (1, D)),
                    Wb, jnp.reshape(bb, (1, D)))

    h1 = layer(x, eps1, W1a, b1a, W1b, b1b)
    h2 = layer(h1, eps2, W2a, b2a, W2b, b2b)
    h3 = layer(h2, eps3, W3a, b3a, W3b, b3b)
    return _final(x, h1, h2, h3, Wf.reshape(4, D, D), jnp.reshape(bf, (1, D)))

# --- scband reference (transcript-rebuilt; emitter-appended) ---
"""Pipeline reference for scband-gin-16475494547884 (READ-ONLY COPY).

The authoritative reference and input builder live on the scoring server;
editing this copy changes nothing except your own understanding.
"""

import jax, jax.numpy as jnp
import numpy as np

N_NODES = 10000
N_EDGES = 320000
D_IN = 128
D_OUT = 128
NUM_LAYERS = 3


def setup_inputs(seed: int = 0) -> dict:
    key = jax.random.key(seed)
    ks = jax.random.split(key, 20)
    inp = {}
    inp['x'] = jax.random.normal(ks[0], (N_NODES, D_IN), dtype=jnp.float32)
    inp['edge_index'] = jax.random.randint(ks[1], (2, N_EDGES), 0, N_NODES, dtype=jnp.int64)
    d_in = D_IN
    ki = 2
    for l in range(1, NUM_LAYERS + 1):
        inp[f'eps{l}'] = jnp.zeros((), dtype=jnp.float32)
        inp[f'W{l}a'] = jax.random.normal(ks[ki], (d_in, D_OUT), dtype=jnp.float32) * (1.0 / np.sqrt(d_in)); ki += 1
        inp[f'b{l}a'] = jnp.zeros((D_OUT,), dtype=jnp.float32)
        inp[f'W{l}b'] = jax.random.normal(ks[ki], (D_OUT, D_OUT), dtype=jnp.float32) * (1.0 / np.sqrt(D_OUT)); ki += 1
        inp[f'b{l}b'] = jnp.zeros((D_OUT,), dtype=jnp.float32)
        d_in = D_OUT
    d_cat = D_IN + NUM_LAYERS * D_OUT
    inp['Wf'] = jax.random.normal(ks[ki], (d_cat, D_OUT), dtype=jnp.float32) * (1.0 / np.sqrt(d_cat))
    inp['bf'] = jnp.zeros((D_OUT,), dtype=jnp.float32)
    return inp


def _gin_conv(x, edge_index, eps, Wa, ba, Wb, bb):
    src = edge_index[0]
    dst = edge_index[1]
    msg = jnp.take(x, src, axis=0)
    agg = jax.ops.segment_sum(msg, dst, num_segments=x.shape[0])
    h = (1.0 + eps) * x + agg
    h = jax.nn.relu(h @ Wa + ba)
    return h @ Wb + bb


def reference(x, edge_index,
              eps1, W1a, b1a, W1b, b1b,
              eps2, W2a, b2a, W2b, b2b,
              eps3, W3a, b3a, W3b, b3b,
              Wf, bf):
    xs = [x]
    params = [(eps1, W1a, b1a, W1b, b1b),
              (eps2, W2a, b2a, W2b, b2b),
              (eps3, W3a, b3a, W3b, b3b)]
    for (eps, Wa, ba, Wb, bb) in params:
        xs.append(_gin_conv(xs[-1], edge_index, eps, Wa, ba, Wb, bb))
    h = jnp.concatenate(xs, axis=-1)
    return h @ Wf + bf

if __name__ == "__main__":
    import jax
    _d = setup_inputs()
    print(jax.jit(kernel)(*tuple(_d.values())))

</pallas_src>

<mosaic_0001>
#map = affine_map<(d0, d1) -> (0, 0, 0)>
#map1 = affine_map<(d0, d1) -> (0, 0)>
module attributes {stable_mosaic.version = 14 : i64} {
  func.func @_agg(%arg0: i32, %arg1: i32, %arg2: memref<16x112x128xi32, #tpu.memory_space<hbm>>, %arg3: memref<16x112x128xi32, #tpu.memory_space<hbm>>, %arg4: memref<16x46x128xi32, #tpu.memory_space<hbm>>, %arg5: memref<16x46x128xi32, #tpu.memory_space<hbm>>, %arg6: memref<10000x128xf32, #tpu.memory_space<hbm>>, %arg7: memref<2x10240x128xf32, #tpu.memory_space<hbm>>, %arg8: memref<112x128xi32, #tpu.memory_space<vmem>>, %arg9: memref<112x128xi32, #tpu.memory_space<vmem>>, %arg10: memref<128x128xf32, #tpu.memory_space<vmem>>, %arg11: memref<32x128xf32, #tpu.memory_space<vmem>>, %arg12: memref<10240x128xf32, #tpu.memory_space<vmem_shared>>, %arg13: memref<!tpu.dma_semaphore, #tpu.memory_space<semaphore_mem>>) attributes {dimension_semantics = [#tpu.dimension_semantics<core_parallel>, #tpu.dimension_semantics<subcore_parallel>], iteration_bounds = array<i64: 2, 16>, scalar_prefetch = 0 : i64, scratch_operands = 6 : i64, tpu.core_type = #tpu.core_type<sc_vector_subcore>, window_params = [{transform_indices = #map}, {transform_indices = #map}, {transform_indices = #map}, {transform_indices = #map}, {transform_indices = #map1}, {transform_indices = #map}]} {
    %broadcast_in_dim3A = arith.constant 0.000000e+00 : f32
    %broadcast_in_dim3A_0 = vector.broadcast %broadcast_in_dim3A : f32 to vector<16xf32>
    %scan3A = arith.constant 0 : i32
    %scan3A_1 = arith.constant 0 : i32
    %scan3A_2 = arith.constant 256 : i32
    %scan3A_3 = arith.addi %scan3A_1, %scan3A_2 : i32
    %scan3A_4 = arith.constant 1 : i32
    scf.for %scan3A_96 = %scan3A_1 to %scan3A_3 step %scan3A_4  : i32 {
      %jit3A = arith.constant 8 : i32
      %div3A = arith.divsi %scan3A_96, %jit3A : i32
      %sign3A = arith.constant 0 : i32
      %sign3A_97 = arith.cmpi sgt, %scan3A_96, %sign3A : i32
      %sign3A_98 = arith.extui %sign3A_97 : i1 to i32
      %sign3A_99 = arith.constant 0 : i32
      %sign3A_100 = arith.cmpi slt, %scan3A_96, %sign3A_99 : i32
      %sign3A_101 = arith.extui %sign3A_100 : i1 to i32
      %sign3A_102 = arith.subi %sign3A_98, %sign3A_101 : i32
      %sign3A_103 = arith.constant 0 : i32
      %sign3A_104 = arith.cmpi sgt, %jit3A, %sign3A_103 : i32
      %sign3A_105 = arith.extui %sign3A_104 : i1 to i32
      %sign3A_106 = arith.constant 0 : i32
      %sign3A_107 = arith.cmpi slt, %jit3A, %sign3A_106 : i32
      %sign3A_108 = arith.extui %sign3A_107 : i1 to i32
      %sign3A_109 = arith.subi %sign3A_105, %sign3A_108 : i32
      %ne3A = arith.cmpi ne, %sign3A_102, %sign3A_109 : i32
      %rem3A = arith.remsi %scan3A_96, %jit3A : i32
      %ne3A_110 = arith.constant 0 : i32
      %ne3A_111 = arith.cmpi ne, %rem3A, %ne3A_110 : i32
      %and3A = arith.andi %ne3A, %ne3A_111 : i1
      %sub3A = arith.constant 1 : i32
      %sub3A_112 = arith.subi %div3A, %sub3A : i32
      %select_n3A = arith.select %and3A, %sub3A_112, %div3A : i32
      %jit3A_113 = arith.constant 8 : i32
      %eq3A_114 = arith.constant 0 : i32
      %eq3A_115 = arith.cmpi eq, %jit3A_113, %eq3A_114 : i32
      %jit3A_116 = arith.constant 1 : i32
      %select_n3A_117 = arith.select %eq3A_115, %jit3A_116, %jit3A_113 : i32
      %rem3A_118 = arith.remsi %scan3A_96, %select_n3A_117 : i32
      %ne3A_119 = arith.constant 0 : i32
      %ne3A_120 = arith.cmpi ne, %rem3A_118, %ne3A_119 : i32
      %lt3A = arith.constant 0 : i32
      %lt3A_121 = arith.cmpi slt, %rem3A_118, %lt3A : i32
      %lt3A_122 = arith.constant 0 : i32
      %lt3A_123 = arith.cmpi slt, %select_n3A_117, %lt3A_122 : i32
      %ne3A_124 = arith.xori %lt3A_121, %lt3A_123 : i1
      %and3A_125 = arith.andi %ne3A_124, %ne3A_120 : i1
      %add3A_126 = arith.addi %rem3A_118, %select_n3A_117 : i32
      %select_n3A_127 = arith.select %and3A_125, %add3A_126, %rem3A_118 : i32
      %mul3A_128 = arith.constant 16 : i32
      %mul3A_129 = arith.muli %select_n3A_127, %mul3A_128 : i32
      %swap3A = arith.index_cast %select_n3A : i32 to index
      %swap3A_130 = arith.index_cast %mul3A_129 : i32 to index
      %swap3A_131 = tpu.vector_load %arg11[%swap3A, %swap3A_130] {strides = array<i32>} : memref<32x128xf32, #tpu.memory_space<vmem>>, vector<1x16xf32>,
      %swap3A_132 = vector.shape_cast %swap3A_131 : vector<1x16xf32> to vector<16xf32>
      %swap3A_133 = vector.shape_cast %broadcast_in_dim3A_0 : vector<16xf32> to vector<1x16xf32>
      tpu.vector_store %arg11[%swap3A, %swap3A_130], %swap3A_133 {strides = array<i32>} : memref<32x128xf32, #tpu.memory_space<vmem>>, vector<1x16xf32>,
    }
    %scan3A_5 = arith.constant 256 : i32
    %mul3A = arith.constant 640 : i32
    %mul3A_6 = arith.muli %arg1, %mul3A : i32
    %add3A = arith.constant 0 : i32
    %add3A_7 = arith.addi %mul3A_6, %add3A : i32
    "tpu.region"() ({
      %run_scoped3A = tpu.sem_alloc : memref<!tpu.dma_semaphore, #tpu.memory_space<semaphore_mem>>
      %dma_start3A = arith.constant 0 : i32
      %dma_start3A_96 = tpu.memref_slice %arg12[%add3A_7, %dma_start3A] : memref<10240x128xf32, #tpu.memory_space<vmem_shared>> -> memref<32x128xf32, #tpu.memory_space<vmem_shared>>
      %dma_start3A_97 = arith.constant 0 : i32
      %dma_start3A_98 = tpu.memref_slice %arg12[%add3A_7, %dma_start3A_97] : memref<10240x128xf32, #tpu.memory_space<vmem_shared>> -> memref<32x128xf32, #tpu.memory_space<vmem_shared>>
      tpu.enqueue_dma source(%arg11 : memref<32x128xf32, #tpu.memory_space<vmem>>) target(%dma_start3A_98 : memref<32x128xf32, #tpu.memory_space<vmem_shared>>) target_semaphore(%run_scoped3A : memref<!tpu.dma_semaphore, #tpu.memory_space<semaphore_mem>>)
      %dma_wait3A = arith.constant 0 : i32
      %dma_wait3A_99 = tpu.memref_slice %arg12[%add3A_7, %dma_wait3A] : memref<10240x128xf32, #tpu.memory_space<vmem_shared>> -> memref<32x128xf32, #tpu.memory_space<vmem_shared>>
      %dma_wait3A_100 = arith.constant 0 : i32
      %dma_wait3A_101 = tpu.memref_slice %arg12[%add3A_7, %dma_wait3A_100] : memref<10240x128xf32, #tpu.memory_space<vmem_shared>> -> memref<32x128xf32, #tpu.memory_space<vmem_shared>>
      tpu.wait_dma2 semaphore(%run_scoped3A : memref<!tpu.dma_semaphore, #tpu.memory_space<semaphore_mem>>) src(%arg11 : memref<32x128xf32, #tpu.memory_space<vmem>>) dst(%dma_wait3A_101 : memref<32x128xf32, #tpu.memory_space<vmem_shared>>)
      tpu.yield
    }) : () -> ()
    %mul3A_8 = arith.constant 640 : i32
    %mul3A_9 = arith.muli %arg1, %mul3A_8 : i32
    %add3A_10 = arith.constant 32 : i32
    %add3A_11 = arith.addi %mul3A_9, %add3A_10 : i32
    "tpu.region"() ({
      %run_scoped3A = tpu.sem_alloc : memref<!tpu.dma_semaphore, #tpu.memory_space<semaphore_mem>>
      %dma_start3A = arith.constant 0 : i32
      %dma_start3A_96 = tpu.memref_slice %arg12[%add3A_11, %dma_start3A] : memref<10240x128xf32, #tpu.memory_space<vmem_shared>> -> memref<32x128xf32, #tpu.memory_space<vmem_shared>>
      %dma_start3A_97 = arith.constant 0 : i32
      %dma_start3A_98 = tpu.memref_slice %arg12[%add3A_11, %dma_start3A_97] : memref<10240x128xf32, #tpu.memory_space<vmem_shared>> -> memref<32x128xf32, #tpu.memory_space<vmem_shared>>
      tpu.enqueue_dma source(%arg11 : memref<32x128xf32, #tpu.memory_space<vmem>>) target(%dma_start3A_98 : memref<32x128xf32, #tpu.memory_space<vmem_shared>>) target_semaphore(%run_scoped3A : memref<!tpu.dma_semaphore, #tpu.memory_space<semaphore_mem>>)
      %dma_wait3A = arith.constant 0 : i32
      %dma_wait3A_99 = tpu.memref_slice %arg12[%add3A_11, %dma_wait3A] : memref<10240x128xf32, #tpu.memory_space<vmem_shared>> -> memref<32x128xf32, #tpu.memory_space<vmem_shared>>
      %dma_wait3A_100 = arith.constant 0 : i32
      %dma_wait3A_101 = tpu.memref_slice %arg12[%add3A_11, %dma_wait3A_100] : memref<10240x128xf32, #tpu.memory_space<vmem_shared>> -> memref<32x128xf32, #tpu.memory_space<vmem_shared>>
      tpu.wait_dma2 semaphore(%run_scoped3A : memref<!tpu.dma_semaphore, #tpu.memory_space<semaphore_mem>>) src(%arg11 : memref<32x128xf32, #tpu.memory_space<vmem>>) dst(%dma_wait3A_101 : memref<32x128xf32, #tpu.memory_space<vmem_shared>>)
      tpu.yield
    }) : () -> ()
    %mul3A_12 = arith.constant 640 : i32
    %mul3A_13 = arith.muli %arg1, %mul3A_12 : i32
    %add3A_14 = arith.constant 64 : i32
    %add3A_15 = arith.addi %mul3A_13, %add3A_14 : i32
    "tpu.region"() ({
      %run_scoped3A = tpu.sem_alloc : memref<!tpu.dma_semaphore, #tpu.memory_space<semaphore_mem>>
      %dma_start3A = arith.constant 0 : i32
      %dma_start3A_96 = tpu.memref_slice %arg12[%add3A_15, %dma_start3A] : memref<10240x128xf32, #tpu.memory_space<vmem_shared>> -> memref<32x128xf32, #tpu.memory_space<vmem_shared>>
      %dma_start3A_97 = arith.constant 0 : i32
      %dma_start3A_98 = tpu.memref_slice %arg12[%add3A_15, %dma_start3A_97] : memref<10240x128xf32, #tpu.memory_space<vmem_shared>> -> memref<32x128xf32, #tpu.memory_space<vmem_shared>>
      tpu.enqueue_dma source(%arg11 : memref<32x128xf32, #tpu.memory_space<vmem>>) target(%dma_start3A_98 : memref<32x128xf32, #tpu.memory_space<vmem_shared>>) target_semaphore(%run_scoped3A : memref<!tpu.dma_semaphore, #tpu.memory_space<semaphore_mem>>)
      %dma_wait3A = arith.constant 0 : i32
      %dma_wait3A_99 = tpu.memref_slice %arg12[%add3A_15, %dma_wait3A] : memref<10240x128xf32, #tpu.memory_space<vmem_shared>> -> memref<32x128xf32, #tpu.memory_space<vmem_shared>>
      %dma_wait3A_100 = arith.constant 0 : i32
      %dma_wait3A_101 = tpu.memref_slice %arg12[%add3A_15, %dma_wait3A_100] : memref<10240x128xf32, #tpu.memory_space<vmem_shared>> -> memref<32x128xf32, #tpu.memory_space<vmem_shared>>
      tpu.wait_dma2 semaphore(%run_scoped3A : memref<!tpu.dma_semaphore, #tpu.memory_space<semaphore_mem>>) src(%arg11 : memref<32x128xf32, #tpu.memory_space<vmem>>) dst(%dma_wait3A_101 : memref<32x128xf32, #tpu.memory_space<vmem_shared>>)
      tpu.yield
    }) : () -> ()
    %mul3A_16 = arith.constant 640 : i32
    %mul3A_17 = arith.muli %arg1, %mul3A_16 : i32
    %add3A_18 = arith.constant 96 : i32
    %add3A_19 = arith.addi %mul3A_17, %add3A_18 : i32
    "tpu.region"() ({
      %run_scoped3A = tpu.sem_alloc : memref<!tpu.dma_semaphore, #tpu.memory_space<semaphore_mem>>
      %dma_start3A = arith.constant 0 : i32
      %dma_start3A_96 = tpu.memref_slice %arg12[%add3A_19, %dma_start3A] : memref<10240x128xf32, #tpu.memory_space<vmem_shared>> -> memref<32x128xf32, #tpu.memory_space<vmem_shared>>
      %dma_start3A_97 = arith.constant 0 : i32
      %dma_start3A_98 = tpu.memref_slice %arg12[%add3A_19, %dma_start3A_97] : memref<10240x128xf32, #tpu.memory_space<vmem_shared>> -> memref<32x128xf32, #tpu.memory_space<vmem_shared>>
      tpu.enqueue_dma source(%arg11 : memref<32x128xf32, #tpu.memory_space<vmem>>) target(%dma_start3A_98 : memref<32x128xf32, #tpu.memory_space<vmem_shared>>) target_semaphore(%run_scoped3A : memref<!tpu.dma_semaphore, #tpu.memory_space<semaphore_mem>>)
      %dma_wait3A = arith.constant 0 : i32
      %dma_wait3A_99 = tpu.memref_slice %arg12[%add3A_19, %dma_wait3A] : memref<10240x128xf32, #tpu.memory_space<vmem_shared>> -> memref<32x128xf32, #tpu.memory_space<vmem_shared>>
      %dma_wait3A_100 = arith.constant 0 : i32
      %dma_wait3A_101 = tpu.memref_slice %arg12[%add3A_19, %dma_wait3A_100] : memref<10240x128xf32, #tpu.memory_space<vmem_shared>> -> memref<32x128xf32, #tpu.memory_space<vmem_shared>>
      tpu.wait_dma2 semaphore(%run_scoped3A : memref<!tpu.dma_semaphore, #tpu.memory_space<semaphore_mem>>) src(%arg11 : memref<32x128xf32, #tpu.memory_space<vmem>>) dst(%dma_wait3A_101 : memref<32x128xf32, #tpu.memory_space<vmem_shared>>)
      tpu.yield
    }) : () -> ()
    %mul3A_20 = arith.constant 640 : i32
    %mul3A_21 = arith.muli %arg1, %mul3A_20 : i32
    %add3A_22 = arith.constant 128 : i32
    %add3A_23 = arith.addi %mul3A_21, %add3A_22 : i32
    "tpu.region"() ({
      %run_scoped3A = tpu.sem_alloc : memref<!tpu.dma_semaphore, #tpu.memory_space<semaphore_mem>>
      %dma_start3A = arith.constant 0 : i32
      %dma_start3A_96 = tpu.memref_slice %arg12[%add3A_23, %dma_start3A] : memref<10240x128xf32, #tpu.memory_space<vmem_shared>> -> memref<32x128xf32, #tpu.memory_space<vmem_shared>>
      %dma_start3A_97 = arith.constant 0 : i32
      %dma_start3A_98 = tpu.memref_slice %arg12[%add3A_23, %dma_start3A_97] : memref<10240x128xf32, #tpu.memory_space<vmem_shared>> -> memref<32x128xf32, #tpu.memory_space<vmem_shared>>
      tpu.enqueue_dma source(%arg11 : memref<32x128xf32, #tpu.memory_space<vmem>>) target(%dma_start3A_98 : memref<32x128xf32, #tpu.memory_space<vmem_shared>>) target_semaphore(%run_scoped3A : memref<!tpu.dma_semaphore, #tpu.memory_space<semaphore_mem>>)
      %dma_wait3A = arith.constant 0 : i32
      %dma_wait3A_99 = tpu.memref_slice %arg12[%add3A_23, %dma_wait3A] : memref<10240x128xf32, #tpu.memory_space<vmem_shared>> -> memref<32x128xf32, #tpu.memory_space<vmem_shared>>
      %dma_wait3A_100 = arith.constant 0 : i32
      %dma_wait3A_101 = tpu.memref_slice %arg12[%add3A_23, %dma_wait3A_100] : memref<10240x128xf32, #tpu.memory_space<vmem_shared>> -> memref<32x128xf32, #tpu.memory_space<vmem_shared>>
      tpu.wait_dma2 semaphore(%run_scoped3A : memref<!tpu.dma_semaphore, #tpu.memory_space<semaphore_mem>>) src(%arg11 : memref<32x128xf32, #tpu.memory_space<vmem>>) dst(%dma_wait3A_101 : memref<32x128xf32, #tpu.memory_space<vmem_shared>>)
      tpu.yield
    }) : () -> ()
    %mul3A_24 = arith.constant 640 : i32
    %mul3A_25 = arith.muli %arg1, %mul3A_24 : i32
    %add3A_26 = arith.constant 160 : i32
    %add3A_27 = arith.addi %mul3A_25, %add3A_26 : i32
    "tpu.region"() ({
      %run_scoped3A = tpu.sem_alloc : memref<!tpu.dma_semaphore, #tpu.memory_space<semaphore_mem>>
      %dma_start3A = arith.constant 0 : i32
      %dma_start3A_96 = tpu.memref_slice %arg12[%add3A_27, %dma_start3A] : memref<10240x128xf32, #tpu.memory_space<vmem_shared>> -> memref<32x128xf32, #tpu.memory_space<vmem_shared>>
      %dma_start3A_97 = arith.constant 0 : i32
      %dma_start3A_98 = tpu.memref_slice %arg12[%add3A_27, %dma_start3A_97] : memref<10240x128xf32, #tpu.memory_space<vmem_shared>> -> memref<32x128xf32, #tpu.memory_space<vmem_shared>>
      tpu.enqueue_dma source(%arg11 : memref<32x128xf32, #tpu.memory_space<vmem>>) target(%dma_start3A_98 : memref<32x128xf32, #tpu.memory_space<vmem_shared>>) target_semaphore(%run_scoped3A : memref<!tpu.dma_semaphore, #tpu.memory_space<semaphore_mem>>)
      %dma_wait3A = arith.constant 0 : i32
      %dma_wait3A_99 = tpu.memref_slice %arg12[%add3A_27, %dma_wait3A] : memref<10240x128xf32, #tpu.memory_space<vmem_shared>> -> memref<32x128xf32, #tpu.memory_space<vmem_shared>>
      %dma_wait3A_100 = arith.constant 0 : i32
      %dma_wait3A_101 = tpu.memref_slice %arg12[%add3A_27, %dma_wait3A_100] : memref<10240x128xf32, #tpu.memory_space<vmem_shared>> -> memref<32x128xf32, #tpu.memory_space<vmem_shared>>
      tpu.wait_dma2 semaphore(%run_scoped3A : memref<!tpu.dma_semaphore, #tpu.memory_space<semaphore_mem>>) src(%arg11 : memref<32x128xf32, #tpu.memory_space<vmem>>) dst(%dma_wait3A_101 : memref<32x128xf32, #tpu.memory_space<vmem_shared>>)
      tpu.yield
    }) : () -> ()
    %mul3A_28 = arith.constant 640 : i32
    %mul3A_29 = arith.muli %arg1, %mul3A_28 : i32
    %add3A_30 = arith.constant 192 : i32
    %add3A_31 = arith.addi %mul3A_29, %add3A_30 : i32
    "tpu.region"() ({
      %run_scoped3A = tpu.sem_alloc : memref<!tpu.dma_semaphore, #tpu.memory_space<semaphore_mem>>
      %dma_start3A = arith.constant 0 : i32
      %dma_start3A_96 = tpu.memref_slice %arg12[%add3A_31, %dma_start3A] : memref<10240x128xf32, #tpu.memory_space<vmem_shared>> -> memref<32x128xf32, #tpu.memory_space<vmem_shared>>
      %dma_start3A_97 = arith.constant 0 : i32
      %dma_start3A_98 = tpu.memref_slice %arg12[%add3A_31, %dma_start3A_97] : memref<10240x128xf32, #tpu.memory_space<vmem_shared>> -> memref<32x128xf32, #tpu.memory_space<vmem_shared>>
      tpu.enqueue_dma source(%arg11 : memref<32x128xf32, #tpu.memory_space<vmem>>) target(%dma_start3A_98 : memref<32x128xf32, #tpu.memory_space<vmem_shared>>) target_semaphore(%run_scoped3A : memref<!tpu.dma_semaphore, #tpu.memory_space<semaphore_mem>>)
      %dma_wait3A = arith.constant 0 : i32
      %dma_wait3A_99 = tpu.memref_slice %arg12[%add3A_31, %dma_wait3A] : memref<10240x128xf32, #tpu.memory_space<vmem_shared>> -> memref<32x128xf32, #tpu.memory_space<vmem_shared>>
      %dma_wait3A_100 = arith.constant 0 : i32
      %dma_wait3A_101 = tpu.memref_slice %arg12[%add3A_31, %dma_wait3A_100] : memref<10240x128xf32, #tpu.memory_space<vmem_shared>> -> memref<32x128xf32, #tpu.memory_space<vmem_shared>>
      tpu.wait_dma2 semaphore(%run_scoped3A : memref<!tpu.dma_semaphore, #tpu.memory_space<semaphore_mem>>) src(%arg11 : memref<32x128xf32, #tpu.memory_space<vmem>>) dst(%dma_wait3A_101 : memref<32x128xf32, #tpu.memory_space<vmem_shared>>)
      tpu.yield
    }) : () -> ()
    %mul3A_32 = arith.constant 640 : i32
    %mul3A_33 = arith.muli %arg1, %mul3A_32 : i32
    %add3A_34 = arith.constant 224 : i32
    %add3A_35 = arith.addi %mul3A_33, %add3A_34 : i32
    "tpu.region"() ({
      %run_scoped3A = tpu.sem_alloc : memref<!tpu.dma_semaphore, #tpu.memory_space<semaphore_mem>>
      %dma_start3A = arith.constant 0 : i32
      %dma_start3A_96 = tpu.memref_slice %arg12[%add3A_35, %dma_start3A] : memref<10240x128xf32, #tpu.memory_space<vmem_shared>> -> memref<32x128xf32, #tpu.memory_space<vmem_shared>>
      %dma_start3A_97 = arith.constant 0 : i32
      %dma_start3A_98 = tpu.memref_slice %arg12[%add3A_35, %dma_start3A_97] : memref<10240x128xf32, #tpu.memory_space<vmem_shared>> -> memref<32x128xf32, #tpu.memory_space<vmem_shared>>
      tpu.enqueue_dma source(%arg11 : memref<32x128xf32, #tpu.memory_space<vmem>>) target(%dma_start3A_98 : memref<32x128xf32, #tpu.memory_space<vmem_shared>>) target_semaphore(%run_scoped3A : memref<!tpu.dma_semaphore, #tpu.memory_space<semaphore_mem>>)
      %dma_wait3A = arith.constant 0 : i32
      %dma_wait3A_99 = tpu.memref_slice %arg12[%add3A_35, %dma_wait3A] : memref<10240x128xf32, #tpu.memory_space<vmem_shared>> -> memref<32x128xf32, #tpu.memory_space<vmem_shared>>
      %dma_wait3A_100 = arith.constant 0 : i32
      %dma_wait3A_101 = tpu.memref_slice %arg12[%add3A_35, %dma_wait3A_100] : memref<10240x128xf32, #tpu.memory_space<vmem_shared>> -> memref<32x128xf32, #tpu.memory_space<vmem_shared>>
      tpu.wait_dma2 semaphore(%run_scoped3A : memref<!tpu.dma_semaphore, #tpu.memory_space<semaphore_mem>>) src(%arg11 : memref<32x128xf32, #tpu.memory_space<vmem>>) dst(%dma_wait3A_101 : memref<32x128xf32, #tpu.memory_space<vmem_shared>>)
      tpu.yield
    }) : () -> ()
    %mul3A_36 = arith.constant 640 : i32
    %mul3A_37 = arith.muli %arg1, %mul3A_36 : i32
    %add3A_38 = arith.constant 256 : i32
    %add3A_39 = arith.addi %mul3A_37, %add3A_38 : i32
    "tpu.region"() ({
      %run_scoped3A = tpu.sem_alloc : memref<!tpu.dma_semaphore, #tpu.memory_space<semaphore_mem>>
      %dma_start3A = arith.constant 0 : i32
      %dma_start3A_96 = tpu.memref_slice %arg12[%add3A_39, %dma_start3A] : memref<10240x128xf32, #tpu.memory_space<vmem_shared>> -> memref<32x128xf32, #tpu.memory_space<vmem_shared>>
      %dma_start3A_97 = arith.constant 0 : i32
      %dma_start3A_98 = tpu.memref_slice %arg12[%add3A_39, %dma_start3A_97] : memref<10240x128xf32, #tpu.memory_space<vmem_shared>> -> memref<32x128xf32, #tpu.memory_space<vmem_shared>>
      tpu.enqueue_dma source(%arg11 : memref<32x128xf32, #tpu.memory_space<vmem>>) target(%dma_start3A_98 : memref<32x128xf32, #tpu.memory_space<vmem_shared>>) target_semaphore(%run_scoped3A : memref<!tpu.dma_semaphore, #tpu.memory_space<semaphore_mem>>)
      %dma_wait3A = arith.constant 0 : i32
      %dma_wait3A_99 = tpu.memref_slice %arg12[%add3A_39, %dma_wait3A] : memref<10240x128xf32, #tpu.memory_space<vmem_shared>> -> memref<32x128xf32, #tpu.memory_space<vmem_shared>>
      %dma_wait3A_100 = arith.constant 0 : i32
      %dma_wait3A_101 = tpu.memref_slice %arg12[%add3A_39, %dma_wait3A_100] : memref<10240x128xf32, #tpu.memory_space<vmem_shared>> -> memref<32x128xf32, #tpu.memory_space<vmem_shared>>
      tpu.wait_dma2 semaphore(%run_scoped3A : memref<!tpu.dma_semaphore, #tpu.memory_space<semaphore_mem>>) src(%arg11 : memref<32x128xf32, #tpu.memory_space<vmem>>) dst(%dma_wait3A_101 : memref<32x128xf32, #tpu.memory_space<vmem_shared>>)
      tpu.yield
    }) : () -> ()
    %mul3A_40 = arith.constant 640 : i32
    %mul3A_41 = arith.muli %arg1, %mul3A_40 : i32
    %add3A_42 = arith.constant 288 : i32
    %add3A_43 = arith.addi %mul3A_41, %add3A_42 : i32
    "tpu.region"() ({
      %run_scoped3A = tpu.sem_alloc : memref<!tpu.dma_semaphore, #tpu.memory_space<semaphore_mem>>
      %dma_start3A = arith.constant 0 : i32
      %dma_start3A_96 = tpu.memref_slice %arg12[%add3A_43, %dma_start3A] : memref<10240x128xf32, #tpu.memory_space<vmem_shared>> -> memref<32x128xf32, #tpu.memory_space<vmem_shared>>
      %dma_start3A_97 = arith.constant 0 : i32
      %dma_start3A_98 = tpu.memref_slice %arg12[%add3A_43, %dma_start3A_97] : memref<10240x128xf32, #tpu.memory_space<vmem_shared>> -> memref<32x128xf32, #tpu.memory_space<vmem_shared>>
      tpu.enqueue_dma source(%arg11 : memref<32x128xf32, #tpu.memory_space<vmem>>) target(%dma_start3A_98 : memref<32x128xf32, #tpu.memory_space<vmem_shared>>) target_semaphore(%run_scoped3A : memref<!tpu.dma_semaphore, #tpu.memory_space<semaphore_mem>>)
      %dma_wait3A = arith.constant 0 : i32
      %dma_wait3A_99 = tpu.memref_slice %arg12[%add3A_43, %dma_wait3A] : memref<10240x128xf32, #tpu.memory_space<vmem_shared>> -> memref<32x128xf32, #tpu.memory_space<vmem_shared>>
      %dma_wait3A_100 = arith.constant 0 : i32
      %dma_wait3A_101 = tpu.memref_slice %arg12[%add3A_43, %dma_wait3A_100] : memref<10240x128xf32, #tpu.memory_space<vmem_shared>> -> memref<32x128xf32, #tpu.memory_space<vmem_shared>>
      tpu.wait_dma2 semaphore(%run_scoped3A : memref<!tpu.dma_semaphore, #tpu.memory_space<semaphore_mem>>) src(%arg11 : memref<32x128xf32, #tpu.memory_space<vmem>>) dst(%dma_wait3A_101 : memref<32x128xf32, #tpu.memory_space<vmem_shared>>)
      tpu.yield
    }) : () -> ()
    %mul3A_44 = arith.constant 640 : i32
    %mul3A_45 = arith.muli %arg1, %mul3A_44 : i32
    %add3A_46 = arith.constant 320 : i32
    %add3A_47 = arith.addi %mul3A_45, %add3A_46 : i32
    "tpu.region"() ({
      %run_scoped3A = tpu.sem_alloc : memref<!tpu.dma_semaphore, #tpu.memory_space<semaphore_mem>>
      %dma_start3A = arith.constant 0 : i32
      %dma_start3A_96 = tpu.memref_slice %arg12[%add3A_47, %dma_start3A] : memref<10240x128xf32, #tpu.memory_space<vmem_shared>> -> memref<32x128xf32, #tpu.memory_space<vmem_shared>>
      %dma_start3A_97 = arith.constant 0 : i32
      %dma_start3A_98 = tpu.memref_slice %arg12[%add3A_47, %dma_start3A_97] : memref<10240x128xf32, #tpu.memory_space<vmem_shared>> -> memref<32x128xf32, #tpu.memory_space<vmem_shared>>
      tpu.enqueue_dma source(%arg11 : memref<32x128xf32, #tpu.memory_space<vmem>>) target(%dma_start3A_98 : memref<32x128xf32, #tpu.memory_space<vmem_shared>>) target_semaphore(%run_scoped3A : memref<!tpu.dma_semaphore, #tpu.memory_space<semaphore_mem>>)
      %dma_wait3A = arith.constant 0 : i32
      %dma_wait3A_99 = tpu.memref_slice %arg12[%add3A_47, %dma_wait3A] : memref<10240x128xf32, #tpu.memory_space<vmem_shared>> -> memref<32x128xf32, #tpu.memory_space<vmem_shared>>
      %dma_wait3A_100 = arith.constant 0 : i32
      %dma_wait3A_101 = tpu.memref_slice %arg12[%add3A_47, %dma_wait3A_100] : memref<10240x128xf32, #tpu.memory_space<vmem_shared>> -> memref<32x128xf32, #tpu.memory_space<vmem_shared>>
      tpu.wait_dma2 semaphore(%run_scoped3A : memref<!tpu.dma_semaphore, #tpu.memory_space<semaphore_mem>>) src(%arg11 : memref<32x128xf32, #tpu.memory_space<vmem>>) dst(%dma_wait3A_101 : memref<32x128xf32, #tpu.memory_space<vmem_shared>>)
      tpu.yield
    }) : () -> ()
    %mul3A_48 = arith.constant 640 : i32
    %mul3A_49 = arith.muli %arg1, %mul3A_48 : i32
    %add3A_50 = arith.constant 352 : i32
    %add3A_51 = arith.addi %mul3A_49, %add3A_50 : i32
    "tpu.region"() ({
      %run_scoped3A = tpu.sem_alloc : memref<!tpu.dma_semaphore, #tpu.memory_space<semaphore_mem>>
      %dma_start3A = arith.constant 0 : i32
      %dma_start3A_96 = tpu.memref_slice %arg12[%add3A_51, %dma_start3A] : memref<10240x128xf32, #tpu.memory_space<vmem_shared>> -> memref<32x128xf32, #tpu.memory_space<vmem_shared>>
      %dma_start3A_97 = arith.constant 0 : i32
      %dma_start3A_98 = tpu.memref_slice %arg12[%add3A_51, %dma_start3A_97] : memref<10240x128xf32, #tpu.memory_space<vmem_shared>> -> memref<32x128xf32, #tpu.memory_space<vmem_shared>>
      tpu.enqueue_dma source(%arg11 : memref<32x128xf32, #tpu.memory_space<vmem>>) target(%dma_start3A_98 : memref<32x128xf32, #tpu.memory_space<vmem_shared>>) target_semaphore(%run_scoped3A : memref<!tpu.dma_semaphore, #tpu.memory_space<semaphore_mem>>)
      %dma_wait3A = arith.constant 0 : i32
      %dma_wait3A_99 = tpu.memref_slice %arg12[%add3A_51, %dma_wait3A] : memref<10240x128xf32, #tpu.memory_space<vmem_shared>> -> memref<32x128xf32, #tpu.memory_space<vmem_shared>>
      %dma_wait3A_100 = arith.constant 0 : i32
      %dma_wait3A_101 = tpu.memref_slice %arg12[%add3A_51, %dma_wait3A_100] : memref<10240x128xf32, #tpu.memory_space<vmem_shared>> -> memref<32x128xf32, #tpu.memory_space<vmem_shared>>
      tpu.wait_dma2 semaphore(%run_scoped3A : memref<!tpu.dma_semaphore, #tpu.memory_space<semaphore_mem>>) src(%arg11 : memref<32x128xf32, #tpu.memory_space<vmem>>) dst(%dma_wait3A_101 : memref<32x128xf32, #tpu.memory_space<vmem_shared>>)
      tpu.yield
    }) : () -> ()
    %mul3A_52 = arith.constant 640 : i32
    %mul3A_53 = arith.muli %arg1, %mul3A_52 : i32
    %add3A_54 = arith.constant 384 : i32
    %add3A_55 = arith.addi %mul3A_53, %add3A_54 : i32
    "tpu.region"() ({
      %run_scoped3A = tpu.sem_alloc : memref<!tpu.dma_semaphore, #tpu.memory_space<semaphore_mem>>
      %dma_start3A = arith.constant 0 : i32
      %dma_start3A_96 = tpu.memref_slice %arg12[%add3A_55, %dma_start3A] : memref<10240x128xf32, #tpu.memory_space<vmem_shared>> -> memref<32x128xf32, #tpu.memory_space<vmem_shared>>
      %dma_start3A_97 = arith.constant 0 : i32
      %dma_start3A_98 = tpu.memref_slice %arg12[%add3A_55, %dma_start3A_97] : memref<10240x128xf32, #tpu.memory_space<vmem_shared>> -> memref<32x128xf32, #tpu.memory_space<vmem_shared>>
      tpu.enqueue_dma source(%arg11 : memref<32x128xf32, #tpu.memory_space<vmem>>) target(%dma_start3A_98 : memref<32x128xf32, #tpu.memory_space<vmem_shared>>) target_semaphore(%run_scoped3A : memref<!tpu.dma_semaphore, #tpu.memory_space<semaphore_mem>>)
      %dma_wait3A = arith.constant 0 : i32
      %dma_wait3A_99 = tpu.memref_slice %arg12[%add3A_55, %dma_wait3A] : memref<10240x128xf32, #tpu.memory_space<vmem_shared>> -> memref<32x128xf32, #tpu.memory_space<vmem_shared>>
      %dma_wait3A_100 = arith.constant 0 : i32
      %dma_wait3A_101 = tpu.memref_slice %arg12[%add3A_55, %dma_wait3A_100] : memref<10240x128xf32, #tpu.memory_space<vmem_shared>> -> memref<32x128xf32, #tpu.memory_space<vmem_shared>>
      tpu.wait_dma2 semaphore(%run_scoped3A : memref<!tpu.dma_semaphore, #tpu.memory_space<semaphore_mem>>) src(%arg11 : memref<32x128xf32, #tpu.memory_space<vmem>>) dst(%dma_wait3A_101 : memref<32x128xf32, #tpu.memory_space<vmem_shared>>)
      tpu.yield
    }) : () -> ()
    %mul3A_56 = arith.constant 640 : i32
    %mul3A_57 = arith.muli %arg1, %mul3A_56 : i32
    %add3A_58 = arith.constant 416 : i32
    %add3A_59 = arith.addi %mul3A_57, %add3A_58 : i32
    "tpu.region"() ({
      %run_scoped3A = tpu.sem_alloc : memref<!tpu.dma_semaphore, #tpu.memory_space<semaphore_mem>>
      %dma_start3A = arith.constant 0 : i32
      %dma_start3A_96 = tpu.memref_slice %arg12[%add3A_59, %dma_start3A] : memref<10240x128xf32, #tpu.memory_space<vmem_shared>> -> memref<32x128xf32, #tpu.memory_space<vmem_shared>>
      %dma_start3A_97 = arith.constant 0 : i32
      %dma_start3A_98 = tpu.memref_slice %arg12[%add3A_59, %dma_start3A_97] : memref<10240x128xf32, #tpu.memory_space<vmem_shared>> -> memref<32x128xf32, #tpu.memory_space<vmem_shared>>
      tpu.enqueue_dma source(%arg11 : memref<32x128xf32, #tpu.memory_space<vmem>>) target(%dma_start3A_98 : memref<32x128xf32, #tpu.memory_space<vmem_shared>>) target_semaphore(%run_scoped3A : memref<!tpu.dma_semaphore, #tpu.memory_space<semaphore_mem>>)
      %dma_wait3A = arith.constant 0 : i32
      %dma_wait3A_99 = tpu.memref_slice %arg12[%add3A_59, %dma_wait3A] : memref<10240x128xf32, #tpu.memory_space<vmem_shared>> -> memref<32x128xf32, #tpu.memory_space<vmem_shared>>
      %dma_wait3A_100 = arith.constant 0 : i32
      %dma_wait3A_101 = tpu.memref_slice %arg12[%add3A_59, %dma_wait3A_100] : memref<10240x128xf32, #tpu.memory_space<vmem_shared>> -> memref<32x128xf32, #tpu.memory_space<vmem_shared>>
      tpu.wait_dma2 semaphore(%run_scoped3A : memref<!tpu.dma_semaphore, #tpu.memory_space<semaphore_mem>>) src(%arg11 : memref<32x128xf32, #tpu.memory_space<vmem>>) dst(%dma_wait3A_101 : memref<32x128xf32, #tpu.memory_space<vmem_shared>>)
      tpu.yield
    }) : () -> ()
    %mul3A_60 = arith.constant 640 : i32
    %mul3A_61 = arith.muli %arg1, %mul3A_60 : i32
    %add3A_62 = arith.constant 448 : i32
    %add3A_63 = arith.addi %mul3A_61, %add3A_62 : i32
    "tpu.region"() ({
      %run_scoped3A = tpu.sem_alloc : memref<!tpu.dma_semaphore, #tpu.memory_space<semaphore_mem>>
      %dma_start3A = arith.constant 0 : i32
      %dma_start3A_96 = tpu.memref_slice %arg12[%add3A_63, %dma_start3A] : memref<10240x128xf32, #tpu.memory_space<vmem_shared>> -> memref<32x128xf32, #tpu.memory_space<vmem_shared>>
      %dma_start3A_97 = arith.constant 0 : i32
      %dma_start3A_98 = tpu.memref_slice %arg12[%add3A_63, %dma_start3A_97] : memref<10240x128xf32, #tpu.memory_space<vmem_shared>> -> memref<32x128xf32, #tpu.memory_space<vmem_shared>>
      tpu.enqueue_dma source(%arg11 : memref<32x128xf32, #tpu.memory_space<vmem>>) target(%dma_start3A_98 : memref<32x128xf32, #tpu.memory_space<vmem_shared>>) target_semaphore(%run_scoped3A : memref<!tpu.dma_semaphore, #tpu.memory_space<semaphore_mem>>)
      %dma_wait3A = arith.constant 0 : i32
      %dma_wait3A_99 = tpu.memref_slice %arg12[%add3A_63, %dma_wait3A] : memref<10240x128xf32, #tpu.memory_space<vmem_shared>> -> memref<32x128xf32, #tpu.memory_space<vmem_shared>>
      %dma_wait3A_100 = arith.constant 0 : i32
      %dma_wait3A_101 = tpu.memref_slice %arg12[%add3A_63, %dma_wait3A_100] : memref<10240x128xf32, #tpu.memory_space<vmem_shared>> -> memref<32x128xf32, #tpu.memory_space<vmem_shared>>
      tpu.wait_dma2 semaphore(%run_scoped3A : memref<!tpu.dma_semaphore, #tpu.memory_space<semaphore_mem>>) src(%arg11 : memref<32x128xf32, #tpu.memory_space<vmem>>) dst(%dma_wait3A_101 : memref<32x128xf32, #tpu.memory_space<vmem_shared>>)
      tpu.yield
    }) : () -> ()
    %mul3A_64 = arith.constant 640 : i32
    %mul3A_65 = arith.muli %arg1, %mul3A_64 : i32
    %add3A_66 = arith.constant 480 : i32
    %add3A_67 = arith.addi %mul3A_65, %add3A_66 : i32
    "tpu.region"() ({
      %run_scoped3A = tpu.sem_alloc : memref<!tpu.dma_semaphore, #tpu.memory_space<semaphore_mem>>
      %dma_start3A = arith.constant 0 : i32
      %dma_start3A_96 = tpu.memref_slice %arg12[%add3A_67, %dma_start3A] : memref<10240x128xf32, #tpu.memory_space<vmem_shared>> -> memref<32x128xf32, #tpu.memory_space<vmem_shared>>
      %dma_start3A_97 = arith.constant 0 : i32
      %dma_start3A_98 = tpu.memref_slice %arg12[%add3A_67, %dma_start3A_97] : memref<10240x128xf32, #tpu.memory_space<vmem_shared>> -> memref<32x128xf32, #tpu.memory_space<vmem_shared>>
      tpu.enqueue_dma source(%arg11 : memref<32x128xf32, #tpu.memory_space<vmem>>) target(%dma_start3A_98 : memref<32x128xf32, #tpu.memory_space<vmem_shared>>) target_semaphore(%run_scoped3A : memref<!tpu.dma_semaphore, #tpu.memory_space<semaphore_mem>>)
      %dma_wait3A = arith.constant 0 : i32
      %dma_wait3A_99 = tpu.memref_slice %arg12[%add3A_67, %dma_wait3A] : memref<10240x128xf32, #tpu.memory_space<vmem_shared>> -> memref<32x128xf32, #tpu.memory_space<vmem_shared>>
      %dma_wait3A_100 = arith.constant 0 : i32
      %dma_wait3A_101 = tpu.memref_slice %arg12[%add3A_67, %dma_wait3A_100] : memref<10240x128xf32, #tpu.memory_space<vmem_shared>> -> memref<32x128xf32, #tpu.memory_space<vmem_shared>>
      tpu.wait_dma2 semaphore(%run_scoped3A : memref<!tpu.dma_semaphore, #tpu.memory_space<semaphore_mem>>) src(%arg11 : memref<32x128xf32, #tpu.memory_space<vmem>>) dst(%dma_wait3A_101 : memref<32x128xf32, #tpu.memory_space<vmem_shared>>)
      tpu.yield
    }) : () -> ()
    %mul3A_68 = arith.constant 640 : i32
    %mul3A_69 = arith.muli %arg1, %mul3A_68 : i32
    %add3A_70 = arith.constant 512 : i32
    %add3A_71 = arith.addi %mul3A_69, %add3A_70 : i32
    "tpu.region"() ({
      %run_scoped3A = tpu.sem_alloc : memref<!tpu.dma_semaphore, #tpu.memory_space<semaphore_mem>>
      %dma_start3A = arith.constant 0 : i32
      %dma_start3A_96 = tpu.memref_slice %arg12[%add3A_71, %dma_start3A] : memref<10240x128xf32, #tpu.memory_space<vmem_shared>> -> memref<32x128xf32, #tpu.memory_space<vmem_shared>>
      %dma_start3A_97 = arith.constant 0 : i32
      %dma_start3A_98 = tpu.memref_slice %arg12[%add3A_71, %dma_start3A_97] : memref<10240x128xf32, #tpu.memory_space<vmem_shared>> -> memref<32x128xf32, #tpu.memory_space<vmem_shared>>
      tpu.enqueue_dma source(%arg11 : memref<32x128xf32, #tpu.memory_space<vmem>>) target(%dma_start3A_98 : memref<32x128xf32, #tpu.memory_space<vmem_shared>>) target_semaphore(%run_scoped3A : memref<!tpu.dma_semaphore, #tpu.memory_space<semaphore_mem>>)
      %dma_wait3A = arith.constant 0 : i32
      %dma_wait3A_99 = tpu.memref_slice %arg12[%add3A_71, %dma_wait3A] : memref<10240x128xf32, #tpu.memory_space<vmem_shared>> -> memref<32x128xf32, #tpu.memory_space<vmem_shared>>
      %dma_wait3A_100 = arith.constant 0 : i32
      %dma_wait3A_101 = tpu.memref_slice %arg12[%add3A_71, %dma_wait3A_100] : memref<10240x128xf32, #tpu.memory_space<vmem_shared>> -> memref<32x128xf32, #tpu.memory_space<vmem_shared>>
      tpu.wait_dma2 semaphore(%run_scoped3A : memref<!tpu.dma_semaphore, #tpu.memory_space<semaphore_mem>>) src(%arg11 : memref<32x128xf32, #tpu.memory_space<vmem>>) dst(%dma_wait3A_101 : memref<32x128xf32, #tpu.memory_space<vmem_shared>>)
      tpu.yield
    }) : () -> ()
    %mul3A_72 = arith.constant 640 : i32
    %mul3A_73 = arith.muli %arg1, %mul3A_72 : i32
    %add3A_74 = arith.constant 544 : i32
    %add3A_75 = arith.addi %mul3A_73, %add3A_74 : i32
    "tpu.region"() ({
      %run_scoped3A = tpu.sem_alloc : memref<!tpu.dma_semaphore, #tpu.memory_space<semaphore_mem>>
      %dma_start3A = arith.constant 0 : i32
      %dma_start3A_96 = tpu.memref_slice %arg12[%add3A_75, %dma_start3A] : memref<10240x128xf32, #tpu.memory_space<vmem_shared>> -> memref<32x128xf32, #tpu.memory_space<vmem_shared>>
      %dma_start3A_97 = arith.constant 0 : i32
      %dma_start3A_98 = tpu.memref_slice %arg12[%add3A_75, %dma_start3A_97] : memref<10240x128xf32, #tpu.memory_space<vmem_shared>> -> memref<32x128xf32, #tpu.memory_space<vmem_shared>>
      tpu.enqueue_dma source(%arg11 : memref<32x128xf32, #tpu.memory_space<vmem>>) target(%dma_start3A_98 : memref<32x128xf32, #tpu.memory_space<vmem_shared>>) target_semaphore(%run_scoped3A : memref<!tpu.dma_semaphore, #tpu.memory_space<semaphore_mem>>)
      %dma_wait3A = arith.constant 0 : i32
      %dma_wait3A_99 = tpu.memref_slice %arg12[%add3A_75, %dma_wait3A] : memref<10240x128xf32, #tpu.memory_space<vmem_shared>> -> memref<32x128xf32, #tpu.memory_space<vmem_shared>>
      %dma_wait3A_100 = arith.constant 0 : i32
      %dma_wait3A_101 = tpu.memref_slice %arg12[%add3A_75, %dma_wait3A_100] : memref<10240x128xf32, #tpu.memory_space<vmem_shared>> -> memref<32x128xf32, #tpu.memory_space<vmem_shared>>
      tpu.wait_dma2 semaphore(%run_scoped3A : memref<!tpu.dma_semaphore, #tpu.memory_space<semaphore_mem>>) src(%arg11 : memref<32x128xf32, #tpu.memory_space<vmem>>) dst(%dma_wait3A_101 : memref<32x128xf32, #tpu.memory_space<vmem_shared>>)
      tpu.yield
    }) : () -> ()
    %mul3A_76 = arith.constant 640 : i32
    %mul3A_77 = arith.muli %arg1, %mul3A_76 : i32
    %add3A_78 = arith.constant 576 : i32
    %add3A_79 = arith.addi %mul3A_77, %add3A_78 : i32
    "tpu.region"() ({
      %run_scoped3A = tpu.sem_alloc : memref<!tpu.dma_semaphore, #tpu.memory_space<semaphore_mem>>
      %dma_start3A = arith.constant 0 : i32
      %dma_start3A_96 = tpu.memref_slice %arg12[%add3A_79, %dma_start3A] : memref<10240x128xf32, #tpu.memory_space<vmem_shared>> -> memref<32x128xf32, #tpu.memory_space<vmem_shared>>
      %dma_start3A_97 = arith.constant 0 : i32
      %dma_start3A_98 = tpu.memref_slice %arg12[%add3A_79, %dma_start3A_97] : memref<10240x128xf32, #tpu.memory_space<vmem_shared>> -> memref<32x128xf32, #tpu.memory_space<vmem_shared>>
      tpu.enqueue_dma source(%arg11 : memref<32x128xf32, #tpu.memory_space<vmem>>) target(%dma_start3A_98 : memref<32x128xf32, #tpu.memory_space<vmem_shared>>) target_semaphore(%run_scoped3A : memref<!tpu.dma_semaphore, #tpu.memory_space<semaphore_mem>>)
      %dma_wait3A = arith.constant 0 : i32
      %dma_wait3A_99 = tpu.memref_slice %arg12[%add3A_79, %dma_wait3A] : memref<10240x128xf32, #tpu.memory_space<vmem_shared>> -> memref<32x128xf32, #tpu.memory_space<vmem_shared>>
      %dma_wait3A_100 = arith.constant 0 : i32
      %dma_wait3A_101 = tpu.memref_slice %arg12[%add3A_79, %dma_wait3A_100] : memref<10240x128xf32, #tpu.memory_space<vmem_shared>> -> memref<32x128xf32, #tpu.memory_space<vmem_shared>>
      tpu.wait_dma2 semaphore(%run_scoped3A : memref<!tpu.dma_semaphore, #tpu.memory_space<semaphore_mem>>) src(%arg11 : memref<32x128xf32, #tpu.memory_space<vmem>>) dst(%dma_wait3A_101 : memref<32x128xf32, #tpu.memory_space<vmem_shared>>)
      tpu.yield
    }) : () -> ()
    %mul3A_80 = arith.constant 640 : i32
    %mul3A_81 = arith.muli %arg1, %mul3A_80 : i32
    %add3A_82 = arith.constant 608 : i32
    %add3A_83 = arith.addi %mul3A_81, %add3A_82 : i32
    "tpu.region"() ({
      %run_scoped3A = tpu.sem_alloc : memref<!tpu.dma_semaphore, #tpu.memory_space<semaphore_mem>>
      %dma_start3A = arith.constant 0 : i32
      %dma_start3A_96 = tpu.memref_slice %arg12[%add3A_83, %dma_start3A] : memref<10240x128xf32, #tpu.memory_space<vmem_shared>> -> memref<32x128xf32, #tpu.memory_space<vmem_shared>>
      %dma_start3A_97 = arith.constant 0 : i32
      %dma_start3A_98 = tpu.memref_slice %arg12[%add3A_83, %dma_start3A_97] : memref<10240x128xf32, #tpu.memory_space<vmem_shared>> -> memref<32x128xf32, #tpu.memory_space<vmem_shared>>
      tpu.enqueue_dma source(%arg11 : memref<32x128xf32, #tpu.memory_space<vmem>>) target(%dma_start3A_98 : memref<32x128xf32, #tpu.memory_space<vmem_shared>>) target_semaphore(%run_scoped3A : memref<!tpu.dma_semaphore, #tpu.memory_space<semaphore_mem>>)
      %dma_wait3A = arith.constant 0 : i32
      %dma_wait3A_99 = tpu.memref_slice %arg12[%add3A_83, %dma_wait3A] : memref<10240x128xf32, #tpu.memory_space<vmem_shared>> -> memref<32x128xf32, #tpu.memory_space<vmem_shared>>
      %dma_wait3A_100 = arith.constant 0 : i32
      %dma_wait3A_101 = tpu.memref_slice %arg12[%add3A_83, %dma_wait3A_100] : memref<10240x128xf32, #tpu.memory_space<vmem_shared>> -> memref<32x128xf32, #tpu.memory_space<vmem_shared>>
      tpu.wait_dma2 semaphore(%run_scoped3A : memref<!tpu.dma_semaphore, #tpu.memory_space<semaphore_mem>>) src(%arg11 : memref<32x128xf32, #tpu.memory_space<vmem>>) dst(%dma_wait3A_101 : memref<32x128xf32, #tpu.memory_space<vmem_shared>>)
      tpu.yield
    }) : () -> ()
    %barrier3A = arith.constant 0 : index
    tpu.barrier barrier_id(%barrier3A)
    %eq3A = arith.constant 0 : i32
    %eq3A_84 = arith.cmpi eq, %arg0, %eq3A : i32
    %convert_element_type3A = arith.extui %eq3A_84 : i1 to i32
    %cond3A = arith.constant 0 : i32
    %cond3A_85 = arith.cmpi ne, %convert_element_type3A, %cond3A : i32
    scf.if %cond3A_85 {
      "tpu.region"() ({
        %run_scoped3A = tpu.sem_alloc : memref<!tpu.dma_semaphore, #tpu.memory_space<semaphore_mem>>
        %dma_start3A = arith.constant 0 : i32
        %dma_start3A_102 = arith.constant 0 : i32
        %dma_start3A_103 = tpu.memref_slice %arg8[%dma_start3A, %dma_start3A_102] : memref<112x128xi32, #tpu.memory_space<vmem>> -> memref<112x128xi32, #tpu.memory_space<vmem>>
        %dma_start3A_104 = arith.constant 0 : i32
        %dma_start3A_105 = arith.constant 0 : i32
        %dma_start3A_106 = tpu.memref_slice %arg2[%arg1, %dma_start3A_104, %dma_start3A_105] : memref<16x112x128xi32, #tpu.memory_space<hbm>> -> memref<1x112x128xi32, #tpu.memory_space<hbm>>
        %dma_start3A_107 = tpu.memref_squeeze %dma_start3A_106 : memref<1x112x128xi32, #tpu.memory_space<hbm>> -> memref<112x128xi32, #tpu.memory_space<hbm>>
        %dma_start3A_108 = arith.constant 0 : i32
        %dma_start3A_109 = arith.constant 0 : i32
        %dma_start3A_110 = tpu.memref_slice %arg8[%dma_start3A_108, %dma_start3A_109] : memref<112x128xi32, #tpu.memory_space<vmem>> -> memref<112x128xi32, #tpu.memory_space<vmem>>
        %dma_start3A_111 = arith.constant 0 : i32
        %dma_start3A_112 = arith.constant 0 : i32
        %dma_start3A_113 = tpu.memref_slice %arg2[%arg1, %dma_start3A_111, %dma_start3A_112] : memref<16x112x128xi32, #tpu.memory_space<hbm>> -> memref<1x112x128xi32, #tpu.memory_space<hbm>>
        %dma_start3A_114 = tpu.memref_squeeze %dma_start3A_113 : memref<1x112x128xi32, #tpu.memory_space<hbm>> -> memref<112x128xi32, #tpu.memory_space<hbm>>
        tpu.enqueue_dma source(%dma_start3A_114 : memref<112x128xi32, #tpu.memory_space<hbm>>) target(%dma_start3A_110 : memref<112x128xi32, #tpu.memory_space<vmem>>) target_semaphore(%run_scoped3A : memref<!tpu.dma_semaphore, #tpu.memory_space<semaphore_mem>>)
        %dma_wait3A = arith.constant 0 : i32
        %dma_wait3A_115 = arith.constant 0 : i32
        %dma_wait3A_116 = tpu.memref_slice %arg8[%dma_wait3A, %dma_wait3A_115] : memref<112x128xi32, #tpu.memory_space<vmem>> -> memref<112x128xi32, #tpu.memory_space<vmem>>
        %dma_wait3A_117 = arith.constant 0 : i32
        %dma_wait3A_118 = arith.constant 0 : i32
        %dma_wait3A_119 = tpu.memref_slice %arg2[%arg1, %dma_wait3A_117, %dma_wait3A_118] : memref<16x112x128xi32, #tpu.memory_space<hbm>> -> memref<1x112x128xi32, #tpu.memory_space<hbm>>
        %dma_wait3A_120 = tpu.memref_squeeze %dma_wait3A_119 : memref<1x112x128xi32, #tpu.memory_space<hbm>> -> memref<112x128xi32, #tpu.memory_space<hbm>>
        %dma_wait3A_121 = arith.constant 0 : i32
        %dma_wait3A_122 = arith.constant 0 : i32
        %dma_wait3A_123 = tpu.memref_slice %arg8[%dma_wait3A_121, %dma_wait3A_122] : memref<112x128xi32, #tpu.memory_space<vmem>> -> memref<112x128xi32, #tpu.memory_space<vmem>>
        %dma_wait3A_124 = arith.constant 0 : i32
        %dma_wait3A_125 = arith.constant 0 : i32
        %dma_wait3A_126 = tpu.memref_slice %arg2[%arg1, %dma_wait3A_124, %dma_wait3A_125] : memref<16x112x128xi32, #tpu.memory_space<hbm>> -> memref<1x112x128xi32, #tpu.memory_space<hbm>>
        %dma_wait3A_127 = tpu.memref_squeeze %dma_wait3A_126 : memref<1x112x128xi32, #tpu.memory_space<hbm>> -> memref<112x128xi32, #tpu.memory_space<hbm>>
        tpu.wait_dma2 semaphore(%run_scoped3A : memref<!tpu.dma_semaphore, #tpu.memory_space<semaphore_mem>>) src(%dma_wait3A_127 : memref<112x128xi32, #tpu.memory_space<hbm>>) dst(%dma_wait3A_123 : memref<112x128xi32, #tpu.memory_space<vmem>>)
        tpu.yield
      }) : () -> ()
      "tpu.region"() ({
        %run_scoped3A = tpu.sem_alloc : memref<!tpu.dma_semaphore, #tpu.memory_space<semaphore_mem>>
        %dma_start3A = arith.constant 0 : i32
        %dma_start3A_102 = arith.constant 0 : i32
        %dma_start3A_103 = tpu.memref_slice %arg9[%dma_start3A, %dma_start3A_102] : memref<112x128xi32, #tpu.memory_space<vmem>> -> memref<112x128xi32, #tpu.memory_space<vmem>>
        %dma_start3A_104 = arith.constant 0 : i32
        %dma_start3A_105 = arith.constant 0 : i32
        %dma_start3A_106 = tpu.memref_slice %arg3[%arg1, %dma_start3A_104, %dma_start3A_105] : memref<16x112x128xi32, #tpu.memory_space<hbm>> -> memref<1x112x128xi32, #tpu.memory_space<hbm>>
        %dma_start3A_107 = tpu.memref_squeeze %dma_start3A_106 : memref<1x112x128xi32, #tpu.memory_space<hbm>> -> memref<112x128xi32, #tpu.memory_space<hbm>>
        %dma_start3A_108 = arith.constant 0 : i32
        %dma_start3A_109 = arith.constant 0 : i32
        %dma_start3A_110 = tpu.memref_slice %arg9[%dma_start3A_108, %dma_start3A_109] : memref<112x128xi32, #tpu.memory_space<vmem>> -> memref<112x128xi32, #tpu.memory_space<vmem>>
        %dma_start3A_111 = arith.constant 0 : i32
        %dma_start3A_112 = arith.constant 0 : i32
        %dma_start3A_113 = tpu.memref_slice %arg3[%arg1, %dma_start3A_111, %dma_start3A_112] : memref<16x112x128xi32, #tpu.memory_space<hbm>> -> memref<1x112x128xi32, #tpu.memory_space<hbm>>
        %dma_start3A_114 = tpu.memref_squeeze %dma_start3A_113 : memref<1x112x128xi32, #tpu.memory_space<hbm>> -> memref<112x128xi32, #tpu.memory_space<hbm>>
        tpu.enqueue_dma source(%dma_start3A_114 : memref<112x128xi32, #tpu.memory_space<hbm>>) target(%dma_start3A_110 : memref<112x128xi32, #tpu.memory_space<vmem>>) target_semaphore(%run_scoped3A : memref<!tpu.dma_semaphore, #tpu.memory_space<semaphore_mem>>)
        %dma_wait3A = arith.constant 0 : i32
        %dma_wait3A_115 = arith.constant 0 : i32
        %dma_wait3A_116 = tpu.memref_slice %arg9[%dma_wait3A, %dma_wait3A_115] : memref<112x128xi32, #tpu.memory_space<vmem>> -> memref<112x128xi32, #tpu.memory_space<vmem>>
        %dma_wait3A_117 = arith.constant 0 : i32
        %dma_wait3A_118 = arith.constant 0 : i32
        %dma_wait3A_119 = tpu.memref_slice %arg3[%arg1, %dma_wait3A_117, %dma_wait3A_118] : memref<16x112x128xi32, #tpu.memory_space<hbm>> -> memref<1x112x128xi32, #tpu.memory_space<hbm>>
        %dma_wait3A_120 = tpu.memref_squeeze %dma_wait3A_119 : memref<1x112x128xi32, #tpu.memory_space<hbm>> -> memref<112x128xi32, #tpu.memory_space<hbm>>
        %dma_wait3A_121 = arith.constant 0 : i32
        %dma_wait3A_122 = arith.constant 0 : i32
        %dma_wait3A_123 = tpu.memref_slice %arg9[%dma_wait3A_121, %dma_wait3A_122] : memref<112x128xi32, #tpu.memory_space<vmem>> -> memref<112x128xi32, #tpu.memory_space<vmem>>
        %dma_wait3A_124 = arith.constant 0 : i32
        %dma_wait3A_125 = arith.constant 0 : i32
        %dma_wait3A_126 = tpu.memref_slice %arg3[%arg1, %dma_wait3A_124, %dma_wait3A_125] : memref<16x112x128xi32, #tpu.memory_space<hbm>> -> memref<1x112x128xi32, #tpu.memory_space<hbm>>
        %dma_wait3A_127 = tpu.memref_squeeze %dma_wait3A_126 : memref<1x112x128xi32, #tpu.memory_space<hbm>> -> memref<112x128xi32, #tpu.memory_space<hbm>>
        tpu.wait_dma2 semaphore(%run_scoped3A : memref<!tpu.dma_semaphore, #tpu.memory_space<semaphore_mem>>) src(%dma_wait3A_127 : memref<112x128xi32, #tpu.memory_space<hbm>>) dst(%dma_wait3A_123 : memref<112x128xi32, #tpu.memory_space<vmem>>)
        tpu.yield
      }) : () -> ()
      %scan3A_96 = arith.constant 0 : i32
      %scan3A_97 = arith.constant 0 : i32
      %scan3A_98 = arith.constant 112 : i32
      %scan3A_99 = arith.addi %scan3A_97, %scan3A_98 : i32
      %scan3A_100 = arith.constant 1 : i32
      scf.for %scan3A_102 = %scan3A_97 to %scan3A_99 step %scan3A_100  : i32 {
        %dma_start3A = arith.constant 0 : i32
        %dma_start3A_103 = tpu.memref_slice %arg8[%scan3A_102, %dma_start3A] : memref<112x128xi32, #tpu.memory_space<vmem>> -> memref<1x128xi32, #tpu.memory_space<vmem>>
        %dma_start3A_104 = tpu.memref_squeeze %dma_start3A_103 : memref<1x128xi32, #tpu.memory_space<vmem>> -> memref<128xi32, #tpu.memory_space<vmem>>
        %dma_start3A_105 = arith.constant 0 : i32
        %dma_start3A_106 = arith.constant 0 : i32
        %dma_start3A_107 = tpu.memref_slice %arg6[%dma_start3A_105, %dma_start3A_106] : memref<10000x128xf32, #tpu.memory_space<hbm>> -> memref<10000x128xf32, #tpu.memory_space<hbm>>
        tpu.enqueue_indirect_dma source(%dma_start3A_107 : memref<10000x128xf32, #tpu.memory_space<hbm>>) target(%arg10 : memref<128x128xf32, #tpu.memory_space<vmem>>) offsets(%dma_start3A_104 : memref<128xi32, #tpu.memory_space<vmem>>) semaphore(%arg13 : memref<!tpu.dma_semaphore, #tpu.memory_space<semaphore_mem>>)
        %dma_wait3A = arith.constant 0 : i32
        %dma_wait3A_108 = tpu.memref_slice %arg8[%scan3A_102, %dma_wait3A] : memref<112x128xi32, #tpu.memory_space<vmem>> -> memref<1x128xi32, #tpu.memory_space<vmem>>
        %dma_wait3A_109 = tpu.memref_squeeze %dma_wait3A_108 : memref<1x128xi32, #tpu.memory_space<vmem>> -> memref<128xi32, #tpu.memory_space<vmem>>
        %dma_wait3A_110 = arith.constant 0 : i32
        %dma_wait3A_111 = arith.constant 0 : i32
        %dma_wait3A_112 = tpu.memref_slice %arg6[%dma_wait3A_110, %dma_wait3A_111] : memref<10000x128xf32, #tpu.memory_space<hbm>> -> memref<10000x128xf32, #tpu.memory_space<hbm>>
        tpu.wait_indirect_dma semaphore(%arg13 : memref<!tpu.dma_semaphore, #tpu.memory_space<semaphore_mem>>) src(%dma_wait3A_112 : memref<10000x128xf32, #tpu.memory_space<hbm>>) dst(%arg10 : memref<128x128xf32, #tpu.memory_space<vmem>>)
        "tpu.region"() ({
          %run_scoped3A = tpu.sem_alloc : memref<!tpu.dma_semaphore, #tpu.memory_space<semaphore_mem>>
          %dma_start3A_113 = arith.constant 0 : i32
          %dma_start3A_114 = tpu.memref_slice %arg9[%scan3A_102, %dma_start3A_113] : memref<112x128xi32, #tpu.memory_space<vmem>> -> memref<1x128xi32, #tpu.memory_space<vmem>>
          %dma_start3A_115 = tpu.memref_squeeze %dma_start3A_114 : memref<1x128xi32, #tpu.memory_space<vmem>> -> memref<128xi32, #tpu.memory_space<vmem>>
          %dma_start3A_116 = arith.constant 0 : i32
          %dma_start3A_117 = arith.constant 0 : i32
          %dma_start3A_118 = tpu.memref_slice %arg12[%dma_start3A_116, %dma_start3A_117] : memref<10240x128xf32, #tpu.memory_space<vmem_shared>> -> memref<10240x128xf32, #tpu.memory_space<vmem_shared>>
          tpu.enqueue_indirect_dma source(%arg10 : memref<128x128xf32, #tpu.memory_space<vmem>>) target(%dma_start3A_118 : memref<10240x128xf32, #tpu.memory_space<vmem_shared>>) offsets(%dma_start3A_115 : memref<128xi32, #tpu.memory_space<vmem>>) semaphore(%run_scoped3A : memref<!tpu.dma_semaphore, #tpu.memory_space<semaphore_mem>>) {add = true}
          %dma_wait3A_119 = arith.constant 0 : i32
          %dma_wait3A_120 = tpu.memref_slice %arg9[%scan3A_102, %dma_wait3A_119] : memref<112x128xi32, #tpu.memory_space<vmem>> -> memref<1x128xi32, #tpu.memory_space<vmem>>
          %dma_wait3A_121 = tpu.memref_squeeze %dma_wait3A_120 : memref<1x128xi32, #tpu.memory_space<vmem>> -> memref<128xi32, #tpu.memory_space<vmem>>
          %dma_wait3A_122 = arith.constant 0 : i32
          %dma_wait3A_123 = arith.constant 0 : i32
          %dma_wait3A_124 = tpu.memref_slice %arg12[%dma_wait3A_122, %dma_wait3A_123] : memref<10240x128xf32, #tpu.memory_space<vmem_shared>> -> memref<10240x128xf32, #tpu.memory_space<vmem_shared>>
          tpu.wait_indirect_dma semaphore(%run_scoped3A : memref<!tpu.dma_semaphore, #tpu.memory_space<semaphore_mem>>) src(%arg10 : memref<128x128xf32, #tpu.memory_space<vmem>>) dst(%dma_wait3A_124 : memref<10240x128xf32, #tpu.memory_space<vmem_shared>>)
          tpu.yield
        }) : () -> ()
      }
      %scan3A_101 = arith.constant 112 : i32
    } else {
    }
    %eq3A_86 = arith.constant 1 : i32
    %eq3A_87 = arith.cmpi eq, %arg0, %eq3A_86 : i32
    %convert_element_type3A_88 = arith.extui %eq3A_87 : i1 to i32
    %cond3A_89 = arith.constant 0 : i32
    %cond3A_90 = arith.cmpi ne, %convert_element_type3A_88, %cond3A_89 : i32
    scf.if %cond3A_90 {
      "tpu.region"() ({
        %run_scoped3A = tpu.sem_alloc : memref<!tpu.dma_semaphore, #tpu.memory_space<semaphore_mem>>
        %dma_start3A = arith.constant 0 : i32
        %dma_start3A_102 = arith.constant 0 : i32
        %dma_start3A_103 = tpu.memref_slice %arg8[%dma_start3A, %dma_start3A_102] : memref<112x128xi32, #tpu.memory_space<vmem>> -> memref<46x128xi32, #tpu.memory_space<vmem>>
        %dma_start3A_104 = arith.constant 0 : i32
        %dma_start3A_105 = arith.constant 0 : i32
        %dma_start3A_106 = tpu.memref_slice %arg4[%arg1, %dma_start3A_104, %dma_start3A_105] : memref<16x46x128xi32, #tpu.memory_space<hbm>> -> memref<1x46x128xi32, #tpu.memory_space<hbm>>
        %dma_start3A_107 = tpu.memref_squeeze %dma_start3A_106 : memref<1x46x128xi32, #tpu.memory_space<hbm>> -> memref<46x128xi32, #tpu.memory_space<hbm>>
        %dma_start3A_108 = arith.constant 0 : i32
        %dma_start3A_109 = arith.constant 0 : i32
        %dma_start3A_110 = tpu.memref_slice %arg8[%dma_start3A_108, %dma_start3A_109] : memref<112x128xi32, #tpu.memory_space<vmem>> -> memref<46x128xi32, #tpu.memory_space<vmem>>
        %dma_start3A_111 = arith.constant 0 : i32
        %dma_start3A_112 = arith.constant 0 : i32
        %dma_start3A_113 = tpu.memref_slice %arg4[%arg1, %dma_start3A_111, %dma_start3A_112] : memref<16x46x128xi32, #tpu.memory_space<hbm>> -> memref<1x46x128xi32, #tpu.memory_space<hbm>>
        %dma_start3A_114 = tpu.memref_squeeze %dma_start3A_113 : memref<1x46x128xi32, #tpu.memory_space<hbm>> -> memref<46x128xi32, #tpu.memory_space<hbm>>
        tpu.enqueue_dma source(%dma_start3A_114 : memref<46x128xi32, #tpu.memory_space<hbm>>) target(%dma_start3A_110 : memref<46x128xi32, #tpu.memory_space<vmem>>) target_semaphore(%run_scoped3A : memref<!tpu.dma_semaphore, #tpu.memory_space<semaphore_mem>>)
        %dma_wait3A = arith.constant 0 : i32
        %dma_wait3A_115 = arith.constant 0 : i32
        %dma_wait3A_116 = tpu.memref_slice %arg8[%dma_wait3A, %dma_wait3A_115] : memref<112x128xi32, #tpu.memory_space<vmem>> -> memref<46x128xi32, #tpu.memory_space<vmem>>
        %dma_wait3A_117 = arith.constant 0 : i32
        %dma_wait3A_118 = arith.constant 0 : i32
        %dma_wait3A_119 = tpu.memref_slice %arg4[%arg1, %dma_wait3A_117, %dma_wait3A_118] : memref<16x46x128xi32, #tpu.memory_space<hbm>> -> memref<1x46x128xi32, #tpu.memory_space<hbm>>
        %dma_wait3A_120 = tpu.memref_squeeze %dma_wait3A_119 : memref<1x46x128xi32, #tpu.memory_space<hbm>> -> memref<46x128xi32, #tpu.memory_space<hbm>>
        %dma_wait3A_121 = arith.constant 0 : i32
        %dma_wait3A_122 = arith.constant 0 : i32
        %dma_wait3A_123 = tpu.memref_slice %arg8[%dma_wait3A_121, %dma_wait3A_122] : memref<112x128xi32, #tpu.memory_space<vmem>> -> memref<46x128xi32, #tpu.memory_space<vmem>>
        %dma_wait3A_124 = arith.constant 0 : i32
        %dma_wait3A_125 = arith.constant 0 : i32
        %dma_wait3A_126 = tpu.memref_slice %arg4[%arg1, %dma_wait3A_124, %dma_wait3A_125] : memref<16x46x128xi32, #tpu.memory_space<hbm>> -> memref<1x46x128xi32, #tpu.memory_space<hbm>>
        %dma_wait3A_127 = tpu.memref_squeeze %dma_wait3A_126 : memref<1x46x128xi32, #tpu.memory_space<hbm>> -> memref<46x128xi32, #tpu.memory_space<hbm>>
        tpu.wait_dma2 semaphore(%run_scoped3A : memref<!tpu.dma_semaphore, #tpu.memory_space<semaphore_mem>>) src(%dma_wait3A_127 : memref<46x128xi32, #tpu.memory_space<hbm>>) dst(%dma_wait3A_123 : memref<46x128xi32, #tpu.memory_space<vmem>>)
        tpu.yield
      }) : () -> ()
      "tpu.region"() ({
        %run_scoped3A = tpu.sem_alloc : memref<!tpu.dma_semaphore, #tpu.memory_space<semaphore_mem>>
        %dma_start3A = arith.constant 0 : i32
        %dma_start3A_102 = arith.constant 0 : i32
        %dma_start3A_103 = tpu.memref_slice %arg9[%dma_start3A, %dma_start3A_102] : memref<112x128xi32, #tpu.memory_space<vmem>> -> memref<46x128xi32, #tpu.memory_space<vmem>>
        %dma_start3A_104 = arith.constant 0 : i32
        %dma_start3A_105 = arith.constant 0 : i32
        %dma_start3A_106 = tpu.memref_slice %arg5[%arg1, %dma_start3A_104, %dma_start3A_105] : memref<16x46x128xi32, #tpu.memory_space<hbm>> -> memref<1x46x128xi32, #tpu.memory_space<hbm>>
        %dma_start3A_107 = tpu.memref_squeeze %dma_start3A_106 : memref<1x46x128xi32, #tpu.memory_space<hbm>> -> memref<46x128xi32, #tpu.memory_space<hbm>>
        %dma_start3A_108 = arith.constant 0 : i32
        %dma_start3A_109 = arith.constant 0 : i32
        %dma_start3A_110 = tpu.memref_slice %arg9[%dma_start3A_108, %dma_start3A_109] : memref<112x128xi32, #tpu.memory_space<vmem>> -> memref<46x128xi32, #tpu.memory_space<vmem>>
        %dma_start3A_111 = arith.constant 0 : i32
        %dma_start3A_112 = arith.constant 0 : i32
        %dma_start3A_113 = tpu.memref_slice %arg5[%arg1, %dma_start3A_111, %dma_start3A_112] : memref<16x46x128xi32, #tpu.memory_space<hbm>> -> memref<1x46x128xi32, #tpu.memory_space<hbm>>
        %dma_start3A_114 = tpu.memref_squeeze %dma_start3A_113 : memref<1x46x128xi32, #tpu.memory_space<hbm>> -> memref<46x128xi32, #tpu.memory_space<hbm>>
        tpu.enqueue_dma source(%dma_start3A_114 : memref<46x128xi32, #tpu.memory_space<hbm>>) target(%dma_start3A_110 : memref<46x128xi32, #tpu.memory_space<vmem>>) target_semaphore(%run_scoped3A : memref<!tpu.dma_semaphore, #tpu.memory_space<semaphore_mem>>)
        %dma_wait3A = arith.constant 0 : i32
        %dma_wait3A_115 = arith.constant 0 : i32
        %dma_wait3A_116 = tpu.memref_slice %arg9[%dma_wait3A, %dma_wait3A_115] : memref<112x128xi32, #tpu.memory_space<vmem>> -> memref<46x128xi32, #tpu.memory_space<vmem>>
        %dma_wait3A_117 = arith.constant 0 : i32
        %dma_wait3A_118 = arith.constant 0 : i32
        %dma_wait3A_119 = tpu.memref_slice %arg5[%arg1, %dma_wait3A_117, %dma_wait3A_118] : memref<16x46x128xi32, #tpu.memory_space<hbm>> -> memref<1x46x128xi32, #tpu.memory_space<hbm>>
        %dma_wait3A_120 = tpu.memref_squeeze %dma_wait3A_119 : memref<1x46x128xi32, #tpu.memory_space<hbm>> -> memref<46x128xi32, #tpu.memory_space<hbm>>
        %dma_wait3A_121 = arith.constant 0 : i32
        %dma_wait3A_122 = arith.constant 0 : i32
        %dma_wait3A_123 = tpu.memref_slice %arg9[%dma_wait3A_121, %dma_wait3A_122] : memref<112x128xi32, #tpu.memory_space<vmem>> -> memref<46x128xi32, #tpu.memory_space<vmem>>
        %dma_wait3A_124 = arith.constant 0 : i32
        %dma_wait3A_125 = arith.constant 0 : i32
        %dma_wait3A_126 = tpu.memref_slice %arg5[%arg1, %dma_wait3A_124, %dma_wait3A_125] : memref<16x46x128xi32, #tpu.memory_space<hbm>> -> memref<1x46x128xi32, #tpu.memory_space<hbm>>
        %dma_wait3A_127 = tpu.memref_squeeze %dma_wait3A_126 : memref<1x46x128xi32, #tpu.memory_space<hbm>> -> memref<46x128xi32, #tpu.memory_space<hbm>>
        tpu.wait_dma2 semaphore(%run_scoped3A : memref<!tpu.dma_semaphore, #tpu.memory_space<semaphore_mem>>) src(%dma_wait3A_127 : memref<46x128xi32, #tpu.memory_space<hbm>>) dst(%dma_wait3A_123 : memref<46x128xi32, #tpu.memory_space<vmem>>)
        tpu.yield
      }) : () -> ()
      %scan3A_96 = arith.constant 0 : i32
      %scan3A_97 = arith.constant 0 : i32
      %scan3A_98 = arith.constant 46 : i32
      %scan3A_99 = arith.addi %scan3A_97, %scan3A_98 : i32
      %scan3A_100 = arith.constant 1 : i32
      scf.for %scan3A_102 = %scan3A_97 to %scan3A_99 step %scan3A_100  : i32 {
        %dma_start3A = arith.constant 0 : i32
        %dma_start3A_103 = tpu.memref_slice %arg8[%scan3A_102, %dma_start3A] : memref<112x128xi32, #tpu.memory_space<vmem>> -> memref<1x128xi32, #tpu.memory_space<vmem>>
        %dma_start3A_104 = tpu.memref_squeeze %dma_start3A_103 : memref<1x128xi32, #tpu.memory_space<vmem>> -> memref<128xi32, #tpu.memory_space<vmem>>
        %dma_start3A_105 = arith.constant 0 : i32
        %dma_start3A_106 = arith.constant 0 : i32
        %dma_start3A_107 = tpu.memref_slice %arg6[%dma_start3A_105, %dma_start3A_106] : memref<10000x128xf32, #tpu.memory_space<hbm>> -> memref<10000x128xf32, #tpu.memory_space<hbm>>
        tpu.enqueue_indirect_dma source(%dma_start3A_107 : memref<10000x128xf32, #tpu.memory_space<hbm>>) target(%arg10 : memref<128x128xf32, #tpu.memory_space<vmem>>) offsets(%dma_start3A_104 : memref<128xi32, #tpu.memory_space<vmem>>) semaphore(%arg13 : memref<!tpu.dma_semaphore, #tpu.memory_space<semaphore_mem>>)
        %dma_wait3A = arith.constant 0 : i32
        %dma_wait3A_108 = tpu.memref_slice %arg8[%scan3A_102, %dma_wait3A] : memref<112x128xi32, #tpu.memory_space<vmem>> -> memref<1x128xi32, #tpu.memory_space<vmem>>
        %dma_wait3A_109 = tpu.memref_squeeze %dma_wait3A_108 : memref<1x128xi32, #tpu.memory_space<vmem>> -> memref<128xi32, #tpu.memory_space<vmem>>
        %dma_wait3A_110 = arith.constant 0 : i32
        %dma_wait3A_111 = arith.constant 0 : i32
        %dma_wait3A_112 = tpu.memref_slice %arg6[%dma_wait3A_110, %dma_wait3A_111] : memref<10000x128xf32, #tpu.memory_space<hbm>> -> memref<10000x128xf32, #tpu.memory_space<hbm>>
        tpu.wait_indirect_dma semaphore(%arg13 : memref<!tpu.dma_semaphore, #tpu.memory_space<semaphore_mem>>) src(%dma_wait3A_112 : memref<10000x128xf32, #tpu.memory_space<hbm>>) dst(%arg10 : memref<128x128xf32, #tpu.memory_space<vmem>>)
        "tpu.region"() ({
          %run_scoped3A = tpu.sem_alloc : memref<!tpu.dma_semaphore, #tpu.memory_space<semaphore_mem>>
          %dma_start3A_113 = arith.constant 0 : i32
          %dma_start3A_114 = tpu.memref_slice %arg9[%scan3A_102, %dma_start3A_113] : memref<112x128xi32, #tpu.memory_space<vmem>> -> memref<1x128xi32, #tpu.memory_space<vmem>>
          %dma_start3A_115 = tpu.memref_squeeze %dma_start3A_114 : memref<1x128xi32, #tpu.memory_space<vmem>> -> memref<128xi32, #tpu.memory_space<vmem>>
          %dma_start3A_116 = arith.constant 0 : i32
          %dma_start3A_117 = arith.constant 0 : i32
          %dma_start3A_118 = tpu.memref_slice %arg12[%dma_start3A_116, %dma_start3A_117] : memref<10240x128xf32, #tpu.memory_space<vmem_shared>> -> memref<10240x128xf32, #tpu.memory_space<vmem_shared>>
          tpu.enqueue_indirect_dma source(%arg10 : memref<128x128xf32, #tpu.memory_space<vmem>>) target(%dma_start3A_118 : memref<10240x128xf32, #tpu.memory_space<vmem_shared>>) offsets(%dma_start3A_115 : memref<128xi32, #tpu.memory_space<vmem>>) semaphore(%run_scoped3A : memref<!tpu.dma_semaphore, #tpu.memory_space<semaphore_mem>>) {add = true}
          %dma_wait3A_119 = arith.constant 0 : i32
          %dma_wait3A_120 = tpu.memref_slice %arg9[%scan3A_102, %dma_wait3A_119] : memref<112x128xi32, #tpu.memory_space<vmem>> -> memref<1x128xi32, #tpu.memory_space<vmem>>
          %dma_wait3A_121 = tpu.memref_squeeze %dma_wait3A_120 : memref<1x128xi32, #tpu.memory_space<vmem>> -> memref<128xi32, #tpu.memory_space<vmem>>
          %dma_wait3A_122 = arith.constant 0 : i32
          %dma_wait3A_123 = arith.constant 0 : i32
          %dma_wait3A_124 = tpu.memref_slice %arg12[%dma_wait3A_122, %dma_wait3A_123] : memref<10240x128xf32, #tpu.memory_space<vmem_shared>> -> memref<10240x128xf32, #tpu.memory_space<vmem_shared>>
          tpu.wait_indirect_dma semaphore(%run_scoped3A : memref<!tpu.dma_semaphore, #tpu.memory_space<semaphore_mem>>) src(%arg10 : memref<128x128xf32, #tpu.memory_space<vmem>>) dst(%dma_wait3A_124 : memref<10240x128xf32, #tpu.memory_space<vmem_shared>>)
          tpu.yield
        }) : () -> ()
      }
      %scan3A_101 = arith.constant 46 : i32
    } else {
    }
    %barrier3A_91 = arith.constant 0 : index
    tpu.barrier barrier_id(%barrier3A_91)
    %mul3A_92 = arith.constant 640 : i32
    %mul3A_93 = arith.muli %arg1, %mul3A_92 : i32
    %mul3A_94 = arith.constant 640 : i32
    %mul3A_95 = arith.muli %arg1, %mul3A_94 : i32
    "tpu.region"() ({
      %run_scoped3A = tpu.sem_alloc : memref<!tpu.dma_semaphore, #tpu.memory_space<semaphore_mem>>
      %dma_start3A = arith.constant 0 : i32
      %dma_start3A_96 = tpu.memref_slice %arg7[%arg0, %mul3A_95, %dma_start3A] : memref<2x10240x128xf32, #tpu.memory_space<hbm>> -> memref<1x640x128xf32, #tpu.memory_space<hbm>>
      %dma_start3A_97 = tpu.memref_squeeze %dma_start3A_96 : memref<1x640x128xf32, #tpu.memory_space<hbm>> -> memref<640x128xf32, #tpu.memory_space<hbm>>
      %dma_start3A_98 = arith.constant 0 : i32
      %dma_start3A_99 = tpu.memref_slice %arg12[%mul3A_93, %dma_start3A_98] : memref<10240x128xf32, #tpu.memory_space<vmem_shared>> -> memref<640x128xf32, #tpu.memory_space<vmem_shared>>
      tpu.enqueue_dma source(%dma_start3A_99 : memref<640x128xf32, #tpu.memory_space<vmem_shared>>) target(%dma_start3A_97 : memref<640x128xf32, #tpu.memory_space<hbm>>) target_semaphore(%run_scoped3A : memref<!tpu.dma_semaphore, #tpu.memory_space<semaphore_mem>>)
      %dma_wait3A = arith.constant 0 : i32
      %dma_wait3A_100 = tpu.memref_slice %arg7[%arg0, %mul3A_95, %dma_wait3A] : memref<2x10240x128xf32, #tpu.memory_space<hbm>> -> memref<1x640x128xf32, #tpu.memory_space<hbm>>
      %dma_wait3A_101 = tpu.memref_squeeze %dma_wait3A_100 : memref<1x640x128xf32, #tpu.memory_space<hbm>> -> memref<640x128xf32, #tpu.memory_space<hbm>>
      %dma_wait3A_102 = arith.constant 0 : i32
      %dma_wait3A_103 = tpu.memref_slice %arg12[%mul3A_93, %dma_wait3A_102] : memref<10240x128xf32, #tpu.memory_space<vmem_shared>> -> memref<640x128xf32, #tpu.memory_space<vmem_shared>>
      tpu.wait_dma2 semaphore(%run_scoped3A : memref<!tpu.dma_semaphore, #tpu.memory_space<semaphore_mem>>) src(%dma_wait3A_103 : memref<640x128xf32, #tpu.memory_space<vmem_shared>>) dst(%dma_wait3A_101 : memref<640x128xf32, #tpu.memory_space<hbm>>)
      tpu.yield
    }) : () -> ()
    return
  }
}

#map = affine_map<(d0, d1) -> (0, 0, 0)>
#map1 = affine_map<(d0, d1) -> (0, 0)>
module attributes {stable_mosaic.version = 14 : i64} {
  func.func @_agg(%arg0: i32, %arg1: i32, %arg2: memref<16x112x128xi32, #tpu.memory_space<hbm>>, %arg3: memref<16x112x128xi32, #tpu.memory_space<hbm>>, %arg4: memref<16x46x128xi32, #tpu.memory_space<hbm>>, %arg5: memref<16x46x128xi32, #tpu.memory_space<hbm>>, %arg6: memref<10000x128xf32, #tpu.memory_space<hbm>>, %arg7: memref<2x10240x128xf32, #tpu.memory_space<hbm>>, %arg8: memref<112x128xi32, #tpu.memory_space<vmem>>, %arg9: memref<112x128xi32, #tpu.memory_space<vmem>>, %arg10: memref<128x128xf32, #tpu.memory_space<vmem>>, %arg11: memref<32x128xf32, #tpu.memory_space<vmem>>, %arg12: memref<10240x128xf32, #tpu.memory_space<vmem_shared>>, %arg13: memref<!tpu.dma_semaphore, #tpu.memory_space<semaphore_mem>>) attributes {dimension_semantics = [#tpu.dimension_semantics<core_parallel>, #tpu.dimension_semantics<subcore_parallel>], iteration_bounds = array<i64: 2, 16>, scalar_prefetch = 0 : i64, scratch_operands = 6 : i64, tpu.core_type = #tpu.core_type<sc_vector_subcore>, window_params = [{transform_indices = #map}, {transform_indices = #map}, {transform_indices = #map}, {transform_indices = #map}, {transform_indices = #map1}, {transform_indices = #map}]} {
    %broadcast_in_dim3A = arith.constant 0.000000e+00 : f32
    %broadcast_in_dim3A_0 = vector.broadcast %broadcast_in_dim3A : f32 to vector<16xf32>
    %scan3A = arith.constant 0 : i32
    %scan3A_1 = arith.constant 0 : i32
    %scan3A_2 = arith.constant 256 : i32
    %scan3A_3 = arith.addi %scan3A_1, %scan3A_2 : i32
    %scan3A_4 = arith.constant 1 : i32
    scf.for %scan3A_96 = %scan3A_1 to %scan3A_3 step %scan3A_4  : i32 {
      %jit3A = arith.constant 8 : i32
      %div3A = arith.divsi %scan3A_96, %jit3A : i32
      %sign3A = arith.constant 0 : i32
      %sign3A_97 = arith.cmpi sgt, %scan3A_96, %sign3A : i32
      %sign3A_98 = arith.extui %sign3A_97 : i1 to i32
      %sign3A_99 = arith.constant 0 : i32
      %sign3A_100 = arith.cmpi slt, %scan3A_96, %sign3A_99 : i32
      %sign3A_101 = arith.extui %sign3A_100 : i1 to i32
      %sign3A_102 = arith.subi %sign3A_98, %sign3A_101 : i32
      %sign3A_103 = arith.constant 0 : i32
      %sign3A_104 = arith.cmpi sgt, %jit3A, %sign3A_103 : i32
      %sign3A_105 = arith.extui %sign3A_104 : i1 to i32
      %sign3A_106 = arith.constant 0 : i32
      %sign3A_107 = arith.cmpi slt, %jit3A, %sign3A_106 : i32
      %sign3A_108 = arith.extui %sign3A_107 : i1 to i32
      %sign3A_109 = arith.subi %sign3A_105, %sign3A_108 : i32
      %ne3A = arith.cmpi ne, %sign3A_102, %sign3A_109 : i32
      %rem3A = arith.remsi %scan3A_96, %jit3A : i32
      %ne3A_110 = arith.constant 0 : i32
      %ne3A_111 = arith.cmpi ne, %rem3A, %ne3A_110 : i32
      %and3A = arith.andi %ne3A, %ne3A_111 : i1
      %sub3A = arith.constant 1 : i32
      %sub3A_112 = arith.subi %div3A, %sub3A : i32
      %select_n3A = arith.select %and3A, %sub3A_112, %div3A : i32
      %jit3A_113 = arith.constant 8 : i32
      %eq3A_114 = arith.constant 0 : i32
      %eq3A_115 = arith.cmpi eq, %jit3A_113, %eq3A_114 : i32
      %jit3A_116 = arith.constant 1 : i32
      %select_n3A_117 = arith.select %eq3A_115, %jit3A_116, %jit3A_113 : i32
      %rem3A_118 = arith.remsi %scan3A_96, %select_n3A_117 : i32
      %ne3A_119 = arith.constant 0 : i32
      %ne3A_120 = arith.cmpi ne, %rem3A_118, %ne3A_119 : i32
      %lt3A = arith.constant 0 : i32
      %lt3A_121 = arith.cmpi slt, %rem3A_118, %lt3A : i32
      %lt3A_122 = arith.constant 0 : i32
      %lt3A_123 = arith.cmpi slt, %select_n3A_117, %lt3A_122 : i32
      %ne3A_124 = arith.xori %lt3A_121, %lt3A_123 : i1
      %and3A_125 = arith.andi %ne3A_124, %ne3A_120 : i1
      %add3A_126 = arith.addi %rem3A_118, %select_n3A_117 : i32
      %select_n3A_127 = arith.select %and3A_125, %add3A_126, %rem3A_118 : i32
      %mul3A_128 = arith.constant 16 : i32
      %mul3A_129 = arith.muli %select_n3A_127, %mul3A_128 : i32
      %swap3A = arith.index_cast %select_n3A : i32 to index
      %swap3A_130 = arith.index_cast %mul3A_129 : i32 to index
      %swap3A_131 = tpu.vector_load %arg11[%swap3A, %swap3A_130] {strides = array<i32>} : memref<32x128xf32, #tpu.memory_space<vmem>>, vector<1x16xf32>,
      %swap3A_132 = vector.shape_cast %swap3A_131 : vector<1x16xf32> to vector<16xf32>
      %swap3A_133 = vector.shape_cast %broadcast_in_dim3A_0 : vector<16xf32> to vector<1x16xf32>
      tpu.vector_store %arg11[%swap3A, %swap3A_130], %swap3A_133 {strides = array<i32>} : memref<32x128xf32, #tpu.memory_space<vmem>>, vector<1x16xf32>,
    }
    %scan3A_5 = arith.constant 256 : i32
    %mul3A = arith.constant 640 : i32
    %mul3A_6 = arith.muli %arg1, %mul3A : i32
    %add3A = arith.constant 0 : i32
    %add3A_7 = arith.addi %mul3A_6, %add3A : i32
    "tpu.region"() ({
      %run_scoped3A = tpu.sem_alloc : memref<!tpu.dma_semaphore, #tpu.memory_space<semaphore_mem>>
      %dma_start3A = arith.constant 0 : i32
      %dma_start3A_96 = tpu.memref_slice %arg12[%add3A_7, %dma_start3A] : memref<10240x128xf32, #tpu.memory_space<vmem_shared>> -> memref<32x128xf32, #tpu.memory_space<vmem_shared>>
      %dma_start3A_97 = arith.constant 0 : i32
      %dma_start3A_98 = tpu.memref_slice %arg12[%add3A_7, %dma_start3A_97] : memref<10240x128xf32, #tpu.memory_space<vmem_shared>> -> memref<32x128xf32, #tpu.memory_space<vmem_shared>>
      tpu.enqueue_dma source(%arg11 : memref<32x128xf32, #tpu.memory_space<vmem>>) target(%dma_start3A_98 : memref<32x128xf32, #tpu.memory_space<vmem_shared>>) target_semaphore(%run_scoped3A : memref<!tpu.dma_semaphore, #tpu.memory_space<semaphore_mem>>)
      %dma_wait3A = arith.constant 0 : i32
      %dma_wait3A_99 = tpu.memref_slice %arg12[%add3A_7, %dma_wait3A] : memref<10240x128xf32, #tpu.memory_space<vmem_shared>> -> memref<32x128xf32, #tpu.memory_space<vmem_shared>>
      %dma_wait3A_100 = arith.constant 0 : i32
      %dma_wait3A_101 = tpu.memref_slice %arg12[%add3A_7, %dma_wait3A_100] : memref<10240x128xf32, #tpu.memory_space<vmem_shared>> -> memref<32x128xf32, #tpu.memory_space<vmem_shared>>
      tpu.wait_dma2 semaphore(%run_scoped3A : memref<!tpu.dma_semaphore, #tpu.memory_space<semaphore_mem>>) src(%arg11 : memref<32x128xf32, #tpu.memory_space<vmem>>) dst(%dma_wait3A_101 : memref<32x128xf32, #tpu.memory_space<vmem_shared>>)
      tpu.yield
    }) : () -> ()
    %mul3A_8 = arith.constant 640 : i32
    %mul3A_9 = arith.muli %arg1, %mul3A_8 : i32
    %add3A_10 = arith.constant 32 : i32
    %add3A_11 = arith.addi %mul3A_9, %add3A_10 : i32
    "tpu.region"() ({
      %run_scoped3A = tpu.sem_alloc : memref<!tpu.dma_semaphore, #tpu.memory_space<semaphore_mem>>
      %dma_start3A = arith.constant 0 : i32
      %dma_start3A_96 = tpu.memref_slice %arg12[%add3A_11, %dma_start3A] : memref<10240x128xf32, #tpu.memory_space<vmem_shared>> -> memref<32x128xf32, #tpu.memory_space<vmem_shared>>
      %dma_start3A_97 = arith.constant 0 : i32
      %dma_start3A_98 = tpu.memref_slice %arg12[%add3A_11, %dma_start3A_97] : memref<10240x128xf32, #tpu.memory_space<vmem_shared>> -> memref<32x128xf32, #tpu.memory_space<vmem_shared>>
      tpu.enqueue_dma source(%arg11 : memref<32x128xf32, #tpu.memory_space<vmem>>) target(%dma_start3A_98 : memref<32x128xf32, #tpu.memory_space<vmem_shared>>) target_semaphore(%run_scoped3A : memref<!tpu.dma_semaphore, #tpu.memory_space<semaphore_mem>>)
      %dma_wait3A = arith.constant 0 : i32
      %dma_wait3A_99 = tpu.memref_slice %arg12[%add3A_11, %dma_wait3A] : memref<10240x128xf32, #tpu.memory_space<vmem_shared>> -> memref<32x128xf32, #tpu.memory_space<vmem_shared>>
      %dma_wait3A_100 = arith.constant 0 : i32
      %dma_wait3A_101 = tpu.memref_slice %arg12[%add3A_11, %dma_wait3A_100] : memref<10240x128xf32, #tpu.memory_space<vmem_shared>> -> memref<32x128xf32, #tpu.memory_space<vmem_shared>>
      tpu.wait_dma2 semaphore(%run_scoped3A : memref<!tpu.dma_semaphore, #tpu.memory_space<semaphore_mem>>) src(%arg11 : memref<32x128xf32, #tpu.memory_space<vmem>>) dst(%dma_wait3A_101 : memref<32x128xf32, #tpu.memory_space<vmem_shared>>)
      tpu.yield
    }) : () -> ()
    %mul3A_12 = arith.constant 640 : i32
    %mul3A_13 = arith.muli %arg1, %mul3A_12 : i32
    %add3A_14 = arith.constant 64 : i32
    %add3A_15 = arith.addi %mul3A_13, %add3A_14 : i32
    "tpu.region"() ({
      %run_scoped3A = tpu.sem_alloc : memref<!tpu.dma_semaphore, #tpu.memory_space<semaphore_mem>>
      %dma_start3A = arith.constant 0 : i32
      %dma_start3A_96 = tpu.memref_slice %arg12[%add3A_15, %dma_start3A] : memref<10240x128xf32, #tpu.memory_space<vmem_shared>> -> memref<32x128xf32, #tpu.memory_space<vmem_shared>>
      %dma_start3A_97 = arith.constant 0 : i32
      %dma_start3A_98 = tpu.memref_slice %arg12[%add3A_15, %dma_start3A_97] : memref<10240x128xf32, #tpu.memory_space<vmem_shared>> -> memref<32x128xf32, #tpu.memory_space<vmem_shared>>
      tpu.enqueue_dma source(%arg11 : memref<32x128xf32, #tpu.memory_space<vmem>>) target(%dma_start3A_98 : memref<32x128xf32, #tpu.memory_space<vmem_shared>>) target_semaphore(%run_scoped3A : memref<!tpu.dma_semaphore, #tpu.memory_space<semaphore_mem>>)
      %dma_wait3A = arith.constant 0 : i32
      %dma_wait3A_99 = tpu.memref_slice %arg12[%add3A_15, %dma_wait3A] : memref<10240x128xf32, #tpu.memory_space<vmem_shared>> -> memref<32x128xf32, #tpu.memory_space<vmem_shared>>
      %dma_wait3A_100 = arith.constant 0 : i32
      %dma_wait3A_101 = tpu.memref_slice %arg12[%add3A_15, %dma_wait3A_100] : memref<10240x128xf32, #tpu.memory_space<vmem_shared>> -> memref<32x128xf32, #tpu.memory_space<vmem_shared>>
      tpu.wait_dma2 semaphore(%run_scoped3A : memref<!tpu.dma_semaphore, #tpu.memory_space<semaphore_mem>>) src(%arg11 : memref<32x128xf32, #tpu.memory_space<vmem>>) dst(%dma_wait3A_101 : memref<32x128xf32, #tpu.memory_space<vmem_shared>>)
      tpu.yield
    }) : () -> ()
    %mul3A_16 = arith.constant 640 : i32
    %mul3A_17 = arith.muli %arg1, %mul3A_16 : i32
    %add3A_18 = arith.constant 96 : i32
    %add3A_19 = arith.addi %mul3A_17, %add3A_18 : i32
    "tpu.region"() ({
      %run_scoped3A = tpu.sem_alloc : memref<!tpu.dma_semaphore, #tpu.memory_space<semaphore_mem>>
      %dma_start3A = arith.constant 0 : i32
      %dma_start3A_96 = tpu.memref_slice %arg12[%add3A_19, %dma_start3A] : memref<10240x128xf32, #tpu.memory_space<vmem_shared>> -> memref<32x128xf32, #tpu.memory_space<vmem_shared>>
      %dma_start3A_97 = arith.constant 0 : i32
      %dma_start3A_98 = tpu.memref_slice %arg12[%add3A_19, %dma_start3A_97] : memref<10240x128xf32, #tpu.memory_space<vmem_shared>> -> memref<32x128xf32, #tpu.memory_space<vmem_shared>>
      tpu.enqueue_dma source(%arg11 : memref<32x128xf32, #tpu.memory_space<vmem>>) target(%dma_start3A_98 : memref<32x128xf32, #tpu.memory_space<vmem_shared>>) target_semaphore(%run_scoped3A : memref<!tpu.dma_semaphore, #tpu.memory_space<semaphore_mem>>)
      %dma_wait3A = arith.constant 0 : i32
      %dma_wait3A_99 = tpu.memref_slice %arg12[%add3A_19, %dma_wait3A] : memref<10240x128xf32, #tpu.memory_space<vmem_shared>> -> memref<32x128xf32, #tpu.memory_space<vmem_shared>>
      %dma_wait3A_100 = arith.constant 0 : i32
      %dma_wait3A_101 = tpu.memref_slice %arg12[%add3A_19, %dma_wait3A_100] : memref<10240x128xf32, #tpu.memory_space<vmem_shared>> -> memref<32x128xf32, #tpu.memory_space<vmem_shared>>
      tpu.wait_dma2 semaphore(%run_scoped3A : memref<!tpu.dma_semaphore, #tpu.memory_space<semaphore_mem>>) src(%arg11 : memref<32x128xf32, #tpu.memory_space<vmem>>) dst(%dma_wait3A_101 : memref<32x128xf32, #tpu.memory_space<vmem_shared>>)
      tpu.yield
    }) : () -> ()
    %mul3A_20 = arith.constant 640 : i32
    %mul3A_21 = arith.muli %arg1, %mul3A_20 : i32
    %add3A_22 = arith.constant 128 : i32
    %add3A_23 = arith.addi %mul3A_21, %add3A_22 : i32
    "tpu.region"() ({
      %run_scoped3A = tpu.sem_alloc : memref<!tpu.dma_semaphore, #tpu.memory_space<semaphore_mem>>
      %dma_start3A = arith.constant 0 : i32
      %dma_start3A_96 = tpu.memref_slice %arg12[%add3A_23, %dma_start3A] : memref<10240x128xf32, #tpu.memory_space<vmem_shared>> -> memref<32x128xf32, #tpu.memory_space<vmem_shared>>
      %dma_start3A_97 = arith.constant 0 : i32
      %dma_start3A_98 = tpu.memref_slice %arg12[%add3A_23, %dma_start3A_97] : memref<10240x128xf32, #tpu.memory_space<vmem_shared>> -> memref<32x128xf32, #tpu.memory_space<vmem_shared>>
      tpu.enqueue_dma source(%arg11 : memref<32x128xf32, #tpu.memory_space<vmem>>) target(%dma_start3A_98 : memref<32x128xf32, #tpu.memory_space<vmem_shared>>) target_semaphore(%run_scoped3A : memref<!tpu.dma_semaphore, #tpu.memory_space<semaphore_mem>>)
      %dma_wait3A = arith.constant 0 : i32
      %dma_wait3A_99 = tpu.memref_slice %arg12[%add3A_23, %dma_wait3A] : memref<10240x128xf32, #tpu.memory_space<vmem_shared>> -> memref<32x128xf32, #tpu.memory_space<vmem_shared>>
      %dma_wait3A_100 = arith.constant 0 : i32
      %dma_wait3A_101 = tpu.memref_slice %arg12[%add3A_23, %dma_wait3A_100] : memref<10240x128xf32, #tpu.memory_space<vmem_shared>> -> memref<32x128xf32, #tpu.memory_space<vmem_shared>>
      tpu.wait_dma2 semaphore(%run_scoped3A : memref<!tpu.dma_semaphore, #tpu.memory_space<semaphore_mem>>) src(%arg11 : memref<32x128xf32, #tpu.memory_space<vmem>>) dst(%dma_wait3A_101 : memref<32x128xf32, #tpu.memory_space<vmem_shared>>)
      tpu.yield
    }) : () -> ()
    %mul3A_24 = arith.constant 640 : i32
    %mul3A_25 = arith.muli %arg1, %mul3A_24 : i32
    %add3A_26 = arith.constant 160 : i32
    %add3A_27 = arith.addi %mul3A_25, %add3A_26 : i32
    "tpu.region"() ({
      %run_scoped3A = tpu.sem_alloc : memref<!tpu.dma_semaphore, #tpu.memory_space<semaphore_mem>>
      %dma_start3A = arith.constant 0 : i32
      %dma_start3A_96 = tpu.memref_slice %arg12[%add3A_27, %dma_start3A] : memref<10240x128xf32, #tpu.memory_space<vmem_shared>> -> memref<32x128xf32, #tpu.memory_space<vmem_shared>>
      %dma_start3A_97 = arith.constant 0 : i32
      %dma_start3A_98 = tpu.memref_slice %arg12[%add3A_27, %dma_start3A_97] : memref<10240x128xf32, #tpu.memory_space<vmem_shared>> -> memref<32x128xf32, #tpu.memory_space<vmem_shared>>
      tpu.enqueue_dma source(%arg11 : memref<32x128xf32, #tpu.memory_space<vmem>>) target(%dma_start3A_98 : memref<32x128xf32, #tpu.memory_space<vmem_shared>>) target_semaphore(%run_scoped3A : memref<!tpu.dma_semaphore, #tpu.memory_space<semaphore_mem>>)
      %dma_wait3A = arith.constant 0 : i32
      %dma_wait3A_99 = tpu.memref_slice %arg12[%add3A_27, %dma_wait3A] : memref<10240x128xf32, #tpu.memory_space<vmem_shared>> -> memref<32x128xf32, #tpu.memory_space<vmem_shared>>
      %dma_wait3A_100 = arith.constant 0 : i32
      %dma_wait3A_101 = tpu.memref_slice %arg12[%add3A_27, %dma_wait3A_100] : memref<10240x128xf32, #tpu.memory_space<vmem_shared>> -> memref<32x128xf32, #tpu.memory_space<vmem_shared>>
      tpu.wait_dma2 semaphore(%run_scoped3A : memref<!tpu.dma_semaphore, #tpu.memory_space<semaphore_mem>>) src(%arg11 : memref<32x128xf32, #tpu.memory_space<vmem>>) dst(%dma_wait3A_101 : memref<32x128xf32, #tpu.memory_space<vmem_shared>>)
      tpu.yield
    }) : () -> ()
    %mul3A_28 = arith.constant 640 : i32
    %mul3A_29 = arith.muli %arg1, %mul3A_28 : i32
    %add3A_30 = arith.constant 192 : i32
    %add3A_31 = arith.addi %mul3A_29, %add3A_30 : i32
    "tpu.region"() ({
      %run_scoped3A = tpu.sem_alloc : memref<!tpu.dma_semaphore, #tpu.memory_space<semaphore_mem>>
      %dma_start3A = arith.constant 0 : i32
      %dma_start3A_96 = tpu.memref_slice %arg12[%add3A_31, %dma_start3A] : memref<10240x128xf32, #tpu.memory_space<vmem_shared>> -> memref<32x128xf32, #tpu.memory_space<vmem_shared>>
      %dma_start3A_97 = arith.constant 0 : i32
      %dma_start3A_98 = tpu.memref_slice %arg12[%add3A_31, %dma_start3A_97] : memref<10240x128xf32, #tpu.memory_space<vmem_shared>> -> memref<32x128xf32, #tpu.memory_space<vmem_shared>>
      tpu.enqueue_dma source(%arg11 : memref<32x128xf32, #tpu.memory_space<vmem>>) target(%dma_start3A_98 : memref<32x128xf32, #tpu.memory_space<vmem_shared>>) target_semaphore(%run_scoped3A : memref<!tpu.dma_semaphore, #tpu.memory_space<semaphore_mem>>)
      %dma_wait3A = arith.constant 0 : i32
      %dma_wait3A_99 = tpu.memref_slice %arg12[%add3A_31, %dma_wait3A] : memref<10240x128xf32, #tpu.memory_space<vmem_shared>> -> memref<32x128xf32, #tpu.memory_space<vmem_shared>>
      %dma_wait3A_100 = arith.constant 0 : i32
      %dma_wait3A_101 = tpu.memref_slice %arg12[%add3A_31, %dma_wait3A_100] : memref<10240x128xf32, #tpu.memory_space<vmem_shared>> -> memref<32x128xf32, #tpu.memory_space<vmem_shared>>
      tpu.wait_dma2 semaphore(%run_scoped3A : memref<!tpu.dma_semaphore, #tpu.memory_space<semaphore_mem>>) src(%arg11 : memref<32x128xf32, #tpu.memory_space<vmem>>) dst(%dma_wait3A_101 : memref<32x128xf32, #tpu.memory_space<vmem_shared>>)
      tpu.yield
    }) : () -> ()
    %mul3A_32 = arith.constant 640 : i32
    %mul3A_33 = arith.muli %arg1, %mul3A_32 : i32
    %add3A_34 = arith.constant 224 : i32
    %add3A_35 = arith.addi %mul3A_33, %add3A_34 : i32
    "tpu.region"() ({
      %run_scoped3A = tpu.sem_alloc : memref<!tpu.dma_semaphore, #tpu.memory_space<semaphore_mem>>
      %dma_start3A = arith.constant 0 : i32
      %dma_start3A_96 = tpu.memref_slice %arg12[%add3A_35, %dma_start3A] : memref<10240x128xf32, #tpu.memory_space<vmem_shared>> -> memref<32x128xf32, #tpu.memory_space<vmem_shared>>
      %dma_start3A_97 = arith.constant 0 : i32
      %dma_start3A_98 = tpu.memref_slice %arg12[%add3A_35, %dma_start3A_97] : memref<10240x128xf32, #tpu.memory_space<vmem_shared>> -> memref<32x128xf32, #tpu.memory_space<vmem_shared>>
      tpu.enqueue_dma source(%arg11 : memref<32x128xf32, #tpu.memory_space<vmem>>) target(%dma_start3A_98 : memref<32x128xf32, #tpu.memory_space<vmem_shared>>) target_semaphore(%run_scoped3A : memref<!tpu.dma_semaphore, #tpu.memory_space<semaphore_mem>>)
      %dma_wait3A = arith.constant 0 : i32
      %dma_wait3A_99 = tpu.memref_slice %arg12[%add3A_35, %dma_wait3A] : memref<10240x128xf32, #tpu.memory_space<vmem_shared>> -> memref<32x128xf32, #tpu.memory_space<vmem_shared>>
      %dma_wait3A_100 = arith.constant 0 : i32
      %dma_wait3A_101 = tpu.memref_slice %arg12[%add3A_35, %dma_wait3A_100] : memref<10240x128xf32, #tpu.memory_space<vmem_shared>> -> memref<32x128xf32, #tpu.memory_space<vmem_shared>>
      tpu.wait_dma2 semaphore(%run_scoped3A : memref<!tpu.dma_semaphore, #tpu.memory_space<semaphore_mem>>) src(%arg11 : memref<32x128xf32, #tpu.memory_space<vmem>>) dst(%dma_wait3A_101 : memref<32x128xf32, #tpu.memory_space<vmem_shared>>)
      tpu.yield
    }) : () -> ()
    %mul3A_36 = arith.constant 640 : i32
    %mul3A_37 = arith.muli %arg1, %mul3A_36 : i32
    %add3A_38 = arith.constant 256 : i32
    %add3A_39 = arith.addi %mul3A_37, %add3A_38 : i32
    "tpu.region"() ({
      %run_scoped3A = tpu.sem_alloc : memref<!tpu.dma_semaphore, #tpu.memory_space<semaphore_mem>>
      %dma_start3A = arith.constant 0 : i32
      %dma_start3A_96 = tpu.memref_slice %arg12[%add3A_39, %dma_start3A] : memref<10240x128xf32, #tpu.memory_space<vmem_shared>> -> memref<32x128xf32, #tpu.memory_space<vmem_shared>>
      %dma_start3A_97 = arith.constant 0 : i32
      %dma_start3A_98 = tpu.memref_slice %arg12[%add3A_39, %dma_start3A_97] : memref<10240x128xf32, #tpu.memory_space<vmem_shared>> -> memref<32x128xf32, #tpu.memory_space<vmem_shared>>
      tpu.enqueue_dma source(%arg11 : memref<32x128xf32, #tpu.memory_space<vmem>>) target(%dma_start3A_98 : memref<32x128xf32, #tpu.memory_space<vmem_shared>>) target_semaphore(%run_scoped3A : memref<!tpu.dma_semaphore, #tpu.memory_space<semaphore_mem>>)
      %dma_wait3A = arith.constant 0 : i32
      %dma_wait3A_99 = tpu.memref_slice %arg12[%add3A_39, %dma_wait3A] : memref<10240x128xf32, #tpu.memory_space<vmem_shared>> -> memref<32x128xf32, #tpu.memory_space<vmem_shared>>
      %dma_wait3A_100 = arith.constant 0 : i32
      %dma_wait3A_101 = tpu.memref_slice %arg12[%add3A_39, %dma_wait3A_100] : memref<10240x128xf32, #tpu.memory_space<vmem_shared>> -> memref<32x128xf32, #tpu.memory_space<vmem_shared>>
      tpu.wait_dma2 semaphore(%run_scoped3A : memref<!tpu.dma_semaphore, #tpu.memory_space<semaphore_mem>>) src(%arg11 : memref<32x128xf32, #tpu.memory_space<vmem>>) dst(%dma_wait3A_101 : memref<32x128xf32, #tpu.memory_space<vmem_shared>>)
      tpu.yield
    }) : () -> ()
    %mul3A_40 = arith.constant 640 : i32
    %mul3A_41 = arith.muli %arg1, %mul3A_40 : i32
    %add3A_42 = arith.constant 288 : i32
    %add3A_43 = arith.addi %mul3A_41, %add3A_42 : i32
    "tpu.region"() ({
      %run_scoped3A = tpu.sem_alloc : memref<!tpu.dma_semaphore, #tpu.memory_space<semaphore_mem>>
      %dma_start3A = arith.constant 0 : i32
      %dma_start3A_96 = tpu.memref_slice %arg12[%add3A_43, %dma_start3A] : memref<10240x128xf32, #tpu.memory_space<vmem_shared>> -> memref<32x128xf32, #tpu.memory_space<vmem_shared>>
      %dma_start3A_97 = arith.constant 0 : i32
      %dma_start3A_98 = tpu.memref_slice %arg12[%add3A_43, %dma_start3A_97] : memref<10240x128xf32, #tpu.memory_space<vmem_shared>> -> memref<32x128xf32, #tpu.memory_space<vmem_shared>>
      tpu.enqueue_dma source(%arg11 : memref<32x128xf32, #tpu.memory_space<vmem>>) target(%dma_start3A_98 : memref<32x128xf32, #tpu.memory_space<vmem_shared>>) target_semaphore(%run_scoped3A : memref<!tpu.dma_semaphore, #tpu.memory_space<semaphore_mem>>)
      %dma_wait3A = arith.constant 0 : i32
      %dma_wait3A_99 = tpu.memref_slice %arg12[%add3A_43, %dma_wait3A] : memref<10240x128xf32, #tpu.memory_space<vmem_shared>> -> memref<32x128xf32, #tpu.memory_space<vmem_shared>>
      %dma_wait3A_100 = arith.constant 0 : i32
      %dma_wait3A_101 = tpu.memref_slice %arg12[%add3A_43, %dma_wait3A_100] : memref<10240x128xf32, #tpu.memory_space<vmem_shared>> -> memref<32x128xf32, #tpu.memory_space<vmem_shared>>
      tpu.wait_dma2 semaphore(%run_scoped3A : memref<!tpu.dma_semaphore, #tpu.memory_space<semaphore_mem>>) src(%arg11 : memref<32x128xf32, #tpu.memory_space<vmem>>) dst(%dma_wait3A_101 : memref<32x128xf32, #tpu.memory_space<vmem_shared>>)
      tpu.yield
    }) : () -> ()
    %mul3A_44 = arith.constant 640 : i32
    %mul3A_45 = arith.muli %arg1, %mul3A_44 : i32
    %add3A_46 = arith.constant 320 : i32
    %add3A_47 = arith.addi %mul3A_45, %add3A_46 : i32
    "tpu.region"() ({
      %run_scoped3A = tpu.sem_alloc : memref<!tpu.dma_semaphore, #tpu.memory_space<semaphore_mem>>
      %dma_start3A = arith.constant 0 : i32
      %dma_start3A_96 = tpu.memref_slice %arg12[%add3A_47, %dma_start3A] : memref<10240x128xf32, #tpu.memory_space<vmem_shared>> -> memref<32x128xf32, #tpu.memory_space<vmem_shared>>
      %dma_start3A_97 = arith.constant 0 : i32
      %dma_start3A_98 = tpu.memref_slice %arg12[%add3A_47, %dma_start3A_97] : memref<10240x128xf32, #tpu.memory_space<vmem_shared>> -> memref<32x128xf32, #tpu.memory_space<vmem_shared>>
      tpu.enqueue_dma source(%arg11 : memref<32x128xf32, #tpu.memory_space<vmem>>) target(%dma_start3A_98 : memref<32x128xf32, #tpu.memory_space<vmem_shared>>) target_semaphore(%run_scoped3A : memref<!tpu.dma_semaphore, #tpu.memory_space<semaphore_mem>>)
      %dma_wait3A = arith.constant 0 : i32
      %dma_wait3A_99 = tpu.memref_slice %arg12[%add3A_47, %dma_wait3A] : memref<10240x128xf32, #tpu.memory_space<vmem_shared>> -> memref<32x128xf32, #tpu.memory_space<vmem_shared>>
      %dma_wait3A_100 = arith.constant 0 : i32
      %dma_wait3A_101 = tpu.memref_slice %arg12[%add3A_47, %dma_wait3A_100] : memref<10240x128xf32, #tpu.memory_space<vmem_shared>> -> memref<32x128xf32, #tpu.memory_space<vmem_shared>>
      tpu.wait_dma2 semaphore(%run_scoped3A : memref<!tpu.dma_semaphore, #tpu.memory_space<semaphore_mem>>) src(%arg11 : memref<32x128xf32, #tpu.memory_space<vmem>>) dst(%dma_wait3A_101 : memref<32x128xf32, #tpu.memory_space<vmem_shared>>)
      tpu.yield
    }) : () -> ()
    %mul3A_48 = arith.constant 640 : i32
    %mul3A_49 = arith.muli %arg1, %mul3A_48 : i32
    %add3A_50 = arith.constant 352 : i32
    %add3A_51 = arith.addi %mul3A_49, %add3A_50 : i32
    "tpu.region"() ({
      %run_scoped3A = tpu.sem_alloc : memref<!tpu.dma_semaphore, #tpu.memory_space<semaphore_mem>>
      %dma_start3A = arith.constant 0 : i32
      %dma_start3A_96 = tpu.memref_slice %arg12[%add3A_51, %dma_start3A] : memref<10240x128xf32, #tpu.memory_space<vmem_shared>> -> memref<32x128xf32, #tpu.memory_space<vmem_shared>>
      %dma_start3A_97 = arith.constant 0 : i32
      %dma_start3A_98 = tpu.memref_slice %arg12[%add3A_51, %dma_start3A_97] : memref<10240x128xf32, #tpu.memory_space<vmem_shared>> -> memref<32x128xf32, #tpu.memory_space<vmem_shared>>
      tpu.enqueue_dma source(%arg11 : memref<32x128xf32, #tpu.memory_space<vmem>>) target(%dma_start3A_98 : memref<32x128xf32, #tpu.memory_space<vmem_shared>>) target_semaphore(%run_scoped3A : memref<!tpu.dma_semaphore, #tpu.memory_space<semaphore_mem>>)
      %dma_wait3A = arith.constant 0 : i32
      %dma_wait3A_99 = tpu.memref_slice %arg12[%add3A_51, %dma_wait3A] : memref<10240x128xf32, #tpu.memory_space<vmem_shared>> -> memref<32x128xf32, #tpu.memory_space<vmem_shared>>
      %dma_wait3A_100 = arith.constant 0 : i32
      %dma_wait3A_101 = tpu.memref_slice %arg12[%add3A_51, %dma_wait3A_100] : memref<10240x128xf32, #tpu.memory_space<vmem_shared>> -> memref<32x128xf32, #tpu.memory_space<vmem_shared>>
      tpu.wait_dma2 semaphore(%run_scoped3A : memref<!tpu.dma_semaphore, #tpu.memory_space<semaphore_mem>>) src(%arg11 : memref<32x128xf32, #tpu.memory_space<vmem>>) dst(%dma_wait3A_101 : memref<32x128xf32, #tpu.memory_space<vmem_shared>>)
      tpu.yield
    }) : () -> ()
    %mul3A_52 = arith.constant 640 : i32
    %mul3A_53 = arith.muli %arg1, %mul3A_52 : i32
    %add3A_54 = arith.constant 384 : i32
    %add3A_55 = arith.addi %mul3A_53, %add3A_54 : i32
    "tpu.region"() ({
      %run_scoped3A = tpu.sem_alloc : memref<!tpu.dma_semaphore, #tpu.memory_space<semaphore_mem>>
      %dma_start3A = arith.constant 0 : i32
      %dma_start3A_96 = tpu.memref_slice %arg12[%add3A_55, %dma_start3A] : memref<10240x128xf32, #tpu.memory_space<vmem_shared>> -> memref<32x128xf32, #tpu.memory_space<vmem_shared>>
      %dma_start3A_97 = arith.constant 0 : i32
      %dma_start3A_98 = tpu.memref_slice %arg12[%add3A_55, %dma_start3A_97] : memref<10240x128xf32, #tpu.memory_space<vmem_shared>> -> memref<32x128xf32, #tpu.memory_space<vmem_shared>>
      tpu.enqueue_dma source(%arg11 : memref<32x128xf32, #tpu.memory_space<vmem>>) target(%dma_start3A_98 : memref<32x128xf32, #tpu.memory_space<vmem_shared>>) target_semaphore(%run_scoped3A : memref<!tpu.dma_semaphore, #tpu.memory_space<semaphore_mem>>)
      %dma_wait3A = arith.constant 0 : i32
      %dma_wait3A_99 = tpu.memref_slice %arg12[%add3A_55, %dma_wait3A] : memref<10240x128xf32, #tpu.memory_space<vmem_shared>> -> memref<32x128xf32, #tpu.memory_space<vmem_shared>>
      %dma_wait3A_100 = arith.constant 0 : i32
      %dma_wait3A_101 = tpu.memref_slice %arg12[%add3A_55, %dma_wait3A_100] : memref<10240x128xf32, #tpu.memory_space<vmem_shared>> -> memref<32x128xf32, #tpu.memory_space<vmem_shared>>
      tpu.wait_dma2 semaphore(%run_scoped3A : memref<!tpu.dma_semaphore, #tpu.memory_space<semaphore_mem>>) src(%arg11 : memref<32x128xf32, #tpu.memory_space<vmem>>) dst(%dma_wait3A_101 : memref<32x128xf32, #tpu.memory_space<vmem_shared>>)
      tpu.yield
    }) : () -> ()
    %mul3A_56 = arith.constant 640 : i32
    %mul3A_57 = arith.muli %arg1, %mul3A_56 : i32
    %add3A_58 = arith.constant 416 : i32
    %add3A_59 = arith.addi %mul3A_57, %add3A_58 : i32
    "tpu.region"() ({
      %run_scoped3A = tpu.sem_alloc : memref<!tpu.dma_semaphore, #tpu.memory_space<semaphore_mem>>
      %dma_start3A = arith.constant 0 : i32
      %dma_start3A_96 = tpu.memref_slice %arg12[%add3A_59, %dma_start3A] : memref<10240x128xf32, #tpu.memory_space<vmem_shared>> -> memref<32x128xf32, #tpu.memory_space<vmem_shared>>
      %dma_start3A_97 = arith.constant 0 : i32
      %dma_start3A_98 = tpu.memref_slice %arg12[%add3A_59, %dma_start3A_97] : memref<10240x128xf32, #tpu.memory_space<vmem_shared>> -> memref<32x128xf32, #tpu.memory_space<vmem_shared>>
      tpu.enqueue_dma source(%arg11 : memref<32x128xf32, #tpu.memory_space<vmem>>) target(%dma_start3A_98 : memref<32x128xf32, #tpu.memory_space<vmem_shared>>) target_semaphore(%run_scoped3A : memref<!tpu.dma_semaphore, #tpu.memory_space<semaphore_mem>>)
      %dma_wait3A = arith.constant 0 : i32
      %dma_wait3A_99 = tpu.memref_slice %arg12[%add3A_59, %dma_wait3A] : memref<10240x128xf32, #tpu.memory_space<vmem_shared>> -> memref<32x128xf32, #tpu.memory_space<vmem_shared>>
      %dma_wait3A_100 = arith.constant 0 : i32
      %dma_wait3A_101 = tpu.memref_slice %arg12[%add3A_59, %dma_wait3A_100] : memref<10240x128xf32, #tpu.memory_space<vmem_shared>> -> memref<32x128xf32, #tpu.memory_space<vmem_shared>>
      tpu.wait_dma2 semaphore(%run_scoped3A : memref<!tpu.dma_semaphore, #tpu.memory_space<semaphore_mem>>) src(%arg11 : memref<32x128xf32, #tpu.memory_space<vmem>>) dst(%dma_wait3A_101 : memref<32x128xf32, #tpu.memory_space<vmem_shared>>)
      tpu.yield
    }) : () -> ()
    %mul3A_60 = arith.constant 640 : i32
    %mul3A_61 = arith.muli %arg1, %mul3A_60 : i32
    %add3A_62 = arith.constant 448 : i32
    %add3A_63 = arith.addi %mul3A_61, %add3A_62 : i32
    "tpu.region"() ({
      %run_scoped3A = tpu.sem_alloc : memref<!tpu.dma_semaphore, #tpu.memory_space<semaphore_mem>>
      %dma_start3A = arith.constant 0 : i32
      %dma_start3A_96 = tpu.memref_slice %arg12[%add3A_63, %dma_start3A] : memref<10240x128xf32, #tpu.memory_space<vmem_shared>> -> memref<32x128xf32, #tpu.memory_space<vmem_shared>>
      %dma_start3A_97 = arith.constant 0 : i32
      %dma_start3A_98 = tpu.memref_slice %arg12[%add3A_63, %dma_start3A_97] : memref<10240x128xf32, #tpu.memory_space<vmem_shared>> -> memref<32x128xf32, #tpu.memory_space<vmem_shared>>
      tpu.enqueue_dma source(%arg11 : memref<32x128xf32, #tpu.memory_space<vmem>>) target(%dma_start3A_98 : memref<32x128xf32, #tpu.memory_space<vmem_shared>>) target_semaphore(%run_scoped3A : memref<!tpu.dma_semaphore, #tpu.memory_space<semaphore_mem>>)
      %dma_wait3A = arith.constant 0 : i32
      %dma_wait3A_99 = tpu.memref_slice %arg12[%add3A_63, %dma_wait3A] : memref<10240x128xf32, #tpu.memory_space<vmem_shared>> -> memref<32x128xf32, #tpu.memory_space<vmem_shared>>
      %dma_wait3A_100 = arith.constant 0 : i32
      %dma_wait3A_101 = tpu.memref_slice %arg12[%add3A_63, %dma_wait3A_100] : memref<10240x128xf32, #tpu.memory_space<vmem_shared>> -> memref<32x128xf32, #tpu.memory_space<vmem_shared>>
      tpu.wait_dma2 semaphore(%run_scoped3A : memref<!tpu.dma_semaphore, #tpu.memory_space<semaphore_mem>>) src(%arg11 : memref<32x128xf32, #tpu.memory_space<vmem>>) dst(%dma_wait3A_101 : memref<32x128xf32, #tpu.memory_space<vmem_shared>>)
      tpu.yield
    }) : () -> ()
    %mul3A_64 = arith.constant 640 : i32
    %mul3A_65 = arith.muli %arg1, %mul3A_64 : i32
    %add3A_66 = arith.constant 480 : i32
    %add3A_67 = arith.addi %mul3A_65, %add3A_66 : i32
    "tpu.region"() ({
      %run_scoped3A = tpu.sem_alloc : memref<!tpu.dma_semaphore, #tpu.memory_space<semaphore_mem>>
      %dma_start3A = arith.constant 0 : i32
      %dma_start3A_96 = tpu.memref_slice %arg12[%add3A_67, %dma_start3A] : memref<10240x128xf32, #tpu.memory_space<vmem_shared>> -> memref<32x128xf32, #tpu.memory_space<vmem_shared>>
      %dma_start3A_97 = arith.constant 0 : i32
      %dma_start3A_98 = tpu.memref_slice %arg12[%add3A_67, %dma_start3A_97] : memref<10240x128xf32, #tpu.memory_space<vmem_shared>> -> memref<32x128xf32, #tpu.memory_space<vmem_shared>>
      tpu.enqueue_dma source(%arg11 : memref<32x128xf32, #tpu.memory_space<vmem>>) target(%dma_start3A_98 : memref<32x128xf32, #tpu.memory_space<vmem_shared>>) target_semaphore(%run_scoped3A : memref<!tpu.dma_semaphore, #tpu.memory_space<semaphore_mem>>)
      %dma_wait3A = arith.constant 0 : i32
      %dma_wait3A_99 = tpu.memref_slice %arg12[%add3A_67, %dma_wait3A] : memref<10240x128xf32, #tpu.memory_space<vmem_shared>> -> memref<32x128xf32, #tpu.memory_space<vmem_shared>>
      %dma_wait3A_100 = arith.constant 0 : i32
      %dma_wait3A_101 = tpu.memref_slice %arg12[%add3A_67, %dma_wait3A_100] : memref<10240x128xf32, #tpu.memory_space<vmem_shared>> -> memref<32x128xf32, #tpu.memory_space<vmem_shared>>
      tpu.wait_dma2 semaphore(%run_scoped3A : memref<!tpu.dma_semaphore, #tpu.memory_space<semaphore_mem>>) src(%arg11 : memref<32x128xf32, #tpu.memory_space<vmem>>) dst(%dma_wait3A_101 : memref<32x128xf32, #tpu.memory_space<vmem_shared>>)
      tpu.yield
    }) : () -> ()
    %mul3A_68 = arith.constant 640 : i32
    %mul3A_69 = arith.muli %arg1, %mul3A_68 : i32
    %add3A_70 = arith.constant 512 : i32
    %add3A_71 = arith.addi %mul3A_69, %add3A_70 : i32
    "tpu.region"() ({
      %run_scoped3A = tpu.sem_alloc : memref<!tpu.dma_semaphore, #tpu.memory_space<semaphore_mem>>
      %dma_start3A = arith.constant 0 : i32
      %dma_start3A_96 = tpu.memref_slice %arg12[%add3A_71, %dma_start3A] : memref<10240x128xf32, #tpu.memory_space<vmem_shared>> -> memref<32x128xf32, #tpu.memory_space<vmem_shared>>
      %dma_start3A_97 = arith.constant 0 : i32
      %dma_start3A_98 = tpu.memref_slice %arg12[%add3A_71, %dma_start3A_97] : memref<10240x128xf32, #tpu.memory_space<vmem_shared>> -> memref<32x128xf32, #tpu.memory_space<vmem_shared>>
      tpu.enqueue_dma source(%arg11 : memref<32x128xf32, #tpu.memory_space<vmem>>) target(%dma_start3A_98 : memref<32x128xf32, #tpu.memory_space<vmem_shared>>) target_semaphore(%run_scoped3A : memref<!tpu.dma_semaphore, #tpu.memory_space<semaphore_mem>>)
      %dma_wait3A = arith.constant 0 : i32
      %dma_wait3A_99 = tpu.memref_slice %arg12[%add3A_71, %dma_wait3A] : memref<10240x128xf32, #tpu.memory_space<vmem_shared>> -> memref<32x128xf32, #tpu.memory_space<vmem_shared>>
      %dma_wait3A_100 = arith.constant 0 : i32
      %dma_wait3A_101 = tpu.memref_slice %arg12[%add3A_71, %dma_wait3A_100] : memref<10240x128xf32, #tpu.memory_space<vmem_shared>> -> memref<32x128xf32, #tpu.memory_space<vmem_shared>>
      tpu.wait_dma2 semaphore(%run_scoped3A : memref<!tpu.dma_semaphore, #tpu.memory_space<semaphore_mem>>) src(%arg11 : memref<32x128xf32, #tpu.memory_space<vmem>>) dst(%dma_wait3A_101 : memref<32x128xf32, #tpu.memory_space<vmem_shared>>)
      tpu.yield
    }) : () -> ()
    %mul3A_72 = arith.constant 640 : i32
    %mul3A_73 = arith.muli %arg1, %mul3A_72 : i32
    %add3A_74 = arith.constant 544 : i32
    %add3A_75 = arith.addi %mul3A_73, %add3A_74 : i32
    "tpu.region"() ({
      %run_scoped3A = tpu.sem_alloc : memref<!tpu.dma_semaphore, #tpu.memory_space<semaphore_mem>>
      %dma_start3A = arith.constant 0 : i32
      %dma_start3A_96 = tpu.memref_slice %arg12[%add3A_75, %dma_start3A] : memref<10240x128xf32, #tpu.memory_space<vmem_shared>> -> memref<32x128xf32, #tpu.memory_space<vmem_shared>>
      %dma_start3A_97 = arith.constant 0 : i32
      %dma_start3A_98 = tpu.memref_slice %arg12[%add3A_75, %dma_start3A_97] : memref<10240x128xf32, #tpu.memory_space<vmem_shared>> -> memref<32x128xf32, #tpu.memory_space<vmem_shared>>
      tpu.enqueue_dma source(%arg11 : memref<32x128xf32, #tpu.memory_space<vmem>>) target(%dma_start3A_98 : memref<32x128xf32, #tpu.memory_space<vmem_shared>>) target_semaphore(%run_scoped3A : memref<!tpu.dma_semaphore, #tpu.memory_space<semaphore_mem>>)
      %dma_wait3A = arith.constant 0 : i32
      %dma_wait3A_99 = tpu.memref_slice %arg12[%add3A_75, %dma_wait3A] : memref<10240x128xf32, #tpu.memory_space<vmem_shared>> -> memref<32x128xf32, #tpu.memory_space<vmem_shared>>
      %dma_wait3A_100 = arith.constant 0 : i32
      %dma_wait3A_101 = tpu.memref_slice %arg12[%add3A_75, %dma_wait3A_100] : memref<10240x128xf32, #tpu.memory_space<vmem_shared>> -> memref<32x128xf32, #tpu.memory_space<vmem_shared>>
      tpu.wait_dma2 semaphore(%run_scoped3A : memref<!tpu.dma_semaphore, #tpu.memory_space<semaphore_mem>>) src(%arg11 : memref<32x128xf32, #tpu.memory_space<vmem>>) dst(%dma_wait3A_101 : memref<32x128xf32, #tpu.memory_space<vmem_shared>>)
      tpu.yield
    }) : () -> ()
    %mul3A_76 = arith.constant 640 : i32
    %mul3A_77 = arith.muli %arg1, %mul3A_76 : i32
    %add3A_78 = arith.constant 576 : i32
    %add3A_79 = arith.addi %mul3A_77, %add3A_78 : i32
    "tpu.region"() ({
      %run_scoped3A = tpu.sem_alloc : memref<!tpu.dma_semaphore, #tpu.memory_space<semaphore_mem>>
      %dma_start3A = arith.constant 0 : i32
      %dma_start3A_96 = tpu.memref_slice %arg12[%add3A_79, %dma_start3A] : memref<10240x128xf32, #tpu.memory_space<vmem_shared>> -> memref<32x128xf32, #tpu.memory_space<vmem_shared>>
      %dma_start3A_97 = arith.constant 0 : i32
      %dma_start3A_98 = tpu.memref_slice %arg12[%add3A_79, %dma_start3A_97] : memref<10240x128xf32, #tpu.memory_space<vmem_shared>> -> memref<32x128xf32, #tpu.memory_space<vmem_shared>>
      tpu.enqueue_dma source(%arg11 : memref<32x128xf32, #tpu.memory_space<vmem>>) target(%dma_start3A_98 : memref<32x128xf32, #tpu.memory_space<vmem_shared>>) target_semaphore(%run_scoped3A : memref<!tpu.dma_semaphore, #tpu.memory_space<semaphore_mem>>)
      %dma_wait3A = arith.constant 0 : i32
      %dma_wait3A_99 = tpu.memref_slice %arg12[%add3A_79, %dma_wait3A] : memref<10240x128xf32, #tpu.memory_space<vmem_shared>> -> memref<32x128xf32, #tpu.memory_space<vmem_shared>>
      %dma_wait3A_100 = arith.constant 0 : i32
      %dma_wait3A_101 = tpu.memref_slice %arg12[%add3A_79, %dma_wait3A_100] : memref<10240x128xf32, #tpu.memory_space<vmem_shared>> -> memref<32x128xf32, #tpu.memory_space<vmem_shared>>
      tpu.wait_dma2 semaphore(%run_scoped3A : memref<!tpu.dma_semaphore, #tpu.memory_space<semaphore_mem>>) src(%arg11 : memref<32x128xf32, #tpu.memory_space<vmem>>) dst(%dma_wait3A_101 : memref<32x128xf32, #tpu.memory_space<vmem_shared>>)
      tpu.yield
    }) : () -> ()
    %mul3A_80 = arith.constant 640 : i32
    %mul3A_81 = arith.muli %arg1, %mul3A_80 : i32
    %add3A_82 = arith.constant 608 : i32
    %add3A_83 = arith.addi %mul3A_81, %add3A_82 : i32
    "tpu.region"() ({
      %run_scoped3A = tpu.sem_alloc : memref<!tpu.dma_semaphore, #tpu.memory_space<semaphore_mem>>
      %dma_start3A = arith.constant 0 : i32
      %dma_start3A_96 = tpu.memref_slice %arg12[%add3A_83, %dma_start3A] : memref<10240x128xf32, #tpu.memory_space<vmem_shared>> -> memref<32x128xf32, #tpu.memory_space<vmem_shared>>
      %dma_start3A_97 = arith.constant 0 : i32
      %dma_start3A_98 = tpu.memref_slice %arg12[%add3A_83, %dma_start3A_97] : memref<10240x128xf32, #tpu.memory_space<vmem_shared>> -> memref<32x128xf32, #tpu.memory_space<vmem_shared>>
      tpu.enqueue_dma source(%arg11 : memref<32x128xf32, #tpu.memory_space<vmem>>) target(%dma_start3A_98 : memref<32x128xf32, #tpu.memory_space<vmem_shared>>) target_semaphore(%run_scoped3A : memref<!tpu.dma_semaphore, #tpu.memory_space<semaphore_mem>>)
      %dma_wait3A = arith.constant 0 : i32
      %dma_wait3A_99 = tpu.memref_slice %arg12[%add3A_83, %dma_wait3A] : memref<10240x128xf32, #tpu.memory_space<vmem_shared>> -> memref<32x128xf32, #tpu.memory_space<vmem_shared>>
      %dma_wait3A_100 = arith.constant 0 : i32
      %dma_wait3A_101 = tpu.memref_slice %arg12[%add3A_83, %dma_wait3A_100] : memref<10240x128xf32, #tpu.memory_space<vmem_shared>> -> memref<32x128xf32, #tpu.memory_space<vmem_shared>>
      tpu.wait_dma2 semaphore(%run_scoped3A : memref<!tpu.dma_semaphore, #tpu.memory_space<semaphore_mem>>) src(%arg11 : memref<32x128xf32, #tpu.memory_space<vmem>>) dst(%dma_wait3A_101 : memref<32x128xf32, #tpu.memory_space<vmem_shared>>)
      tpu.yield
    }) : () -> ()
    %barrier3A = arith.constant 0 : index
    tpu.barrier barrier_id(%barrier3A)
    %eq3A = arith.constant 0 : i32
    %eq3A_84 = arith.cmpi eq, %arg0, %eq3A : i32
    %convert_element_type3A = arith.extui %eq3A_84 : i1 to i32
    %cond3A = arith.constant 0 : i32
    %cond3A_85 = arith.cmpi ne, %convert_element_type3A, %cond3A : i32
    scf.if %cond3A_85 {
      "tpu.region"() ({
        %run_scoped3A = tpu.sem_alloc : memref<!tpu.dma_semaphore, #tpu.memory_space<semaphore_mem>>
        %dma_start3A = arith.constant 0 : i32
        %dma_start3A_102 = arith.constant 0 : i32
        %dma_start3A_103 = tpu.memref_slice %arg8[%dma_start3A, %dma_start3A_102] : memref<112x128xi32, #tpu.memory_space<vmem>> -> memref<112x128xi32, #tpu.memory_space<vmem>>
        %dma_start3A_104 = arith.constant 0 : i32
        %dma_start3A_105 = arith.constant 0 : i32
        %dma_start3A_106 = tpu.memref_slice %arg2[%arg1, %dma_start3A_104, %dma_start3A_105] : memref<16x112x128xi32, #tpu.memory_space<hbm>> -> memref<1x112x128xi32, #tpu.memory_space<hbm>>
        %dma_start3A_107 = tpu.memref_squeeze %dma_start3A_106 : memref<1x112x128xi32, #tpu.memory_space<hbm>> -> memref<112x128xi32, #tpu.memory_space<hbm>>
        %dma_start3A_108 = arith.constant 0 : i32
        %dma_start3A_109 = arith.constant 0 : i32
        %dma_start3A_110 = tpu.memref_slice %arg8[%dma_start3A_108, %dma_start3A_109] : memref<112x128xi32, #tpu.memory_space<vmem>> -> memref<112x128xi32, #tpu.memory_space<vmem>>
        %dma_start3A_111 = arith.constant 0 : i32
        %dma_start3A_112 = arith.constant 0 : i32
        %dma_start3A_113 = tpu.memref_slice %arg2[%arg1, %dma_start3A_111, %dma_start3A_112] : memref<16x112x128xi32, #tpu.memory_space<hbm>> -> memref<1x112x128xi32, #tpu.memory_space<hbm>>
        %dma_start3A_114 = tpu.memref_squeeze %dma_start3A_113 : memref<1x112x128xi32, #tpu.memory_space<hbm>> -> memref<112x128xi32, #tpu.memory_space<hbm>>
        tpu.enqueue_dma source(%dma_start3A_114 : memref<112x128xi32, #tpu.memory_space<hbm>>) target(%dma_start3A_110 : memref<112x128xi32, #tpu.memory_space<vmem>>) target_semaphore(%run_scoped3A : memref<!tpu.dma_semaphore, #tpu.memory_space<semaphore_mem>>)
        %dma_wait3A = arith.constant 0 : i32
        %dma_wait3A_115 = arith.constant 0 : i32
        %dma_wait3A_116 = tpu.memref_slice %arg8[%dma_wait3A, %dma_wait3A_115] : memref<112x128xi32, #tpu.memory_space<vmem>> -> memref<112x128xi32, #tpu.memory_space<vmem>>
        %dma_wait3A_117 = arith.constant 0 : i32
        %dma_wait3A_118 = arith.constant 0 : i32
        %dma_wait3A_119 = tpu.memref_slice %arg2[%arg1, %dma_wait3A_117, %dma_wait3A_118] : memref<16x112x128xi32, #tpu.memory_space<hbm>> -> memref<1x112x128xi32, #tpu.memory_space<hbm>>
        %dma_wait3A_120 = tpu.memref_squeeze %dma_wait3A_119 : memref<1x112x128xi32, #tpu.memory_space<hbm>> -> memref<112x128xi32, #tpu.memory_space<hbm>>
        %dma_wait3A_121 = arith.constant 0 : i32
        %dma_wait3A_122 = arith.constant 0 : i32
        %dma_wait3A_123 = tpu.memref_slice %arg8[%dma_wait3A_121, %dma_wait3A_122] : memref<112x128xi32, #tpu.memory_space<vmem>> -> memref<112x128xi32, #tpu.memory_space<vmem>>
        %dma_wait3A_124 = arith.constant 0 : i32
        %dma_wait3A_125 = arith.constant 0 : i32
        %dma_wait3A_126 = tpu.memref_slice %arg2[%arg1, %dma_wait3A_124, %dma_wait3A_125] : memref<16x112x128xi32, #tpu.memory_space<hbm>> -> memref<1x112x128xi32, #tpu.memory_space<hbm>>
        %dma_wait3A_127 = tpu.memref_squeeze %dma_wait3A_126 : memref<1x112x128xi32, #tpu.memory_space<hbm>> -> memref<112x128xi32, #tpu.memory_space<hbm>>
        tpu.wait_dma2 semaphore(%run_scoped3A : memref<!tpu.dma_semaphore, #tpu.memory_space<semaphore_mem>>) src(%dma_wait3A_127 : memref<112x128xi32, #tpu.memory_space<hbm>>) dst(%dma_wait3A_123 : memref<112x128xi32, #tpu.memory_space<vmem>>)
        tpu.yield
      }) : () -> ()
      "tpu.region"() ({
        %run_scoped3A = tpu.sem_alloc : memref<!tpu.dma_semaphore, #tpu.memory_space<semaphore_mem>>
        %dma_start3A = arith.constant 0 : i32
        %dma_start3A_102 = arith.constant 0 : i32
        %dma_start3A_103 = tpu.memref_slice %arg9[%dma_start3A, %dma_start3A_102] : memref<112x128xi32, #tpu.memory_space<vmem>> -> memref<112x128xi32, #tpu.memory_space<vmem>>
        %dma_start3A_104 = arith.constant 0 : i32
        %dma_start3A_105 = arith.constant 0 : i32
        %dma_start3A_106 = tpu.memref_slice %arg3[%arg1, %dma_start3A_104, %dma_start3A_105] : memref<16x112x128xi32, #tpu.memory_space<hbm>> -> memref<1x112x128xi32, #tpu.memory_space<hbm>>
        %dma_start3A_107 = tpu.memref_squeeze %dma_start3A_106 : memref<1x112x128xi32, #tpu.memory_space<hbm>> -> memref<112x128xi32, #tpu.memory_space<hbm>>
        %dma_start3A_108 = arith.constant 0 : i32
        %dma_start3A_109 = arith.constant 0 : i32
        %dma_start3A_110 = tpu.memref_slice %arg9[%dma_start3A_108, %dma_start3A_109] : memref<112x128xi32, #tpu.memory_space<vmem>> -> memref<112x128xi32, #tpu.memory_space<vmem>>
        %dma_start3A_111 = arith.constant 0 : i32
        %dma_start3A_112 = arith.constant 0 : i32
        %dma_start3A_113 = tpu.memref_slice %arg3[%arg1, %dma_start3A_111, %dma_start3A_112] : memref<16x112x128xi32, #tpu.memory_space<hbm>> -> memref<1x112x128xi32, #tpu.memory_space<hbm>>
        %dma_start3A_114 = tpu.memref_squeeze %dma_start3A_113 : memref<1x112x128xi32, #tpu.memory_space<hbm>> -> memref<112x128xi32, #tpu.memory_space<hbm>>
        tpu.enqueue_dma source(%dma_start3A_114 : memref<112x128xi32, #tpu.memory_space<hbm>>) target(%dma_start3A_110 : memref<112x128xi32, #tpu.memory_space<vmem>>) target_semaphore(%run_scoped3A : memref<!tpu.dma_semaphore, #tpu.memory_space<semaphore_mem>>)
        %dma_wait3A = arith.constant 0 : i32
        %dma_wait3A_115 = arith.constant 0 : i32
        %dma_wait3A_116 = tpu.memref_slice %arg9[%dma_wait3A, %dma_wait3A_115] : memref<112x128xi32, #tpu.memory_space<vmem>> -> memref<112x128xi32, #tpu.memory_space<vmem>>
        %dma_wait3A_117 = arith.constant 0 : i32
        %dma_wait3A_118 = arith.constant 0 : i32
        %dma_wait3A_119 = tpu.memref_slice %arg3[%arg1, %dma_wait3A_117, %dma_wait3A_118] : memref<16x112x128xi32, #tpu.memory_space<hbm>> -> memref<1x112x128xi32, #tpu.memory_space<hbm>>
        %dma_wait3A_120 = tpu.memref_squeeze %dma_wait3A_119 : memref<1x112x128xi32, #tpu.memory_space<hbm>> -> memref<112x128xi32, #tpu.memory_space<hbm>>
        %dma_wait3A_121 = arith.constant 0 : i32
        %dma_wait3A_122 = arith.constant 0 : i32
        %dma_wait3A_123 = tpu.memref_slice %arg9[%dma_wait3A_121, %dma_wait3A_122] : memref<112x128xi32, #tpu.memory_space<vmem>> -> memref<112x128xi32, #tpu.memory_space<vmem>>
        %dma_wait3A_124 = arith.constant 0 : i32
        %dma_wait3A_125 = arith.constant 0 : i32
        %dma_wait3A_126 = tpu.memref_slice %arg3[%arg1, %dma_wait3A_124, %dma_wait3A_125] : memref<16x112x128xi32, #tpu.memory_space<hbm>> -> memref<1x112x128xi32, #tpu.memory_space<hbm>>
        %dma_wait3A_127 = tpu.memref_squeeze %dma_wait3A_126 : memref<1x112x128xi32, #tpu.memory_space<hbm>> -> memref<112x128xi32, #tpu.memory_space<hbm>>
        tpu.wait_dma2 semaphore(%run_scoped3A : memref<!tpu.dma_semaphore, #tpu.memory_space<semaphore_mem>>) src(%dma_wait3A_127 : memref<112x128xi32, #tpu.memory_space<hbm>>) dst(%dma_wait3A_123 : memref<112x128xi32, #tpu.memory_space<vmem>>)
        tpu.yield
      }) : () -> ()
      %scan3A_96 = arith.constant 0 : i32
      %scan3A_97 = arith.constant 0 : i32
      %scan3A_98 = arith.constant 112 : i32
      %scan3A_99 = arith.addi %scan3A_97, %scan3A_98 : i32
      %scan3A_100 = arith.constant 1 : i32
      scf.for %scan3A_102 = %scan3A_97 to %scan3A_99 step %scan3A_100  : i32 {
        %dma_start3A = arith.constant 0 : i32
        %dma_start3A_103 = tpu.memref_slice %arg8[%scan3A_102, %dma_start3A] : memref<112x128xi32, #tpu.memory_space<vmem>> -> memref<1x128xi32, #tpu.memory_space<vmem>>
        %dma_start3A_104 = tpu.memref_squeeze %dma_start3A_103 : memref<1x128xi32, #tpu.memory_space<vmem>> -> memref<128xi32, #tpu.memory_space<vmem>>
        %dma_start3A_105 = arith.constant 0 : i32
        %dma_start3A_106 = arith.constant 0 : i32
        %dma_start3A_107 = tpu.memref_slice %arg6[%dma_start3A_105, %dma_start3A_106] : memref<10000x128xf32, #tpu.memory_space<hbm>> -> memref<10000x128xf32, #tpu.memory_space<hbm>>
        tpu.enqueue_indirect_dma source(%dma_start3A_107 : memref<10000x128xf32, #tpu.memory_space<hbm>>) target(%arg10 : memref<128x128xf32, #tpu.memory_space<vmem>>) offsets(%dma_start3A_104 : memref<128xi32, #tpu.memory_space<vmem>>) semaphore(%arg13 : memref<!tpu.dma_semaphore, #tpu.memory_space<semaphore_mem>>)
        %dma_wait3A = arith.constant 0 : i32
        %dma_wait3A_108 = tpu.memref_slice %arg8[%scan3A_102, %dma_wait3A] : memref<112x128xi32, #tpu.memory_space<vmem>> -> memref<1x128xi32, #tpu.memory_space<vmem>>
        %dma_wait3A_109 = tpu.memref_squeeze %dma_wait3A_108 : memref<1x128xi32, #tpu.memory_space<vmem>> -> memref<128xi32, #tpu.memory_space<vmem>>
        %dma_wait3A_110 = arith.constant 0 : i32
        %dma_wait3A_111 = arith.constant 0 : i32
        %dma_wait3A_112 = tpu.memref_slice %arg6[%dma_wait3A_110, %dma_wait3A_111] : memref<10000x128xf32, #tpu.memory_space<hbm>> -> memref<10000x128xf32, #tpu.memory_space<hbm>>
        tpu.wait_indirect_dma semaphore(%arg13 : memref<!tpu.dma_semaphore, #tpu.memory_space<semaphore_mem>>) src(%dma_wait3A_112 : memref<10000x128xf32, #tpu.memory_space<hbm>>) dst(%arg10 : memref<128x128xf32, #tpu.memory_space<vmem>>)
        "tpu.region"() ({
          %run_scoped3A = tpu.sem_alloc : memref<!tpu.dma_semaphore, #tpu.memory_space<semaphore_mem>>
          %dma_start3A_113 = arith.constant 0 : i32
          %dma_start3A_114 = tpu.memref_slice %arg9[%scan3A_102, %dma_start3A_113] : memref<112x128xi32, #tpu.memory_space<vmem>> -> memref<1x128xi32, #tpu.memory_space<vmem>>
          %dma_start3A_115 = tpu.memref_squeeze %dma_start3A_114 : memref<1x128xi32, #tpu.memory_space<vmem>> -> memref<128xi32, #tpu.memory_space<vmem>>
          %dma_start3A_116 = arith.constant 0 : i32
          %dma_start3A_117 = arith.constant 0 : i32
          %dma_start3A_118 = tpu.memref_slice %arg12[%dma_start3A_116, %dma_start3A_117] : memref<10240x128xf32, #tpu.memory_space<vmem_shared>> -> memref<10240x128xf32, #tpu.memory_space<vmem_shared>>
          tpu.enqueue_indirect_dma source(%arg10 : memref<128x128xf32, #tpu.memory_space<vmem>>) target(%dma_start3A_118 : memref<10240x128xf32, #tpu.memory_space<vmem_shared>>) offsets(%dma_start3A_115 : memref<128xi32, #tpu.memory_space<vmem>>) semaphore(%run_scoped3A : memref<!tpu.dma_semaphore, #tpu.memory_space<semaphore_mem>>) {add = true}
          %dma_wait3A_119 = arith.constant 0 : i32
          %dma_wait3A_120 = tpu.memref_slice %arg9[%scan3A_102, %dma_wait3A_119] : memref<112x128xi32, #tpu.memory_space<vmem>> -> memref<1x128xi32, #tpu.memory_space<vmem>>
          %dma_wait3A_121 = tpu.memref_squeeze %dma_wait3A_120 : memref<1x128xi32, #tpu.memory_space<vmem>> -> memref<128xi32, #tpu.memory_space<vmem>>
          %dma_wait3A_122 = arith.constant 0 : i32
          %dma_wait3A_123 = arith.constant 0 : i32
          %dma_wait3A_124 = tpu.memref_slice %arg12[%dma_wait3A_122, %dma_wait3A_123] : memref<10240x128xf32, #tpu.memory_space<vmem_shared>> -> memref<10240x128xf32, #tpu.memory_space<vmem_shared>>
          tpu.wait_indirect_dma semaphore(%run_scoped3A : memref<!tpu.dma_semaphore, #tpu.memory_space<semaphore_mem>>) src(%arg10 : memref<128x128xf32, #tpu.memory_space<vmem>>) dst(%dma_wait3A_124 : memref<10240x128xf32, #tpu.memory_space<vmem_shared>>)
          tpu.yield
        }) : () -> ()
      }
      %scan3A_101 = arith.constant 112 : i32
    } else {
    }
    %eq3A_86 = arith.constant 1 : i32
    %eq3A_87 = arith.cmpi eq, %arg0, %eq3A_86 : i32
    %convert_element_type3A_88 = arith.extui %eq3A_87 : i1 to i32
    %cond3A_89 = arith.constant 0 : i32
    %cond3A_90 = arith.cmpi ne, %convert_element_type3A_88, %cond3A_89 : i32
    scf.if %cond3A_90 {
      "tpu.region"() ({
        %run_scoped3A = tpu.sem_alloc : memref<!tpu.dma_semaphore, #tpu.memory_space<semaphore_mem>>
        %dma_start3A = arith.constant 0 : i32
        %dma_start3A_102 = arith.constant 0 : i32
        %dma_start3A_103 = tpu.memref_slice %arg8[%dma_start3A, %dma_start3A_102] : memref<112x128xi32, #tpu.memory_space<vmem>> -> memref<46x128xi32, #tpu.memory_space<vmem>>
        %dma_start3A_104 = arith.constant 0 : i32
        %dma_start3A_105 = arith.constant 0 : i32
        %dma_start3A_106 = tpu.memref_slice %arg4[%arg1, %dma_start3A_104, %dma_start3A_105] : memref<16x46x128xi32, #tpu.memory_space<hbm>> -> memref<1x46x128xi32, #tpu.memory_space<hbm>>
        %dma_start3A_107 = tpu.memref_squeeze %dma_start3A_106 : memref<1x46x128xi32, #tpu.memory_space<hbm>> -> memref<46x128xi32, #tpu.memory_space<hbm>>
        %dma_start3A_108 = arith.constant 0 : i32
        %dma_start3A_109 = arith.constant 0 : i32
        %dma_start3A_110 = tpu.memref_slice %arg8[%dma_start3A_108, %dma_start3A_109] : memref<112x128xi32, #tpu.memory_space<vmem>> -> memref<46x128xi32, #tpu.memory_space<vmem>>
        %dma_start3A_111 = arith.constant 0 : i32
        %dma_start3A_112 = arith.constant 0 : i32
        %dma_start3A_113 = tpu.memref_slice %arg4[%arg1, %dma_start3A_111, %dma_start3A_112] : memref<16x46x128xi32, #tpu.memory_space<hbm>> -> memref<1x46x128xi32, #tpu.memory_space<hbm>>
        %dma_start3A_114 = tpu.memref_squeeze %dma_start3A_113 : memref<1x46x128xi32, #tpu.memory_space<hbm>> -> memref<46x128xi32, #tpu.memory_space<hbm>>
        tpu.enqueue_dma source(%dma_start3A_114 : memref<46x128xi32, #tpu.memory_space<hbm>>) target(%dma_start3A_110 : memref<46x128xi32, #tpu.memory_space<vmem>>) target_semaphore(%run_scoped3A : memref<!tpu.dma_semaphore, #tpu.memory_space<semaphore_mem>>)
        %dma_wait3A = arith.constant 0 : i32
        %dma_wait3A_115 = arith.constant 0 : i32
        %dma_wait3A_116 = tpu.memref_slice %arg8[%dma_wait3A, %dma_wait3A_115] : memref<112x128xi32, #tpu.memory_space<vmem>> -> memref<46x128xi32, #tpu.memory_space<vmem>>
        %dma_wait3A_117 = arith.constant 0 : i32
        %dma_wait3A_118 = arith.constant 0 : i32
        %dma_wait3A_119 = tpu.memref_slice %arg4[%arg1, %dma_wait3A_117, %dma_wait3A_118] : memref<16x46x128xi32, #tpu.memory_space<hbm>> -> memref<1x46x128xi32, #tpu.memory_space<hbm>>
        %dma_wait3A_120 = tpu.memref_squeeze %dma_wait3A_119 : memref<1x46x128xi32, #tpu.memory_space<hbm>> -> memref<46x128xi32, #tpu.memory_space<hbm>>
        %dma_wait3A_121 = arith.constant 0 : i32
        %dma_wait3A_122 = arith.constant 0 : i32
        %dma_wait3A_123 = tpu.memref_slice %arg8[%dma_wait3A_121, %dma_wait3A_122] : memref<112x128xi32, #tpu.memory_space<vmem>> -> memref<46x128xi32, #tpu.memory_space<vmem>>
        %dma_wait3A_124 = arith.constant 0 : i32
        %dma_wait3A_125 = arith.constant 0 : i32
        %dma_wait3A_126 = tpu.memref_slice %arg4[%arg1, %dma_wait3A_124, %dma_wait3A_125] : memref<16x46x128xi32, #tpu.memory_space<hbm>> -> memref<1x46x128xi32, #tpu.memory_space<hbm>>
        %dma_wait3A_127 = tpu.memref_squeeze %dma_wait3A_126 : memref<1x46x128xi32, #tpu.memory_space<hbm>> -> memref<46x128xi32, #tpu.memory_space<hbm>>
        tpu.wait_dma2 semaphore(%run_scoped3A : memref<!tpu.dma_semaphore, #tpu.memory_space<semaphore_mem>>) src(%dma_wait3A_127 : memref<46x128xi32, #tpu.memory_space<hbm>>) dst(%dma_wait3A_123 : memref<46x128xi32, #tpu.memory_space<vmem>>)
        tpu.yield
      }) : () -> ()
      "tpu.region"() ({
        %run_scoped3A = tpu.sem_alloc : memref<!tpu.dma_semaphore, #tpu.memory_space<semaphore_mem>>
        %dma_start3A = arith.constant 0 : i32
        %dma_start3A_102 = arith.constant 0 : i32
        %dma_start3A_103 = tpu.memref_slice %arg9[%dma_start3A, %dma_start3A_102] : memref<112x128xi32, #tpu.memory_space<vmem>> -> memref<46x128xi32, #tpu.memory_space<vmem>>
        %dma_start3A_104 = arith.constant 0 : i32
        %dma_start3A_105 = arith.constant 0 : i32
        %dma_start3A_106 = tpu.memref_slice %arg5[%arg1, %dma_start3A_104, %dma_start3A_105] : memref<16x46x128xi32, #tpu.memory_space<hbm>> -> memref<1x46x128xi32, #tpu.memory_space<hbm>>
        %dma_start3A_107 = tpu.memref_squeeze %dma_start3A_106 : memref<1x46x128xi32, #tpu.memory_space<hbm>> -> memref<46x128xi32, #tpu.memory_space<hbm>>
        %dma_start3A_108 = arith.constant 0 : i32
        %dma_start3A_109 = arith.constant 0 : i32
        %dma_start3A_110 = tpu.memref_slice %arg9[%dma_start3A_108, %dma_start3A_109] : memref<112x128xi32, #tpu.memory_space<vmem>> -> memref<46x128xi32, #tpu.memory_space<vmem>>
        %dma_start3A_111 = arith.constant 0 : i32
        %dma_start3A_112 = arith.constant 0 : i32
        %dma_start3A_113 = tpu.memref_slice %arg5[%arg1, %dma_start3A_111, %dma_start3A_112] : memref<16x46x128xi32, #tpu.memory_space<hbm>> -> memref<1x46x128xi32, #tpu.memory_space<hbm>>
        %dma_start3A_114 = tpu.memref_squeeze %dma_start3A_113 : memref<1x46x128xi32, #tpu.memory_space<hbm>> -> memref<46x128xi32, #tpu.memory_space<hbm>>
        tpu.enqueue_dma source(%dma_start3A_114 : memref<46x128xi32, #tpu.memory_space<hbm>>) target(%dma_start3A_110 : memref<46x128xi32, #tpu.memory_space<vmem>>) target_semaphore(%run_scoped3A : memref<!tpu.dma_semaphore, #tpu.memory_space<semaphore_mem>>)
        %dma_wait3A = arith.constant 0 : i32
        %dma_wait3A_115 = arith.constant 0 : i32
        %dma_wait3A_116 = tpu.memref_slice %arg9[%dma_wait3A, %dma_wait3A_115] : memref<112x128xi32, #tpu.memory_space<vmem>> -> memref<46x128xi32, #tpu.memory_space<vmem>>
        %dma_wait3A_117 = arith.constant 0 : i32
        %dma_wait3A_118 = arith.constant 0 : i32
        %dma_wait3A_119 = tpu.memref_slice %arg5[%arg1, %dma_wait3A_117, %dma_wait3A_118] : memref<16x46x128xi32, #tpu.memory_space<hbm>> -> memref<1x46x128xi32, #tpu.memory_space<hbm>>
        %dma_wait3A_120 = tpu.memref_squeeze %dma_wait3A_119 : memref<1x46x128xi32, #tpu.memory_space<hbm>> -> memref<46x128xi32, #tpu.memory_space<hbm>>
        %dma_wait3A_121 = arith.constant 0 : i32
        %dma_wait3A_122 = arith.constant 0 : i32
        %dma_wait3A_123 = tpu.memref_slice %arg9[%dma_wait3A_121, %dma_wait3A_122] : memref<112x128xi32, #tpu.memory_space<vmem>> -> memref<46x128xi32, #tpu.memory_space<vmem>>
        %dma_wait3A_124 = arith.constant 0 : i32
        %dma_wait3A_125 = arith.constant 0 : i32
        %dma_wait3A_126 = tpu.memref_slice %arg5[%arg1, %dma_wait3A_124, %dma_wait3A_125] : memref<16x46x128xi32, #tpu.memory_space<hbm>> -> memref<1x46x128xi32, #tpu.memory_space<hbm>>
        %dma_wait3A_127 = tpu.memref_squeeze %dma_wait3A_126 : memref<1x46x128xi32, #tpu.memory_space<hbm>> -> memref<46x128xi32, #tpu.memory_space<hbm>>
        tpu.wait_dma2 semaphore(%run_scoped3A : memref<!tpu.dma_semaphore, #tpu.memory_space<semaphore_mem>>) src(%dma_wait3A_127 : memref<46x128xi32, #tpu.memory_space<hbm>>) dst(%dma_wait3A_123 : memref<46x128xi32, #tpu.memory_space<vmem>>)
        tpu.yield
      }) : () -> ()
      %scan3A_96 = arith.constant 0 : i32
      %scan3A_97 = arith.constant 0 : i32
      %scan3A_98 = arith.constant 46 : i32
      %scan3A_99 = arith.addi %scan3A_97, %scan3A_98 : i32
      %scan3A_100 = arith.constant 1 : i32
      scf.for %scan3A_102 = %scan3A_97 to %scan3A_99 step %scan3A_100  : i32 {
        %dma_start3A = arith.constant 0 : i32
        %dma_start3A_103 = tpu.memref_slice %arg8[%scan3A_102, %dma_start3A] : memref<112x128xi32, #tpu.memory_space<vmem>> -> memref<1x128xi32, #tpu.memory_space<vmem>>
        %dma_start3A_104 = tpu.memref_squeeze %dma_start3A_103 : memref<1x128xi32, #tpu.memory_space<vmem>> -> memref<128xi32, #tpu.memory_space<vmem>>
        %dma_start3A_105 = arith.constant 0 : i32
        %dma_start3A_106 = arith.constant 0 : i32
        %dma_start3A_107 = tpu.memref_slice %arg6[%dma_start3A_105, %dma_start3A_106] : memref<10000x128xf32, #tpu.memory_space<hbm>> -> memref<10000x128xf32, #tpu.memory_space<hbm>>
        tpu.enqueue_indirect_dma source(%dma_start3A_107 : memref<10000x128xf32, #tpu.memory_space<hbm>>) target(%arg10 : memref<128x128xf32, #tpu.memory_space<vmem>>) offsets(%dma_start3A_104 : memref<128xi32, #tpu.memory_space<vmem>>) semaphore(%arg13 : memref<!tpu.dma_semaphore, #tpu.memory_space<semaphore_mem>>)
        %dma_wait3A = arith.constant 0 : i32
        %dma_wait3A_108 = tpu.memref_slice %arg8[%scan3A_102, %dma_wait3A] : memref<112x128xi32, #tpu.memory_space<vmem>> -> memref<1x128xi32, #tpu.memory_space<vmem>>
        %dma_wait3A_109 = tpu.memref_squeeze %dma_wait3A_108 : memref<1x128xi32, #tpu.memory_space<vmem>> -> memref<128xi32, #tpu.memory_space<vmem>>
        %dma_wait3A_110 = arith.constant 0 : i32
        %dma_wait3A_111 = arith.constant 0 : i32
        %dma_wait3A_112 = tpu.memref_slice %arg6[%dma_wait3A_110, %dma_wait3A_111] : memref<10000x128xf32, #tpu.memory_space<hbm>> -> memref<10000x128xf32, #tpu.memory_space<hbm>>
        tpu.wait_indirect_dma semaphore(%arg13 : memref<!tpu.dma_semaphore, #tpu.memory_space<semaphore_mem>>) src(%dma_wait3A_112 : memref<10000x128xf32, #tpu.memory_space<hbm>>) dst(%arg10 : memref<128x128xf32, #tpu.memory_space<vmem>>)
        "tpu.region"() ({
          %run_scoped3A = tpu.sem_alloc : memref<!tpu.dma_semaphore, #tpu.memory_space<semaphore_mem>>
          %dma_start3A_113 = arith.constant 0 : i32
          %dma_start3A_114 = tpu.memref_slice %arg9[%scan3A_102, %dma_start3A_113] : memref<112x128xi32, #tpu.memory_space<vmem>> -> memref<1x128xi32, #tpu.memory_space<vmem>>
          %dma_start3A_115 = tpu.memref_squeeze %dma_start3A_114 : memref<1x128xi32, #tpu.memory_space<vmem>> -> memref<128xi32, #tpu.memory_space<vmem>>
          %dma_start3A_116 = arith.constant 0 : i32
          %dma_start3A_117 = arith.constant 0 : i32
          %dma_start3A_118 = tpu.memref_slice %arg12[%dma_start3A_116, %dma_start3A_117] : memref<10240x128xf32, #tpu.memory_space<vmem_shared>> -> memref<10240x128xf32, #tpu.memory_space<vmem_shared>>
          tpu.enqueue_indirect_dma source(%arg10 : memref<128x128xf32, #tpu.memory_space<vmem>>) target(%dma_start3A_118 : memref<10240x128xf32, #tpu.memory_space<vmem_shared>>) offsets(%dma_start3A_115 : memref<128xi32, #tpu.memory_space<vmem>>) semaphore(%run_scoped3A : memref<!tpu.dma_semaphore, #tpu.memory_space<semaphore_mem>>) {add = true}
          %dma_wait3A_119 = arith.constant 0 : i32
          %dma_wait3A_120 = tpu.memref_slice %arg9[%scan3A_102, %dma_wait3A_119] : memref<112x128xi32, #tpu.memory_space<vmem>> -> memref<1x128xi32, #tpu.memory_space<vmem>>
          %dma_wait3A_121 = tpu.memref_squeeze %dma_wait3A_120 : memref<1x128xi32, #tpu.memory_space<vmem>> -> memref<128xi32, #tpu.memory_space<vmem>>
          %dma_wait3A_122 = arith.constant 0 : i32
          %dma_wait3A_123 = arith.constant 0 : i32
          %dma_wait3A_124 = tpu.memref_slice %arg12[%dma_wait3A_122, %dma_wait3A_123] : memref<10240x128xf32, #tpu.memory_space<vmem_shared>> -> memref<10240x128xf32, #tpu.memory_space<vmem_shared>>
          tpu.wait_indirect_dma semaphore(%run_scoped3A : memref<!tpu.dma_semaphore, #tpu.memory_space<semaphore_mem>>) src(%arg10 : memref<128x128xf32, #tpu.memory_space<vmem>>) dst(%dma_wait3A_124 : memref<10240x128xf32, #tpu.memory_space<vmem_shared>>)
          tpu.yield
        }) : () -> ()
      }
      %scan3A_101 = arith.constant 46 : i32
    } else {
    }
    %barrier3A_91 = arith.constant 0 : index
    tpu.barrier barrier_id(%barrier3A_91)
    %mul3A_92 = arith.constant 640 : i32
    %mul3A_93 = arith.muli %arg1, %mul3A_92 : i32
    %mul3A_94 = arith.constant 640 : i32
    %mul3A_95 = arith.muli %arg1, %mul3A_94 : i32
    "tpu.region"() ({
      %run_scoped3A = tpu.sem_alloc : memref<!tpu.dma_semaphore, #tpu.memory_space<semaphore_mem>>
      %dma_start3A = arith.constant 0 : i32
      %dma_start3A_96 = tpu.memref_slice %arg7[%arg0, %mul3A_95, %dma_start3A] : memref<2x10240x128xf32, #tpu.memory_space<hbm>> -> memref<1x640x128xf32, #tpu.memory_space<hbm>>
      %dma_start3A_97 = tpu.memref_squeeze %dma_start3A_96 : memref<1x640x128xf32, #tpu.memory_space<hbm>> -> memref<640x128xf32, #tpu.memory_space<hbm>>
      %dma_start3A_98 = arith.constant 0 : i32
      %dma_start3A_99 = tpu.memref_slice %arg12[%mul3A_93, %dma_start3A_98] : memref<10240x128xf32, #tpu.memory_space<vmem_shared>> -> memref<640x128xf32, #tpu.memory_space<vmem_shared>>
      tpu.enqueue_dma source(%dma_start3A_99 : memref<640x128xf32, #tpu.memory_space<vmem_shared>>) target(%dma_start3A_97 : memref<640x128xf32, #tpu.memory_space<hbm>>) target_semaphore(%run_scoped3A : memref<!tpu.dma_semaphore, #tpu.memory_space<semaphore_mem>>)
      %dma_wait3A = arith.constant 0 : i32
      %dma_wait3A_100 = tpu.memref_slice %arg7[%arg0, %mul3A_95, %dma_wait3A] : memref<2x10240x128xf32, #tpu.memory_space<hbm>> -> memref<1x640x128xf32, #tpu.memory_space<hbm>>
      %dma_wait3A_101 = tpu.memref_squeeze %dma_wait3A_100 : memref<1x640x128xf32, #tpu.memory_space<hbm>> -> memref<640x128xf32, #tpu.memory_space<hbm>>
      %dma_wait3A_102 = arith.constant 0 : i32
      %dma_wait3A_103 = tpu.memref_slice %arg12[%mul3A_93, %dma_wait3A_102] : memref<10240x128xf32, #tpu.memory_space<vmem_shared>> -> memref<640x128xf32, #tpu.memory_space<vmem_shared>>
      tpu.wait_dma2 semaphore(%run_scoped3A : memref<!tpu.dma_semaphore, #tpu.memory_space<semaphore_mem>>) src(%dma_wait3A_103 : memref<640x128xf32, #tpu.memory_space<vmem_shared>>) dst(%dma_wait3A_101 : memref<640x128xf32, #tpu.memory_space<hbm>>)
      tpu.yield
    }) : () -> ()
    return
  }
}

#map = affine_map<(d0, d1) -> (0, 0, 0)>
#map1 = affine_map<(d0, d1) -> (0, 0)>
module attributes {stable_mosaic.version = 14 : i64} {
  func.func @_agg(%arg0: i32, %arg1: i32, %arg2: memref<16x112x128xi32, #tpu.memory_space<hbm>>, %arg3: memref<16x112x128xi32, #tpu.memory_space<hbm>>, %arg4: memref<16x46x128xi32, #tpu.memory_space<hbm>>, %arg5: memref<16x46x128xi32, #tpu.memory_space<hbm>>, %arg6: memref<10000x128xf32, #tpu.memory_space<hbm>>, %arg7: memref<2x10240x128xf32, #tpu.memory_space<hbm>>, %arg8: memref<112x128xi32, #tpu.memory_space<vmem>>, %arg9: memref<112x128xi32, #tpu.memory_space<vmem>>, %arg10: memref<128x128xf32, #tpu.memory_space<vmem>>, %arg11: memref<32x128xf32, #tpu.memory_space<vmem>>, %arg12: memref<10240x128xf32, #tpu.memory_space<vmem_shared>>, %arg13: memref<!tpu.dma_semaphore, #tpu.memory_space<semaphore_mem>>) attributes {dimension_semantics = [#tpu.dimension_semantics<core_parallel>, #tpu.dimension_semantics<subcore_parallel>], iteration_bounds = array<i64: 2, 16>, scalar_prefetch = 0 : i64, scratch_operands = 6 : i64, tpu.core_type = #tpu.core_type<sc_vector_subcore>, window_params = [{transform_indices = #map}, {transform_indices = #map}, {transform_indices = #map}, {transform_indices = #map}, {transform_indices = #map1}, {transform_indices = #map}]} {
    %broadcast_in_dim3A = arith.constant 0.000000e+00 : f32
    %broadcast_in_dim3A_0 = vector.broadcast %broadcast_in_dim3A : f32 to vector<16xf32>
    %scan3A = arith.constant 0 : i32
    %scan3A_1 = arith.constant 0 : i32
    %scan3A_2 = arith.constant 256 : i32
    %scan3A_3 = arith.addi %scan3A_1, %scan3A_2 : i32
    %scan3A_4 = arith.constant 1 : i32
    scf.for %scan3A_96 = %scan3A_1 to %scan3A_3 step %scan3A_4  : i32 {
      %jit3A = arith.constant 8 : i32
      %div3A = arith.divsi %scan3A_96, %jit3A : i32
      %sign3A = arith.constant 0 : i32
      %sign3A_97 = arith.cmpi sgt, %scan3A_96, %sign3A : i32
      %sign3A_98 = arith.extui %sign3A_97 : i1 to i32
      %sign3A_99 = arith.constant 0 : i32
      %sign3A_100 = arith.cmpi slt, %scan3A_96, %sign3A_99 : i32
      %sign3A_101 = arith.extui %sign3A_100 : i1 to i32
      %sign3A_102 = arith.subi %sign3A_98, %sign3A_101 : i32
      %sign3A_103 = arith.constant 0 : i32
      %sign3A_104 = arith.cmpi sgt, %jit3A, %sign3A_103 : i32
      %sign3A_105 = arith.extui %sign3A_104 : i1 to i32
      %sign3A_106 = arith.constant 0 : i32
      %sign3A_107 = arith.cmpi slt, %jit3A, %sign3A_106 : i32
      %sign3A_108 = arith.extui %sign3A_107 : i1 to i32
      %sign3A_109 = arith.subi %sign3A_105, %sign3A_108 : i32
      %ne3A = arith.cmpi ne, %sign3A_102, %sign3A_109 : i32
      %rem3A = arith.remsi %scan3A_96, %jit3A : i32
      %ne3A_110 = arith.constant 0 : i32
      %ne3A_111 = arith.cmpi ne, %rem3A, %ne3A_110 : i32
      %and3A = arith.andi %ne3A, %ne3A_111 : i1
      %sub3A = arith.constant 1 : i32
      %sub3A_112 = arith.subi %div3A, %sub3A : i32
      %select_n3A = arith.select %and3A, %sub3A_112, %div3A : i32
      %jit3A_113 = arith.constant 8 : i32
      %eq3A_114 = arith.constant 0 : i32
      %eq3A_115 = arith.cmpi eq, %jit3A_113, %eq3A_114 : i32
      %jit3A_116 = arith.constant 1 : i32
      %select_n3A_117 = arith.select %eq3A_115, %jit3A_116, %jit3A_113 : i32
      %rem3A_118 = arith.remsi %scan3A_96, %select_n3A_117 : i32
      %ne3A_119 = arith.constant 0 : i32
      %ne3A_120 = arith.cmpi ne, %rem3A_118, %ne3A_119 : i32
      %lt3A = arith.constant 0 : i32
      %lt3A_121 = arith.cmpi slt, %rem3A_118, %lt3A : i32
      %lt3A_122 = arith.constant 0 : i32
      %lt3A_123 = arith.cmpi slt, %select_n3A_117, %lt3A_122 : i32
      %ne3A_124 = arith.xori %lt3A_121, %lt3A_123 : i1
      %and3A_125 = arith.andi %ne3A_124, %ne3A_120 : i1
      %add3A_126 = arith.addi %rem3A_118, %select_n3A_117 : i32
      %select_n3A_127 = arith.select %and3A_125, %add3A_126, %rem3A_118 : i32
      %mul3A_128 = arith.constant 16 : i32
      %mul3A_129 = arith.muli %select_n3A_127, %mul3A_128 : i32
      %swap3A = arith.index_cast %select_n3A : i32 to index
      %swap3A_130 = arith.index_cast %mul3A_129 : i32 to index
      %swap3A_131 = tpu.vector_load %arg11[%swap3A, %swap3A_130] {strides = array<i32>} : memref<32x128xf32, #tpu.memory_space<vmem>>, vector<1x16xf32>,
      %swap3A_132 = vector.shape_cast %swap3A_131 : vector<1x16xf32> to vector<16xf32>
      %swap3A_133 = vector.shape_cast %broadcast_in_dim3A_0 : vector<16xf32> to vector<1x16xf32>
      tpu.vector_store %arg11[%swap3A, %swap3A_130], %swap3A_133 {strides = array<i32>} : memref<32x128xf32, #tpu.memory_space<vmem>>, vector<1x16xf32>,
    }
    %scan3A_5 = arith.constant 256 : i32
    %mul3A = arith.constant 640 : i32
    %mul3A_6 = arith.muli %arg1, %mul3A : i32
    %add3A = arith.constant 0 : i32
    %add3A_7 = arith.addi %mul3A_6, %add3A : i32
    "tpu.region"() ({
      %run_scoped3A = tpu.sem_alloc : memref<!tpu.dma_semaphore, #tpu.memory_space<semaphore_mem>>
      %dma_start3A = arith.constant 0 : i32
      %dma_start3A_96 = tpu.memref_slice %arg12[%add3A_7, %dma_start3A] : memref<10240x128xf32, #tpu.memory_space<vmem_shared>> -> memref<32x128xf32, #tpu.memory_space<vmem_shared>>
      %dma_start3A_97 = arith.constant 0 : i32
      %dma_start3A_98 = tpu.memref_slice %arg12[%add3A_7, %dma_start3A_97] : memref<10240x128xf32, #tpu.memory_space<vmem_shared>> -> memref<32x128xf32, #tpu.memory_space<vmem_shared>>
      tpu.enqueue_dma source(%arg11 : memref<32x128xf32, #tpu.memory_space<vmem>>) target(%dma_start3A_98 : memref<32x128xf32, #tpu.memory_space<vmem_shared>>) target_semaphore(%run_scoped3A : memref<!tpu.dma_semaphore, #tpu.memory_space<semaphore_mem>>)
      %dma_wait3A = arith.constant 0 : i32
      %dma_wait3A_99 = tpu.memref_slice %arg12[%add3A_7, %dma_wait3A] : memref<10240x128xf32, #tpu.memory_space<vmem_shared>> -> memref<32x128xf32, #tpu.memory_space<vmem_shared>>
      %dma_wait3A_100 = arith.constant 0 : i32
      %dma_wait3A_101 = tpu.memref_slice %arg12[%add3A_7, %dma_wait3A_100] : memref<10240x128xf32, #tpu.memory_space<vmem_shared>> -> memref<32x128xf32, #tpu.memory_space<vmem_shared>>
      tpu.wait_dma2 semaphore(%run_scoped3A : memref<!tpu.dma_semaphore, #tpu.memory_space<semaphore_mem>>) src(%arg11 : memref<32x128xf32, #tpu.memory_space<vmem>>) dst(%dma_wait3A_101 : memref<32x128xf32, #tpu.memory_space<vmem_shared>>)
      tpu.yield
    }) : () -> ()
    %mul3A_8 = arith.constant 640 : i32
    %mul3A_9 = arith.muli %arg1, %mul3A_8 : i32
    %add3A_10 = arith.constant 32 : i32
    %add3A_11 = arith.addi %mul3A_9, %add3A_10 : i32
    "tpu.region"() ({
      %run_scoped3A = tpu.sem_alloc : memref<!tpu.dma_semaphore, #tpu.memory_space<semaphore_mem>>
      %dma_start3A = arith.constant 0 : i32
      %dma_start3A_96 = tpu.memref_slice %arg12[%add3A_11, %dma_start3A] : memref<10240x128xf32, #tpu.memory_space<vmem_shared>> -> memref<32x128xf32, #tpu.memory_space<vmem_shared>>
      %dma_start3A_97 = arith.constant 0 : i32
      %dma_start3A_98 = tpu.memref_slice %arg12[%add3A_11, %dma_start3A_97] : memref<10240x128xf32, #tpu.memory_space<vmem_shared>> -> memref<32x128xf32, #tpu.memory_space<vmem_shared>>
      tpu.enqueue_dma source(%arg11 : memref<32x128xf32, #tpu.memory_space<vmem>>) target(%dma_start3A_98 : memref<32x128xf32, #tpu.memory_space<vmem_shared>>) target_semaphore(%run_scoped3A : memref<!tpu.dma_semaphore, #tpu.memory_space<semaphore_mem>>)
      %dma_wait3A = arith.constant 0 : i32
      %dma_wait3A_99 = tpu.memref_slice %arg12[%add3A_11, %dma_wait3A] : memref<10240x128xf32, #tpu.memory_space<vmem_shared>> -> memref<32x128xf32, #tpu.memory_space<vmem_shared>>
      %dma_wait3A_100 = arith.constant 0 : i32
      %dma_wait3A_101 = tpu.memref_slice %arg12[%add3A_11, %dma_wait3A_100] : memref<10240x128xf32, #tpu.memory_space<vmem_shared>> -> memref<32x128xf32, #tpu.memory_space<vmem_shared>>
      tpu.wait_dma2 semaphore(%run_scoped3A : memref<!tpu.dma_semaphore, #tpu.memory_space<semaphore_mem>>) src(%arg11 : memref<32x128xf32, #tpu.memory_space<vmem>>) dst(%dma_wait3A_101 : memref<32x128xf32, #tpu.memory_space<vmem_shared>>)
      tpu.yield
    }) : () -> ()
    %mul3A_12 = arith.constant 640 : i32
    %mul3A_13 = arith.muli %arg1, %mul3A_12 : i32
    %add3A_14 = arith.constant 64 : i32
    %add3A_15 = arith.addi %mul3A_13, %add3A_14 : i32
    "tpu.region"() ({
      %run_scoped3A = tpu.sem_alloc : memref<!tpu.dma_semaphore, #tpu.memory_space<semaphore_mem>>
      %dma_start3A = arith.constant 0 : i32
      %dma_start3A_96 = tpu.memref_slice %arg12[%add3A_15, %dma_start3A] : memref<10240x128xf32, #tpu.memory_space<vmem_shared>> -> memref<32x128xf32, #tpu.memory_space<vmem_shared>>
      %dma_start3A_97 = arith.constant 0 : i32
      %dma_start3A_98 = tpu.memref_slice %arg12[%add3A_15, %dma_start3A_97] : memref<10240x128xf32, #tpu.memory_space<vmem_shared>> -> memref<32x128xf32, #tpu.memory_space<vmem_shared>>
      tpu.enqueue_dma source(%arg11 : memref<32x128xf32, #tpu.memory_space<vmem>>) target(%dma_start3A_98 : memref<32x128xf32, #tpu.memory_space<vmem_shared>>) target_semaphore(%run_scoped3A : memref<!tpu.dma_semaphore, #tpu.memory_space<semaphore_mem>>)
      %dma_wait3A = arith.constant 0 : i32
      %dma_wait3A_99 = tpu.memref_slice %arg12[%add3A_15, %dma_wait3A] : memref<10240x128xf32, #tpu.memory_space<vmem_shared>> -> memref<32x128xf32, #tpu.memory_space<vmem_shared>>
      %dma_wait3A_100 = arith.constant 0 : i32
      %dma_wait3A_101 = tpu.memref_slice %arg12[%add3A_15, %dma_wait3A_100] : memref<10240x128xf32, #tpu.memory_space<vmem_shared>> -> memref<32x128xf32, #tpu.memory_space<vmem_shared>>
      tpu.wait_dma2 semaphore(%run_scoped3A : memref<!tpu.dma_semaphore, #tpu.memory_space<semaphore_mem>>) src(%arg11 : memref<32x128xf32, #tpu.memory_space<vmem>>) dst(%dma_wait3A_101 : memref<32x128xf32, #tpu.memory_space<vmem_shared>>)
      tpu.yield
    }) : () -> ()
    %mul3A_16 = arith.constant 640 : i32
    %mul3A_17 = arith.muli %arg1, %mul3A_16 : i32
    %add3A_18 = arith.constant 96 : i32
    %add3A_19 = arith.addi %mul3A_17, %add3A_18 : i32
    "tpu.region"() ({
      %run_scoped3A = tpu.sem_alloc : memref<!tpu.dma_semaphore, #tpu.memory_space<semaphore_mem>>
      %dma_start3A = arith.constant 0 : i32
      %dma_start3A_96 = tpu.memref_slice %arg12[%add3A_19, %dma_start3A] : memref<10240x128xf32, #tpu.memory_space<vmem_shared>> -> memref<32x128xf32, #tpu.memory_space<vmem_shared>>
      %dma_start3A_97 = arith.constant 0 : i32
      %dma_start3A_98 = tpu.memref_slice %arg12[%add3A_19, %dma_start3A_97] : memref<10240x128xf32, #tpu.memory_space<vmem_shared>> -> memref<32x128xf32, #tpu.memory_space<vmem_shared>>
      tpu.enqueue_dma source(%arg11 : memref<32x128xf32, #tpu.memory_space<vmem>>) target(%dma_start3A_98 : memref<32x128xf32, #tpu.memory_space<vmem_shared>>) target_semaphore(%run_scoped3A : memref<!tpu.dma_semaphore, #tpu.memory_space<semaphore_mem>>)
      %dma_wait3A = arith.constant 0 : i32
      %dma_wait3A_99 = tpu.memref_slice %arg12[%add3A_19, %dma_wait3A] : memref<10240x128xf32, #tpu.memory_space<vmem_shared>> -> memref<32x128xf32, #tpu.memory_space<vmem_shared>>
      %dma_wait3A_100 = arith.constant 0 : i32
      %dma_wait3A_101 = tpu.memref_slice %arg12[%add3A_19, %dma_wait3A_100] : memref<10240x128xf32, #tpu.memory_space<vmem_shared>> -> memref<32x128xf32, #tpu.memory_space<vmem_shared>>
      tpu.wait_dma2 semaphore(%run_scoped3A : memref<!tpu.dma_semaphore, #tpu.memory_space<semaphore_mem>>) src(%arg11 : memref<32x128xf32, #tpu.memory_space<vmem>>) dst(%dma_wait3A_101 : memref<32x128xf32, #tpu.memory_space<vmem_shared>>)
      tpu.yield
    }) : () -> ()
    %mul3A_20 = arith.constant 640 : i32
    %mul3A_21 = arith.muli %arg1, %mul3A_20 : i32
    %add3A_22 = arith.constant 128 : i32
    %add3A_23 = arith.addi %mul3A_21, %add3A_22 : i32
    "tpu.region"() ({
      %run_scoped3A = tpu.sem_alloc : memref<!tpu.dma_semaphore, #tpu.memory_space<semaphore_mem>>
      %dma_start3A = arith.constant 0 : i32
      %dma_start3A_96 = tpu.memref_slice %arg12[%add3A_23, %dma_start3A] : memref<10240x128xf32, #tpu.memory_space<vmem_shared>> -> memref<32x128xf32, #tpu.memory_space<vmem_shared>>
      %dma_start3A_97 = arith.constant 0 : i32
      %dma_start3A_98 = tpu.memref_slice %arg12[%add3A_23, %dma_start3A_97] : memref<10240x128xf32, #tpu.memory_space<vmem_shared>> -> memref<32x128xf32, #tpu.memory_space<vmem_shared>>
      tpu.enqueue_dma source(%arg11 : memref<32x128xf32, #tpu.memory_space<vmem>>) target(%dma_start3A_98 : memref<32x128xf32, #tpu.memory_space<vmem_shared>>) target_semaphore(%run_scoped3A : memref<!tpu.dma_semaphore, #tpu.memory_space<semaphore_mem>>)
      %dma_wait3A = arith.constant 0 : i32
      %dma_wait3A_99 = tpu.memref_slice %arg12[%add3A_23, %dma_wait3A] : memref<10240x128xf32, #tpu.memory_space<vmem_shared>> -> memref<32x128xf32, #tpu.memory_space<vmem_shared>>
      %dma_wait3A_100 = arith.constant 0 : i32
      %dma_wait3A_101 = tpu.memref_slice %arg12[%add3A_23, %dma_wait3A_100] : memref<10240x128xf32, #tpu.memory_space<vmem_shared>> -> memref<32x128xf32, #tpu.memory_space<vmem_shared>>
      tpu.wait_dma2 semaphore(%run_scoped3A : memref<!tpu.dma_semaphore, #tpu.memory_space<semaphore_mem>>) src(%arg11 : memref<32x128xf32, #tpu.memory_space<vmem>>) dst(%dma_wait3A_101 : memref<32x128xf32, #tpu.memory_space<vmem_shared>>)
      tpu.yield
    }) : () -> ()
    %mul3A_24 = arith.constant 640 : i32
    %mul3A_25 = arith.muli %arg1, %mul3A_24 : i32
    %add3A_26 = arith.constant 160 : i32
    %add3A_27 = arith.addi %mul3A_25, %add3A_26 : i32
    "tpu.region"() ({
      %run_scoped3A = tpu.sem_alloc : memref<!tpu.dma_semaphore, #tpu.memory_space<semaphore_mem>>
      %dma_start3A = arith.constant 0 : i32
      %dma_start3A_96 = tpu.memref_slice %arg12[%add3A_27, %dma_start3A] : memref<10240x128xf32, #tpu.memory_space<vmem_shared>> -> memref<32x128xf32, #tpu.memory_space<vmem_shared>>
      %dma_start3A_97 = arith.constant 0 : i32
      %dma_start3A_98 = tpu.memref_slice %arg12[%add3A_27, %dma_start3A_97] : memref<10240x128xf32, #tpu.memory_space<vmem_shared>> -> memref<32x128xf32, #tpu.memory_space<vmem_shared>>
      tpu.enqueue_dma source(%arg11 : memref<32x128xf32, #tpu.memory_space<vmem>>) target(%dma_start3A_98 : memref<32x128xf32, #tpu.memory_space<vmem_shared>>) target_semaphore(%run_scoped3A : memref<!tpu.dma_semaphore, #tpu.memory_space<semaphore_mem>>)
      %dma_wait3A = arith.constant 0 : i32
      %dma_wait3A_99 = tpu.memref_slice %arg12[%add3A_27, %dma_wait3A] : memref<10240x128xf32, #tpu.memory_space<vmem_shared>> -> memref<32x128xf32, #tpu.memory_space<vmem_shared>>
      %dma_wait3A_100 = arith.constant 0 : i32
      %dma_wait3A_101 = tpu.memref_slice %arg12[%add3A_27, %dma_wait3A_100] : memref<10240x128xf32, #tpu.memory_space<vmem_shared>> -> memref<32x128xf32, #tpu.memory_space<vmem_shared>>
      tpu.wait_dma2 semaphore(%run_scoped3A : memref<!tpu.dma_semaphore, #tpu.memory_space<semaphore_mem>>) src(%arg11 : memref<32x128xf32, #tpu.memory_space<vmem>>) dst(%dma_wait3A_101 : memref<32x128xf32, #tpu.memory_space<vmem_shared>>)
      tpu.yield
    }) : () -> ()
    %mul3A_28 = arith.constant 640 : i32
    %mul3A_29 = arith.muli %arg1, %mul3A_28 : i32
    %add3A_30 = arith.constant 192 : i32
    %add3A_31 = arith.addi %mul3A_29, %add3A_30 : i32
    "tpu.region"() ({
      %run_scoped3A = tpu.sem_alloc : memref<!tpu.dma_semaphore, #tpu.memory_space<semaphore_mem>>
      %dma_start3A = arith.constant 0 : i32
      %dma_start3A_96 = tpu.memref_slice %arg12[%add3A_31, %dma_start3A] : memref<10240x128xf32, #tpu.memory_space<vmem_shared>> -> memref<32x128xf32, #tpu.memory_space<vmem_shared>>
      %dma_start3A_97 = arith.constant 0 : i32
      %dma_start3A_98 = tpu.memref_slice %arg12[%add3A_31, %dma_start3A_97] : memref<10240x128xf32, #tpu.memory_space<vmem_shared>> -> memref<32x128xf32, #tpu.memory_space<vmem_shared>>
      tpu.enqueue_dma source(%arg11 : memref<32x128xf32, #tpu.memory_space<vmem>>) target(%dma_start3A_98 : memref<32x128xf32, #tpu.memory_space<vmem_shared>>) target_semaphore(%run_scoped3A : memref<!tpu.dma_semaphore, #tpu.memory_space<semaphore_mem>>)
      %dma_wait3A = arith.constant 0 : i32
      %dma_wait3A_99 = tpu.memref_slice %arg12[%add3A_31, %dma_wait3A] : memref<10240x128xf32, #tpu.memory_space<vmem_shared>> -> memref<32x128xf32, #tpu.memory_space<vmem_shared>>
      %dma_wait3A_100 = arith.constant 0 : i32
      %dma_wait3A_101 = tpu.memref_slice %arg12[%add3A_31, %dma_wait3A_100] : memref<10240x128xf32, #tpu.memory_space<vmem_shared>> -> memref<32x128xf32, #tpu.memory_space<vmem_shared>>
      tpu.wait_dma2 semaphore(%run_scoped3A : memref<!tpu.dma_semaphore, #tpu.memory_space<semaphore_mem>>) src(%arg11 : memref<32x128xf32, #tpu.memory_space<vmem>>) dst(%dma_wait3A_101 : memref<32x128xf32, #tpu.memory_space<vmem_shared>>)
      tpu.yield
    }) : () -> ()
    %mul3A_32 = arith.constant 640 : i32
    %mul3A_33 = arith.muli %arg1, %mul3A_32 : i32
    %add3A_34 = arith.constant 224 : i32
    %add3A_35 = arith.addi %mul3A_33, %add3A_34 : i32
    "tpu.region"() ({
      %run_scoped3A = tpu.sem_alloc : memref<!tpu.dma_semaphore, #tpu.memory_space<semaphore_mem>>
      %dma_start3A = arith.constant 0 : i32
      %dma_start3A_96 = tpu.memref_slice %arg12[%add3A_35, %dma_start3A] : memref<10240x128xf32, #tpu.memory_space<vmem_shared>> -> memref<32x128xf32, #tpu.memory_space<vmem_shared>>
      %dma_start3A_97 = arith.constant 0 : i32
      %dma_start3A_98 = tpu.memref_slice %arg12[%add3A_35, %dma_start3A_97] : memref<10240x128xf32, #tpu.memory_space<vmem_shared>> -> memref<32x128xf32, #tpu.memory_space<vmem_shared>>
      tpu.enqueue_dma source(%arg11 : memref<32x128xf32, #tpu.memory_space<vmem>>) target(%dma_start3A_98 : memref<32x128xf32, #tpu.memory_space<vmem_shared>>) target_semaphore(%run_scoped3A : memref<!tpu.dma_semaphore, #tpu.memory_space<semaphore_mem>>)
      %dma_wait3A = arith.constant 0 : i32
      %dma_wait3A_99 = tpu.memref_slice %arg12[%add3A_35, %dma_wait3A] : memref<10240x128xf32, #tpu.memory_space<vmem_shared>> -> memref<32x128xf32, #tpu.memory_space<vmem_shared>>
      %dma_wait3A_100 = arith.constant 0 : i32
      %dma_wait3A_101 = tpu.memref_slice %arg12[%add3A_35, %dma_wait3A_100] : memref<10240x128xf32, #tpu.memory_space<vmem_shared>> -> memref<32x128xf32, #tpu.memory_space<vmem_shared>>
      tpu.wait_dma2 semaphore(%run_scoped3A : memref<!tpu.dma_semaphore, #tpu.memory_space<semaphore_mem>>) src(%arg11 : memref<32x128xf32, #tpu.memory_space<vmem>>) dst(%dma_wait3A_101 : memref<32x128xf32, #tpu.memory_space<vmem_shared>>)
      tpu.yield
    }) : () -> ()
    %mul3A_36 = arith.constant 640 : i32
    %mul3A_37 = arith.muli %arg1, %mul3A_36 : i32
    %add3A_38 = arith.constant 256 : i32
    %add3A_39 = arith.addi %mul3A_37, %add3A_38 : i32
    "tpu.region"() ({
      %run_scoped3A = tpu.sem_alloc : memref<!tpu.dma_semaphore, #tpu.memory_space<semaphore_mem>>
      %dma_start3A = arith.constant 0 : i32
      %dma_start3A_96 = tpu.memref_slice %arg12[%add3A_39, %dma_start3A] : memref<10240x128xf32, #tpu.memory_space<vmem_shared>> -> memref<32x128xf32, #tpu.memory_space<vmem_shared>>
      %dma_start3A_97 = arith.constant 0 : i32
      %dma_start3A_98 = tpu.memref_slice %arg12[%add3A_39, %dma_start3A_97] : memref<10240x128xf32, #tpu.memory_space<vmem_shared>> -> memref<32x128xf32, #tpu.memory_space<vmem_shared>>
      tpu.enqueue_dma source(%arg11 : memref<32x128xf32, #tpu.memory_space<vmem>>) target(%dma_start3A_98 : memref<32x128xf32, #tpu.memory_space<vmem_shared>>) target_semaphore(%run_scoped3A : memref<!tpu.dma_semaphore, #tpu.memory_space<semaphore_mem>>)
      %dma_wait3A = arith.constant 0 : i32
      %dma_wait3A_99 = tpu.memref_slice %arg12[%add3A_39, %dma_wait3A] : memref<10240x128xf32, #tpu.memory_space<vmem_shared>> -> memref<32x128xf32, #tpu.memory_space<vmem_shared>>
      %dma_wait3A_100 = arith.constant 0 : i32
      %dma_wait3A_101 = tpu.memref_slice %arg12[%add3A_39, %dma_wait3A_100] : memref<10240x128xf32, #tpu.memory_space<vmem_shared>> -> memref<32x128xf32, #tpu.memory_space<vmem_shared>>
      tpu.wait_dma2 semaphore(%run_scoped3A : memref<!tpu.dma_semaphore, #tpu.memory_space<semaphore_mem>>) src(%arg11 : memref<32x128xf32, #tpu.memory_space<vmem>>) dst(%dma_wait3A_101 : memref<32x128xf32, #tpu.memory_space<vmem_shared>>)
      tpu.yield
    }) : () -> ()
    %mul3A_40 = arith.constant 640 : i32
    %mul3A_41 = arith.muli %arg1, %mul3A_40 : i32
    %add3A_42 = arith.constant 288 : i32
    %add3A_43 = arith.addi %mul3A_41, %add3A_42 : i32
    "tpu.region"() ({
      %run_scoped3A = tpu.sem_alloc : memref<!tpu.dma_semaphore, #tpu.memory_space<semaphore_mem>>
      %dma_start3A = arith.constant 0 : i32
      %dma_start3A_96 = tpu.memref_slice %arg12[%add3A_43, %dma_start3A] : memref<10240x128xf32, #tpu.memory_space<vmem_shared>> -> memref<32x128xf32, #tpu.memory_space<vmem_shared>>
      %dma_start3A_97 = arith.constant 0 : i32
      %dma_start3A_98 = tpu.memref_slice %arg12[%add3A_43, %dma_start3A_97] : memref<10240x128xf32, #tpu.memory_space<vmem_shared>> -> memref<32x128xf32, #tpu.memory_space<vmem_shared>>
      tpu.enqueue_dma source(%arg11 : memref<32x128xf32, #tpu.memory_space<vmem>>) target(%dma_start3A_98 : memref<32x128xf32, #tpu.memory_space<vmem_shared>>) target_semaphore(%run_scoped3A : memref<!tpu.dma_semaphore, #tpu.memory_space<semaphore_mem>>)
      %dma_wait3A = arith.constant 0 : i32
      %dma_wait3A_99 = tpu.memref_slice %arg12[%add3A_43, %dma_wait3A] : memref<10240x128xf32, #tpu.memory_space<vmem_shared>> -> memref<32x128xf32, #tpu.memory_space<vmem_shared>>
      %dma_wait3A_100 = arith.constant 0 : i32
      %dma_wait3A_101 = tpu.memref_slice %arg12[%add3A_43, %dma_wait3A_100] : memref<10240x128xf32, #tpu.memory_space<vmem_shared>> -> memref<32x128xf32, #tpu.memory_space<vmem_shared>>
      tpu.wait_dma2 semaphore(%run_scoped3A : memref<!tpu.dma_semaphore, #tpu.memory_space<semaphore_mem>>) src(%arg11 : memref<32x128xf32, #tpu.memory_space<vmem>>) dst(%dma_wait3A_101 : memref<32x128xf32, #tpu.memory_space<vmem_shared>>)
      tpu.yield
    }) : () -> ()
    %mul3A_44 = arith.constant 640 : i32
    %mul3A_45 = arith.muli %arg1, %mul3A_44 : i32
    %add3A_46 = arith.constant 320 : i32
    %add3A_47 = arith.addi %mul3A_45, %add3A_46 : i32
    "tpu.region"() ({
      %run_scoped3A = tpu.sem_alloc : memref<!tpu.dma_semaphore, #tpu.memory_space<semaphore_mem>>
      %dma_start3A = arith.constant 0 : i32
      %dma_start3A_96 = tpu.memref_slice %arg12[%add3A_47, %dma_start3A] : memref<10240x128xf32, #tpu.memory_space<vmem_shared>> -> memref<32x128xf32, #tpu.memory_space<vmem_shared>>
      %dma_start3A_97 = arith.constant 0 : i32
      %dma_start3A_98 = tpu.memref_slice %arg12[%add3A_47, %dma_start3A_97] : memref<10240x128xf32, #tpu.memory_space<vmem_shared>> -> memref<32x128xf32, #tpu.memory_space<vmem_shared>>
      tpu.enqueue_dma source(%arg11 : memref<32x128xf32, #tpu.memory_space<vmem>>) target(%dma_start3A_98 : memref<32x128xf32, #tpu.memory_space<vmem_shared>>) target_semaphore(%run_scoped3A : memref<!tpu.dma_semaphore, #tpu.memory_space<semaphore_mem>>)
      %dma_wait3A = arith.constant 0 : i32
      %dma_wait3A_99 = tpu.memref_slice %arg12[%add3A_47, %dma_wait3A] : memref<10240x128xf32, #tpu.memory_space<vmem_shared>> -> memref<32x128xf32, #tpu.memory_space<vmem_shared>>
      %dma_wait3A_100 = arith.constant 0 : i32
      %dma_wait3A_101 = tpu.memref_slice %arg12[%add3A_47, %dma_wait3A_100] : memref<10240x128xf32, #tpu.memory_space<vmem_shared>> -> memref<32x128xf32, #tpu.memory_space<vmem_shared>>
      tpu.wait_dma2 semaphore(%run_scoped3A : memref<!tpu.dma_semaphore, #tpu.memory_space<semaphore_mem>>) src(%arg11 : memref<32x128xf32, #tpu.memory_space<vmem>>) dst(%dma_wait3A_101 : memref<32x128xf32, #tpu.memory_space<vmem_shared>>)
      tpu.yield
    }) : () -> ()
    %mul3A_48 = arith.constant 640 : i32
    %mul3A_49 = arith.muli %arg1, %mul3A_48 : i32
    %add3A_50 = arith.constant 352 : i32
    %add3A_51 = arith.addi %mul3A_49, %add3A_50 : i32
    "tpu.region"() ({
      %run_scoped3A = tpu.sem_alloc : memref<!tpu.dma_semaphore, #tpu.memory_space<semaphore_mem>>
      %dma_start3A = arith.constant 0 : i32
      %dma_start3A_96 = tpu.memref_slice %arg12[%add3A_51, %dma_start3A] : memref<10240x128xf32, #tpu.memory_space<vmem_shared>> -> memref<32x128xf32, #tpu.memory_space<vmem_shared>>
      %dma_start3A_97 = arith.constant 0 : i32
      %dma_start3A_98 = tpu.memref_slice %arg12[%add3A_51, %dma_start3A_97] : memref<10240x128xf32, #tpu.memory_space<vmem_shared>> -> memref<32x128xf32, #tpu.memory_space<vmem_shared>>
      tpu.enqueue_dma source(%arg11 : memref<32x128xf32, #tpu.memory_space<vmem>>) target(%dma_start3A_98 : memref<32x128xf32, #tpu.memory_space<vmem_shared>>) target_semaphore(%run_scoped3A : memref<!tpu.dma_semaphore, #tpu.memory_space<semaphore_mem>>)
      %dma_wait3A = arith.constant 0 : i32
      %dma_wait3A_99 = tpu.memref_slice %arg12[%add3A_51, %dma_wait3A] : memref<10240x128xf32, #tpu.memory_space<vmem_shared>> -> memref<32x128xf32, #tpu.memory_space<vmem_shared>>
      %dma_wait3A_100 = arith.constant 0 : i32
      %dma_wait3A_101 = tpu.memref_slice %arg12[%add3A_51, %dma_wait3A_100] : memref<10240x128xf32, #tpu.memory_space<vmem_shared>> -> memref<32x128xf32, #tpu.memory_space<vmem_shared>>
      tpu.wait_dma2 semaphore(%run_scoped3A : memref<!tpu.dma_semaphore, #tpu.memory_space<semaphore_mem>>) src(%arg11 : memref<32x128xf32, #tpu.memory_space<vmem>>) dst(%dma_wait3A_101 : memref<32x128xf32, #tpu.memory_space<vmem_shared>>)
      tpu.yield
    }) : () -> ()
    %mul3A_52 = arith.constant 640 : i32
    %mul3A_53 = arith.muli %arg1, %mul3A_52 : i32
    %add3A_54 = arith.constant 384 : i32
    %add3A_55 = arith.addi %mul3A_53, %add3A_54 : i32
    "tpu.region"() ({
      %run_scoped3A = tpu.sem_alloc : memref<!tpu.dma_semaphore, #tpu.memory_space<semaphore_mem>>
      %dma_start3A = arith.constant 0 : i32
      %dma_start3A_96 = tpu.memref_slice %arg12[%add3A_55, %dma_start3A] : memref<10240x128xf32, #tpu.memory_space<vmem_shared>> -> memref<32x128xf32, #tpu.memory_space<vmem_shared>>
      %dma_start3A_97 = arith.constant 0 : i32
      %dma_start3A_98 = tpu.memref_slice %arg12[%add3A_55, %dma_start3A_97] : memref<10240x128xf32, #tpu.memory_space<vmem_shared>> -> memref<32x128xf32, #tpu.memory_space<vmem_shared>>
      tpu.enqueue_dma source(%arg11 : memref<32x128xf32, #tpu.memory_space<vmem>>) target(%dma_start3A_98 : memref<32x128xf32, #tpu.memory_space<vmem_shared>>) target_semaphore(%run_scoped3A : memref<!tpu.dma_semaphore, #tpu.memory_space<semaphore_mem>>)
      %dma_wait3A = arith.constant 0 : i32
      %dma_wait3A_99 = tpu.memref_slice %arg12[%add3A_55, %dma_wait3A] : memref<10240x128xf32, #tpu.memory_space<vmem_shared>> -> memref<32x128xf32, #tpu.memory_space<vmem_shared>>
      %dma_wait3A_100 = arith.constant 0 : i32
      %dma_wait3A_101 = tpu.memref_slice %arg12[%add3A_55, %dma_wait3A_100] : memref<10240x128xf32, #tpu.memory_space<vmem_shared>> -> memref<32x128xf32, #tpu.memory_space<vmem_shared>>
      tpu.wait_dma2 semaphore(%run_scoped3A : memref<!tpu.dma_semaphore, #tpu.memory_space<semaphore_mem>>) src(%arg11 : memref<32x128xf32, #tpu.memory_space<vmem>>) dst(%dma_wait3A_101 : memref<32x128xf32, #tpu.memory_space<vmem_shared>>)
      tpu.yield
    }) : () -> ()
    %mul3A_56 = arith.constant 640 : i32
    %mul3A_57 = arith.muli %arg1, %mul3A_56 : i32
    %add3A_58 = arith.constant 416 : i32
    %add3A_59 = arith.addi %mul3A_57, %add3A_58 : i32
    "tpu.region"() ({
      %run_scoped3A = tpu.sem_alloc : memref<!tpu.dma_semaphore, #tpu.memory_space<semaphore_mem>>
      %dma_start3A = arith.constant 0 : i32
      %dma_start3A_96 = tpu.memref_slice %arg12[%add3A_59, %dma_start3A] : memref<10240x128xf32, #tpu.memory_space<vmem_shared>> -> memref<32x128xf32, #tpu.memory_space<vmem_shared>>
      %dma_start3A_97 = arith.constant 0 : i32
      %dma_start3A_98 = tpu.memref_slice %arg12[%add3A_59, %dma_start3A_97] : memref<10240x128xf32, #tpu.memory_space<vmem_shared>> -> memref<32x128xf32, #tpu.memory_space<vmem_shared>>
      tpu.enqueue_dma source(%arg11 : memref<32x128xf32, #tpu.memory_space<vmem>>) target(%dma_start3A_98 : memref<32x128xf32, #tpu.memory_space<vmem_shared>>) target_semaphore(%run_scoped3A : memref<!tpu.dma_semaphore, #tpu.memory_space<semaphore_mem>>)
      %dma_wait3A = arith.constant 0 : i32
      %dma_wait3A_99 = tpu.memref_slice %arg12[%add3A_59, %dma_wait3A] : memref<10240x128xf32, #tpu.memory_space<vmem_shared>> -> memref<32x128xf32, #tpu.memory_space<vmem_shared>>
      %dma_wait3A_100 = arith.constant 0 : i32
      %dma_wait3A_101 = tpu.memref_slice %arg12[%add3A_59, %dma_wait3A_100] : memref<10240x128xf32, #tpu.memory_space<vmem_shared>> -> memref<32x128xf32, #tpu.memory_space<vmem_shared>>
      tpu.wait_dma2 semaphore(%run_scoped3A : memref<!tpu.dma_semaphore, #tpu.memory_space<semaphore_mem>>) src(%arg11 : memref<32x128xf32, #tpu.memory_space<vmem>>) dst(%dma_wait3A_101 : memref<32x128xf32, #tpu.memory_space<vmem_shared>>)
      tpu.yield
    }) : () -> ()
    %mul3A_60 = arith.constant 640 : i32
    %mul3A_61 = arith.muli %arg1, %mul3A_60 : i32
    %add3A_62 = arith.constant 448 : i32
    %add3A_63 = arith.addi %mul3A_61, %add3A_62 : i32
    "tpu.region"() ({
      %run_scoped3A = tpu.sem_alloc : memref<!tpu.dma_semaphore, #tpu.memory_space<semaphore_mem>>
      %dma_start3A = arith.constant 0 : i32
      %dma_start3A_96 = tpu.memref_slice %arg12[%add3A_63, %dma_start3A] : memref<10240x128xf32, #tpu.memory_space<vmem_shared>> -> memref<32x128xf32, #tpu.memory_space<vmem_shared>>
      %dma_start3A_97 = arith.constant 0 : i32
      %dma_start3A_98 = tpu.memref_slice %arg12[%add3A_63, %dma_start3A_97] : memref<10240x128xf32, #tpu.memory_space<vmem_shared>> -> memref<32x128xf32, #tpu.memory_space<vmem_shared>>
      tpu.enqueue_dma source(%arg11 : memref<32x128xf32, #tpu.memory_space<vmem>>) target(%dma_start3A_98 : memref<32x128xf32, #tpu.memory_space<vmem_shared>>) target_semaphore(%run_scoped3A : memref<!tpu.dma_semaphore, #tpu.memory_space<semaphore_mem>>)
      %dma_wait3A = arith.constant 0 : i32
      %dma_wait3A_99 = tpu.memref_slice %arg12[%add3A_63, %dma_wait3A] : memref<10240x128xf32, #tpu.memory_space<vmem_shared>> -> memref<32x128xf32, #tpu.memory_space<vmem_shared>>
      %dma_wait3A_100 = arith.constant 0 : i32
      %dma_wait3A_101 = tpu.memref_slice %arg12[%add3A_63, %dma_wait3A_100] : memref<10240x128xf32, #tpu.memory_space<vmem_shared>> -> memref<32x128xf32, #tpu.memory_space<vmem_shared>>
      tpu.wait_dma2 semaphore(%run_scoped3A : memref<!tpu.dma_semaphore, #tpu.memory_space<semaphore_mem>>) src(%arg11 : memref<32x128xf32, #tpu.memory_space<vmem>>) dst(%dma_wait3A_101 : memref<32x128xf32, #tpu.memory_space<vmem_shared>>)
      tpu.yield
    }) : () -> ()
    %mul3A_64 = arith.constant 640 : i32
    %mul3A_65 = arith.muli %arg1, %mul3A_64 : i32
    %add3A_66 = arith.constant 480 : i32
    %add3A_67 = arith.addi %mul3A_65, %add3A_66 : i32
    "tpu.region"() ({
      %run_scoped3A = tpu.sem_alloc : memref<!tpu.dma_semaphore, #tpu.memory_space<semaphore_mem>>
      %dma_start3A = arith.constant 0 : i32
      %dma_start3A_96 = tpu.memref_slice %arg12[%add3A_67, %dma_start3A] : memref<10240x128xf32, #tpu.memory_space<vmem_shared>> -> memref<32x128xf32, #tpu.memory_space<vmem_shared>>
      %dma_start3A_97 = arith.constant 0 : i32
      %dma_start3A_98 = tpu.memref_slice %arg12[%add3A_67, %dma_start3A_97] : memref<10240x128xf32, #tpu.memory_space<vmem_shared>> -> memref<32x128xf32, #tpu.memory_space<vmem_shared>>
      tpu.enqueue_dma source(%arg11 : memref<32x128xf32, #tpu.memory_space<vmem>>) target(%dma_start3A_98 : memref<32x128xf32, #tpu.memory_space<vmem_shared>>) target_semaphore(%run_scoped3A : memref<!tpu.dma_semaphore, #tpu.memory_space<semaphore_mem>>)
      %dma_wait3A = arith.constant 0 : i32
      %dma_wait3A_99 = tpu.memref_slice %arg12[%add3A_67, %dma_wait3A] : memref<10240x128xf32, #tpu.memory_space<vmem_shared>> -> memref<32x128xf32, #tpu.memory_space<vmem_shared>>
      %dma_wait3A_100 = arith.constant 0 : i32
      %dma_wait3A_101 = tpu.memref_slice %arg12[%add3A_67, %dma_wait3A_100] : memref<10240x128xf32, #tpu.memory_space<vmem_shared>> -> memref<32x128xf32, #tpu.memory_space<vmem_shared>>
      tpu.wait_dma2 semaphore(%run_scoped3A : memref<!tpu.dma_semaphore, #tpu.memory_space<semaphore_mem>>) src(%arg11 : memref<32x128xf32, #tpu.memory_space<vmem>>) dst(%dma_wait3A_101 : memref<32x128xf32, #tpu.memory_space<vmem_shared>>)
      tpu.yield
    }) : () -> ()
    %mul3A_68 = arith.constant 640 : i32
    %mul3A_69 = arith.muli %arg1, %mul3A_68 : i32
    %add3A_70 = arith.constant 512 : i32
    %add3A_71 = arith.addi %mul3A_69, %add3A_70 : i32
    "tpu.region"() ({
      %run_scoped3A = tpu.sem_alloc : memref<!tpu.dma_semaphore, #tpu.memory_space<semaphore_mem>>
      %dma_start3A = arith.constant 0 : i32
      %dma_start3A_96 = tpu.memref_slice %arg12[%add3A_71, %dma_start3A] : memref<10240x128xf32, #tpu.memory_space<vmem_shared>> -> memref<32x128xf32, #tpu.memory_space<vmem_shared>>
      %dma_start3A_97 = arith.constant 0 : i32
      %dma_start3A_98 = tpu.memref_slice %arg12[%add3A_71, %dma_start3A_97] : memref<10240x128xf32, #tpu.memory_space<vmem_shared>> -> memref<32x128xf32, #tpu.memory_space<vmem_shared>>
      tpu.enqueue_dma source(%arg11 : memref<32x128xf32, #tpu.memory_space<vmem>>) target(%dma_start3A_98 : memref<32x128xf32, #tpu.memory_space<vmem_shared>>) target_semaphore(%run_scoped3A : memref<!tpu.dma_semaphore, #tpu.memory_space<semaphore_mem>>)
      %dma_wait3A = arith.constant 0 : i32
      %dma_wait3A_99 = tpu.memref_slice %arg12[%add3A_71, %dma_wait3A] : memref<10240x128xf32, #tpu.memory_space<vmem_shared>> -> memref<32x128xf32, #tpu.memory_space<vmem_shared>>
      %dma_wait3A_100 = arith.constant 0 : i32
      %dma_wait3A_101 = tpu.memref_slice %arg12[%add3A_71, %dma_wait3A_100] : memref<10240x128xf32, #tpu.memory_space<vmem_shared>> -> memref<32x128xf32, #tpu.memory_space<vmem_shared>>
      tpu.wait_dma2 semaphore(%run_scoped3A : memref<!tpu.dma_semaphore, #tpu.memory_space<semaphore_mem>>) src(%arg11 : memref<32x128xf32, #tpu.memory_space<vmem>>) dst(%dma_wait3A_101 : memref<32x128xf32, #tpu.memory_space<vmem_shared>>)
      tpu.yield
    }) : () -> ()
    %mul3A_72 = arith.constant 640 : i32
    %mul3A_73 = arith.muli %arg1, %mul3A_72 : i32
    %add3A_74 = arith.constant 544 : i32
    %add3A_75 = arith.addi %mul3A_73, %add3A_74 : i32
    "tpu.region"() ({
      %run_scoped3A = tpu.sem_alloc : memref<!tpu.dma_semaphore, #tpu.memory_space<semaphore_mem>>
      %dma_start3A = arith.constant 0 : i32
      %dma_start3A_96 = tpu.memref_slice %arg12[%add3A_75, %dma_start3A] : memref<10240x128xf32, #tpu.memory_space<vmem_shared>> -> memref<32x128xf32, #tpu.memory_space<vmem_shared>>
      %dma_start3A_97 = arith.constant 0 : i32
      %dma_start3A_98 = tpu.memref_slice %arg12[%add3A_75, %dma_start3A_97] : memref<10240x128xf32, #tpu.memory_space<vmem_shared>> -> memref<32x128xf32, #tpu.memory_space<vmem_shared>>
      tpu.enqueue_dma source(%arg11 : memref<32x128xf32, #tpu.memory_space<vmem>>) target(%dma_start3A_98 : memref<32x128xf32, #tpu.memory_space<vmem_shared>>) target_semaphore(%run_scoped3A : memref<!tpu.dma_semaphore, #tpu.memory_space<semaphore_mem>>)
      %dma_wait3A = arith.constant 0 : i32
      %dma_wait3A_99 = tpu.memref_slice %arg12[%add3A_75, %dma_wait3A] : memref<10240x128xf32, #tpu.memory_space<vmem_shared>> -> memref<32x128xf32, #tpu.memory_space<vmem_shared>>
      %dma_wait3A_100 = arith.constant 0 : i32
      %dma_wait3A_101 = tpu.memref_slice %arg12[%add3A_75, %dma_wait3A_100] : memref<10240x128xf32, #tpu.memory_space<vmem_shared>> -> memref<32x128xf32, #tpu.memory_space<vmem_shared>>
      tpu.wait_dma2 semaphore(%run_scoped3A : memref<!tpu.dma_semaphore, #tpu.memory_space<semaphore_mem>>) src(%arg11 : memref<32x128xf32, #tpu.memory_space<vmem>>) dst(%dma_wait3A_101 : memref<32x128xf32, #tpu.memory_space<vmem_shared>>)
      tpu.yield
    }) : () -> ()
    %mul3A_76 = arith.constant 640 : i32
    %mul3A_77 = arith.muli %arg1, %mul3A_76 : i32
    %add3A_78 = arith.constant 576 : i32
    %add3A_79 = arith.addi %mul3A_77, %add3A_78 : i32
    "tpu.region"() ({
      %run_scoped3A = tpu.sem_alloc : memref<!tpu.dma_semaphore, #tpu.memory_space<semaphore_mem>>
      %dma_start3A = arith.constant 0 : i32
      %dma_start3A_96 = tpu.memref_slice %arg12[%add3A_79, %dma_start3A] : memref<10240x128xf32, #tpu.memory_space<vmem_shared>> -> memref<32x128xf32, #tpu.memory_space<vmem_shared>>
      %dma_start3A_97 = arith.constant 0 : i32
      %dma_start3A_98 = tpu.memref_slice %arg12[%add3A_79, %dma_start3A_97] : memref<10240x128xf32, #tpu.memory_space<vmem_shared>> -> memref<32x128xf32, #tpu.memory_space<vmem_shared>>
      tpu.enqueue_dma source(%arg11 : memref<32x128xf32, #tpu.memory_space<vmem>>) target(%dma_start3A_98 : memref<32x128xf32, #tpu.memory_space<vmem_shared>>) target_semaphore(%run_scoped3A : memref<!tpu.dma_semaphore, #tpu.memory_space<semaphore_mem>>)
      %dma_wait3A = arith.constant 0 : i32
      %dma_wait3A_99 = tpu.memref_slice %arg12[%add3A_79, %dma_wait3A] : memref<10240x128xf32, #tpu.memory_space<vmem_shared>> -> memref<32x128xf32, #tpu.memory_space<vmem_shared>>
      %dma_wait3A_100 = arith.constant 0 : i32
      %dma_wait3A_101 = tpu.memref_slice %arg12[%add3A_79, %dma_wait3A_100] : memref<10240x128xf32, #tpu.memory_space<vmem_shared>> -> memref<32x128xf32, #tpu.memory_space<vmem_shared>>
      tpu.wait_dma2 semaphore(%run_scoped3A : memref<!tpu.dma_semaphore, #tpu.memory_space<semaphore_mem>>) src(%arg11 : memref<32x128xf32, #tpu.memory_space<vmem>>) dst(%dma_wait3A_101 : memref<32x128xf32, #tpu.memory_space<vmem_shared>>)
      tpu.yield
    }) : () -> ()
    %mul3A_80 = arith.constant 640 : i32
    %mul3A_81 = arith.muli %arg1, %mul3A_80 : i32
    %add3A_82 = arith.constant 608 : i32
    %add3A_83 = arith.addi %mul3A_81, %add3A_82 : i32
    "tpu.region"() ({
      %run_scoped3A = tpu.sem_alloc : memref<!tpu.dma_semaphore, #tpu.memory_space<semaphore_mem>>
      %dma_start3A = arith.constant 0 : i32
      %dma_start3A_96 = tpu.memref_slice %arg12[%add3A_83, %dma_start3A] : memref<10240x128xf32, #tpu.memory_space<vmem_shared>> -> memref<32x128xf32, #tpu.memory_space<vmem_shared>>
      %dma_start3A_97 = arith.constant 0 : i32
      %dma_start3A_98 = tpu.memref_slice %arg12[%add3A_83, %dma_start3A_97] : memref<10240x128xf32, #tpu.memory_space<vmem_shared>> -> memref<32x128xf32, #tpu.memory_space<vmem_shared>>
      tpu.enqueue_dma source(%arg11 : memref<32x128xf32, #tpu.memory_space<vmem>>) target(%dma_start3A_98 : memref<32x128xf32, #tpu.memory_space<vmem_shared>>) target_semaphore(%run_scoped3A : memref<!tpu.dma_semaphore, #tpu.memory_space<semaphore_mem>>)
      %dma_wait3A = arith.constant 0 : i32
      %dma_wait3A_99 = tpu.memref_slice %arg12[%add3A_83, %dma_wait3A] : memref<10240x128xf32, #tpu.memory_space<vmem_shared>> -> memref<32x128xf32, #tpu.memory_space<vmem_shared>>
      %dma_wait3A_100 = arith.constant 0 : i32
      %dma_wait3A_101 = tpu.memref_slice %arg12[%add3A_83, %dma_wait3A_100] : memref<10240x128xf32, #tpu.memory_space<vmem_shared>> -> memref<32x128xf32, #tpu.memory_space<vmem_shared>>
      tpu.wait_dma2 semaphore(%run_scoped3A : memref<!tpu.dma_semaphore, #tpu.memory_space<semaphore_mem>>) src(%arg11 : memref<32x128xf32, #tpu.memory_space<vmem>>) dst(%dma_wait3A_101 : memref<32x128xf32, #tpu.memory_space<vmem_shared>>)
      tpu.yield
    }) : () -> ()
    %barrier3A = arith.constant 0 : index
    tpu.barrier barrier_id(%barrier3A)
    %eq3A = arith.constant 0 : i32
    %eq3A_84 = arith.cmpi eq, %arg0, %eq3A : i32
    %convert_element_type3A = arith.extui %eq3A_84 : i1 to i32
    %cond3A = arith.constant 0 : i32
    %cond3A_85 = arith.cmpi ne, %convert_element_type3A, %cond3A : i32
    scf.if %cond3A_85 {
      "tpu.region"() ({
        %run_scoped3A = tpu.sem_alloc : memref<!tpu.dma_semaphore, #tpu.memory_space<semaphore_mem>>
        %dma_start3A = arith.constant 0 : i32
        %dma_start3A_102 = arith.constant 0 : i32
        %dma_start3A_103 = tpu.memref_slice %arg8[%dma_start3A, %dma_start3A_102] : memref<112x128xi32, #tpu.memory_space<vmem>> -> memref<112x128xi32, #tpu.memory_space<vmem>>
        %dma_start3A_104 = arith.constant 0 : i32
        %dma_start3A_105 = arith.constant 0 : i32
        %dma_start3A_106 = tpu.memref_slice %arg2[%arg1, %dma_start3A_104, %dma_start3A_105] : memref<16x112x128xi32, #tpu.memory_space<hbm>> -> memref<1x112x128xi32, #tpu.memory_space<hbm>>
        %dma_start3A_107 = tpu.memref_squeeze %dma_start3A_106 : memref<1x112x128xi32, #tpu.memory_space<hbm>> -> memref<112x128xi32, #tpu.memory_space<hbm>>
        %dma_start3A_108 = arith.constant 0 : i32
        %dma_start3A_109 = arith.constant 0 : i32
        %dma_start3A_110 = tpu.memref_slice %arg8[%dma_start3A_108, %dma_start3A_109] : memref<112x128xi32, #tpu.memory_space<vmem>> -> memref<112x128xi32, #tpu.memory_space<vmem>>
        %dma_start3A_111 = arith.constant 0 : i32
        %dma_start3A_112 = arith.constant 0 : i32
        %dma_start3A_113 = tpu.memref_slice %arg2[%arg1, %dma_start3A_111, %dma_start3A_112] : memref<16x112x128xi32, #tpu.memory_space<hbm>> -> memref<1x112x128xi32, #tpu.memory_space<hbm>>
        %dma_start3A_114 = tpu.memref_squeeze %dma_start3A_113 : memref<1x112x128xi32, #tpu.memory_space<hbm>> -> memref<112x128xi32, #tpu.memory_space<hbm>>
        tpu.enqueue_dma source(%dma_start3A_114 : memref<112x128xi32, #tpu.memory_space<hbm>>) target(%dma_start3A_110 : memref<112x128xi32, #tpu.memory_space<vmem>>) target_semaphore(%run_scoped3A : memref<!tpu.dma_semaphore, #tpu.memory_space<semaphore_mem>>)
        %dma_wait3A = arith.constant 0 : i32
        %dma_wait3A_115 = arith.constant 0 : i32
        %dma_wait3A_116 = tpu.memref_slice %arg8[%dma_wait3A, %dma_wait3A_115] : memref<112x128xi32, #tpu.memory_space<vmem>> -> memref<112x128xi32, #tpu.memory_space<vmem>>
        %dma_wait3A_117 = arith.constant 0 : i32
        %dma_wait3A_118 = arith.constant 0 : i32
        %dma_wait3A_119 = tpu.memref_slice %arg2[%arg1, %dma_wait3A_117, %dma_wait3A_118] : memref<16x112x128xi32, #tpu.memory_space<hbm>> -> memref<1x112x128xi32, #tpu.memory_space<hbm>>
        %dma_wait3A_120 = tpu.memref_squeeze %dma_wait3A_119 : memref<1x112x128xi32, #tpu.memory_space<hbm>> -> memref<112x128xi32, #tpu.memory_space<hbm>>
        %dma_wait3A_121 = arith.constant 0 : i32
        %dma_wait3A_122 = arith.constant 0 : i32
        %dma_wait3A_123 = tpu.memref_slice %arg8[%dma_wait3A_121, %dma_wait3A_122] : memref<112x128xi32, #tpu.memory_space<vmem>> -> memref<112x128xi32, #tpu.memory_space<vmem>>
        %dma_wait3A_124 = arith.constant 0 : i32
        %dma_wait3A_125 = arith.constant 0 : i32
        %dma_wait3A_126 = tpu.memref_slice %arg2[%arg1, %dma_wait3A_124, %dma_wait3A_125] : memref<16x112x128xi32, #tpu.memory_space<hbm>> -> memref<1x112x128xi32, #tpu.memory_space<hbm>>
        %dma_wait3A_127 = tpu.memref_squeeze %dma_wait3A_126 : memref<1x112x128xi32, #tpu.memory_space<hbm>> -> memref<112x128xi32, #tpu.memory_space<hbm>>
        tpu.wait_dma2 semaphore(%run_scoped3A : memref<!tpu.dma_semaphore, #tpu.memory_space<semaphore_mem>>) src(%dma_wait3A_127 : memref<112x128xi32, #tpu.memory_space<hbm>>) dst(%dma_wait3A_123 : memref<112x128xi32, #tpu.memory_space<vmem>>)
        tpu.yield
      }) : () -> ()
      "tpu.region"() ({
        %run_scoped3A = tpu.sem_alloc : memref<!tpu.dma_semaphore, #tpu.memory_space<semaphore_mem>>
        %dma_start3A = arith.constant 0 : i32
        %dma_start3A_102 = arith.constant 0 : i32
        %dma_start3A_103 = tpu.memref_slice %arg9[%dma_start3A, %dma_start3A_102] : memref<112x128xi32, #tpu.memory_space<vmem>> -> memref<112x128xi32, #tpu.memory_space<vmem>>
        %dma_start3A_104 = arith.constant 0 : i32
        %dma_start3A_105 = arith.constant 0 : i32
        %dma_start3A_106 = tpu.memref_slice %arg3[%arg1, %dma_start3A_104, %dma_start3A_105] : memref<16x112x128xi32, #tpu.memory_space<hbm>> -> memref<1x112x128xi32, #tpu.memory_space<hbm>>
        %dma_start3A_107 = tpu.memref_squeeze %dma_start3A_106 : memref<1x112x128xi32, #tpu.memory_space<hbm>> -> memref<112x128xi32, #tpu.memory_space<hbm>>
        %dma_start3A_108 = arith.constant 0 : i32
        %dma_start3A_109 = arith.constant 0 : i32
        %dma_start3A_110 = tpu.memref_slice %arg9[%dma_start3A_108, %dma_start3A_109] : memref<112x128xi32, #tpu.memory_space<vmem>> -> memref<112x128xi32, #tpu.memory_space<vmem>>
        %dma_start3A_111 = arith.constant 0 : i32
        %dma_start3A_112 = arith.constant 0 : i32
        %dma_start3A_113 = tpu.memref_slice %arg3[%arg1, %dma_start3A_111, %dma_start3A_112] : memref<16x112x128xi32, #tpu.memory_space<hbm>> -> memref<1x112x128xi32, #tpu.memory_space<hbm>>
        %dma_start3A_114 = tpu.memref_squeeze %dma_start3A_113 : memref<1x112x128xi32, #tpu.memory_space<hbm>> -> memref<112x128xi32, #tpu.memory_space<hbm>>
        tpu.enqueue_dma source(%dma_start3A_114 : memref<112x128xi32, #tpu.memory_space<hbm>>) target(%dma_start3A_110 : memref<112x128xi32, #tpu.memory_space<vmem>>) target_semaphore(%run_scoped3A : memref<!tpu.dma_semaphore, #tpu.memory_space<semaphore_mem>>)
        %dma_wait3A = arith.constant 0 : i32
        %dma_wait3A_115 = arith.constant 0 : i32
        %dma_wait3A_116 = tpu.memref_slice %arg9[%dma_wait3A, %dma_wait3A_115] : memref<112x128xi32, #tpu.memory_space<vmem>> -> memref<112x128xi32, #tpu.memory_space<vmem>>
        %dma_wait3A_117 = arith.constant 0 : i32
        %dma_wait3A_118 = arith.constant 0 : i32
        %dma_wait3A_119 = tpu.memref_slice %arg3[%arg1, %dma_wait3A_117, %dma_wait3A_118] : memref<16x112x128xi32, #tpu.memory_space<hbm>> -> memref<1x112x128xi32, #tpu.memory_space<hbm>>
        %dma_wait3A_120 = tpu.memref_squeeze %dma_wait3A_119 : memref<1x112x128xi32, #tpu.memory_space<hbm>> -> memref<112x128xi32, #tpu.memory_space<hbm>>
        %dma_wait3A_121 = arith.constant 0 : i32
        %dma_wait3A_122 = arith.constant 0 : i32
        %dma_wait3A_123 = tpu.memref_slice %arg9[%dma_wait3A_121, %dma_wait3A_122] : memref<112x128xi32, #tpu.memory_space<vmem>> -> memref<112x128xi32, #tpu.memory_space<vmem>>
        %dma_wait3A_124 = arith.constant 0 : i32
        %dma_wait3A_125 = arith.constant 0 : i32
        %dma_wait3A_126 = tpu.memref_slice %arg3[%arg1, %dma_wait3A_124, %dma_wait3A_125] : memref<16x112x128xi32, #tpu.memory_space<hbm>> -> memref<1x112x128xi32, #tpu.memory_space<hbm>>
        %dma_wait3A_127 = tpu.memref_squeeze %dma_wait3A_126 : memref<1x112x128xi32, #tpu.memory_space<hbm>> -> memref<112x128xi32, #tpu.memory_space<hbm>>
        tpu.wait_dma2 semaphore(%run_scoped3A : memref<!tpu.dma_semaphore, #tpu.memory_space<semaphore_mem>>) src(%dma_wait3A_127 : memref<112x128xi32, #tpu.memory_space<hbm>>) dst(%dma_wait3A_123 : memref<112x128xi32, #tpu.memory_space<vmem>>)
        tpu.yield
      }) : () -> ()
      %scan3A_96 = arith.constant 0 : i32
      %scan3A_97 = arith.constant 0 : i32
      %scan3A_98 = arith.constant 112 : i32
      %scan3A_99 = arith.addi %scan3A_97, %scan3A_98 : i32
      %scan3A_100 = arith.constant 1 : i32
      scf.for %scan3A_102 = %scan3A_97 to %scan3A_99 step %scan3A_100  : i32 {
        %dma_start3A = arith.constant 0 : i32
        %dma_start3A_103 = tpu.memref_slice %arg8[%scan3A_102, %dma_start3A] : memref<112x128xi32, #tpu.memory_space<vmem>> -> memref<1x128xi32, #tpu.memory_space<vmem>>
        %dma_start3A_104 = tpu.memref_squeeze %dma_start3A_103 : memref<1x128xi32, #tpu.memory_space<vmem>> -> memref<128xi32, #tpu.memory_space<vmem>>
        %dma_start3A_105 = arith.constant 0 : i32
        %dma_start3A_106 = arith.constant 0 : i32
        %dma_start3A_107 = tpu.memref_slice %arg6[%dma_start3A_105, %dma_start3A_106] : memref<10000x128xf32, #tpu.memory_space<hbm>> -> memref<10000x128xf32, #tpu.memory_space<hbm>>
        tpu.enqueue_indirect_dma source(%dma_start3A_107 : memref<10000x128xf32, #tpu.memory_space<hbm>>) target(%arg10 : memref<128x128xf32, #tpu.memory_space<vmem>>) offsets(%dma_start3A_104 : memref<128xi32, #tpu.memory_space<vmem>>) semaphore(%arg13 : memref<!tpu.dma_semaphore, #tpu.memory_space<semaphore_mem>>)
        %dma_wait3A = arith.constant 0 : i32
        %dma_wait3A_108 = tpu.memref_slice %arg8[%scan3A_102, %dma_wait3A] : memref<112x128xi32, #tpu.memory_space<vmem>> -> memref<1x128xi32, #tpu.memory_space<vmem>>
        %dma_wait3A_109 = tpu.memref_squeeze %dma_wait3A_108 : memref<1x128xi32, #tpu.memory_space<vmem>> -> memref<128xi32, #tpu.memory_space<vmem>>
        %dma_wait3A_110 = arith.constant 0 : i32
        %dma_wait3A_111 = arith.constant 0 : i32
        %dma_wait3A_112 = tpu.memref_slice %arg6[%dma_wait3A_110, %dma_wait3A_111] : memref<10000x128xf32, #tpu.memory_space<hbm>> -> memref<10000x128xf32, #tpu.memory_space<hbm>>
        tpu.wait_indirect_dma semaphore(%arg13 : memref<!tpu.dma_semaphore, #tpu.memory_space<semaphore_mem>>) src(%dma_wait3A_112 : memref<10000x128xf32, #tpu.memory_space<hbm>>) dst(%arg10 : memref<128x128xf32, #tpu.memory_space<vmem>>)
        "tpu.region"() ({
          %run_scoped3A = tpu.sem_alloc : memref<!tpu.dma_semaphore, #tpu.memory_space<semaphore_mem>>
          %dma_start3A_113 = arith.constant 0 : i32
          %dma_start3A_114 = tpu.memref_slice %arg9[%scan3A_102, %dma_start3A_113] : memref<112x128xi32, #tpu.memory_space<vmem>> -> memref<1x128xi32, #tpu.memory_space<vmem>>
          %dma_start3A_115 = tpu.memref_squeeze %dma_start3A_114 : memref<1x128xi32, #tpu.memory_space<vmem>> -> memref<128xi32, #tpu.memory_space<vmem>>
          %dma_start3A_116 = arith.constant 0 : i32
          %dma_start3A_117 = arith.constant 0 : i32
          %dma_start3A_118 = tpu.memref_slice %arg12[%dma_start3A_116, %dma_start3A_117] : memref<10240x128xf32, #tpu.memory_space<vmem_shared>> -> memref<10240x128xf32, #tpu.memory_space<vmem_shared>>
          tpu.enqueue_indirect_dma source(%arg10 : memref<128x128xf32, #tpu.memory_space<vmem>>) target(%dma_start3A_118 : memref<10240x128xf32, #tpu.memory_space<vmem_shared>>) offsets(%dma_start3A_115 : memref<128xi32, #tpu.memory_space<vmem>>) semaphore(%run_scoped3A : memref<!tpu.dma_semaphore, #tpu.memory_space<semaphore_mem>>) {add = true}
          %dma_wait3A_119 = arith.constant 0 : i32
          %dma_wait3A_120 = tpu.memref_slice %arg9[%scan3A_102, %dma_wait3A_119] : memref<112x128xi32, #tpu.memory_space<vmem>> -> memref<1x128xi32, #tpu.memory_space<vmem>>
          %dma_wait3A_121 = tpu.memref_squeeze %dma_wait3A_120 : memref<1x128xi32, #tpu.memory_space<vmem>> -> memref<128xi32, #tpu.memory_space<vmem>>
          %dma_wait3A_122 = arith.constant 0 : i32
          %dma_wait3A_123 = arith.constant 0 : i32
          %dma_wait3A_124 = tpu.memref_slice %arg12[%dma_wait3A_122, %dma_wait3A_123] : memref<10240x128xf32, #tpu.memory_space<vmem_shared>> -> memref<10240x128xf32, #tpu.memory_space<vmem_shared>>
          tpu.wait_indirect_dma semaphore(%run_scoped3A : memref<!tpu.dma_semaphore, #tpu.memory_space<semaphore_mem>>) src(%arg10 : memref<128x128xf32, #tpu.memory_space<vmem>>) dst(%dma_wait3A_124 : memref<10240x128xf32, #tpu.memory_space<vmem_shared>>)
          tpu.yield
        }) : () -> ()
      }
      %scan3A_101 = arith.constant 112 : i32
    } else {
    }
    %eq3A_86 = arith.constant 1 : i32
    %eq3A_87 = arith.cmpi eq, %arg0, %eq3A_86 : i32
    %convert_element_type3A_88 = arith.extui %eq3A_87 : i1 to i32
    %cond3A_89 = arith.constant 0 : i32
    %cond3A_90 = arith.cmpi ne, %convert_element_type3A_88, %cond3A_89 : i32
    scf.if %cond3A_90 {
      "tpu.region"() ({
        %run_scoped3A = tpu.sem_alloc : memref<!tpu.dma_semaphore, #tpu.memory_space<semaphore_mem>>
        %dma_start3A = arith.constant 0 : i32
        %dma_start3A_102 = arith.constant 0 : i32
        %dma_start3A_103 = tpu.memref_slice %arg8[%dma_start3A, %dma_start3A_102] : memref<112x128xi32, #tpu.memory_space<vmem>> -> memref<46x128xi32, #tpu.memory_space<vmem>>
        %dma_start3A_104 = arith.constant 0 : i32
        %dma_start3A_105 = arith.constant 0 : i32
        %dma_start3A_106 = tpu.memref_slice %arg4[%arg1, %dma_start3A_104, %dma_start3A_105] : memref<16x46x128xi32, #tpu.memory_space<hbm>> -> memref<1x46x128xi32, #tpu.memory_space<hbm>>
        %dma_start3A_107 = tpu.memref_squeeze %dma_start3A_106 : memref<1x46x128xi32, #tpu.memory_space<hbm>> -> memref<46x128xi32, #tpu.memory_space<hbm>>
        %dma_start3A_108 = arith.constant 0 : i32
        %dma_start3A_109 = arith.constant 0 : i32
        %dma_start3A_110 = tpu.memref_slice %arg8[%dma_start3A_108, %dma_start3A_109] : memref<112x128xi32, #tpu.memory_space<vmem>> -> memref<46x128xi32, #tpu.memory_space<vmem>>
        %dma_start3A_111 = arith.constant 0 : i32
        %dma_start3A_112 = arith.constant 0 : i32
        %dma_start3A_113 = tpu.memref_slice %arg4[%arg1, %dma_start3A_111, %dma_start3A_112] : memref<16x46x128xi32, #tpu.memory_space<hbm>> -> memref<1x46x128xi32, #tpu.memory_space<hbm>>
        %dma_start3A_114 = tpu.memref_squeeze %dma_start3A_113 : memref<1x46x128xi32, #tpu.memory_space<hbm>> -> memref<46x128xi32, #tpu.memory_space<hbm>>
        tpu.enqueue_dma source(%dma_start3A_114 : memref<46x128xi32, #tpu.memory_space<hbm>>) target(%dma_start3A_110 : memref<46x128xi32, #tpu.memory_space<vmem>>) target_semaphore(%run_scoped3A : memref<!tpu.dma_semaphore, #tpu.memory_space<semaphore_mem>>)
        %dma_wait3A = arith.constant 0 : i32
        %dma_wait3A_115 = arith.constant 0 : i32
        %dma_wait3A_116 = tpu.memref_slice %arg8[%dma_wait3A, %dma_wait3A_115] : memref<112x128xi32, #tpu.memory_space<vmem>> -> memref<46x128xi32, #tpu.memory_space<vmem>>
        %dma_wait3A_117 = arith.constant 0 : i32
        %dma_wait3A_118 = arith.constant 0 : i32
        %dma_wait3A_119 = tpu.memref_slice %arg4[%arg1, %dma_wait3A_117, %dma_wait3A_118] : memref<16x46x128xi32, #tpu.memory_space<hbm>> -> memref<1x46x128xi32, #tpu.memory_space<hbm>>
        %dma_wait3A_120 = tpu.memref_squeeze %dma_wait3A_119 : memref<1x46x128xi32, #tpu.memory_space<hbm>> -> memref<46x128xi32, #tpu.memory_space<hbm>>
        %dma_wait3A_121 = arith.constant 0 : i32
        %dma_wait3A_122 = arith.constant 0 : i32
        %dma_wait3A_123 = tpu.memref_slice %arg8[%dma_wait3A_121, %dma_wait3A_122] : memref<112x128xi32, #tpu.memory_space<vmem>> -> memref<46x128xi32, #tpu.memory_space<vmem>>
        %dma_wait3A_124 = arith.constant 0 : i32
        %dma_wait3A_125 = arith.constant 0 : i32
        %dma_wait3A_126 = tpu.memref_slice %arg4[%arg1, %dma_wait3A_124, %dma_wait3A_125] : memref<16x46x128xi32, #tpu.memory_space<hbm>> -> memref<1x46x128xi32, #tpu.memory_space<hbm>>
        %dma_wait3A_127 = tpu.memref_squeeze %dma_wait3A_126 : memref<1x46x128xi32, #tpu.memory_space<hbm>> -> memref<46x128xi32, #tpu.memory_space<hbm>>
        tpu.wait_dma2 semaphore(%run_scoped3A : memref<!tpu.dma_semaphore, #tpu.memory_space<semaphore_mem>>) src(%dma_wait3A_127 : memref<46x128xi32, #tpu.memory_space<hbm>>) dst(%dma_wait3A_123 : memref<46x128xi32, #tpu.memory_space<vmem>>)
        tpu.yield
      }) : () -> ()
      "tpu.region"() ({
        %run_scoped3A = tpu.sem_alloc : memref<!tpu.dma_semaphore, #tpu.memory_space<semaphore_mem>>
        %dma_start3A = arith.constant 0 : i32
        %dma_start3A_102 = arith.constant 0 : i32
        %dma_start3A_103 = tpu.memref_slice %arg9[%dma_start3A, %dma_start3A_102] : memref<112x128xi32, #tpu.memory_space<vmem>> -> memref<46x128xi32, #tpu.memory_space<vmem>>
        %dma_start3A_104 = arith.constant 0 : i32
        %dma_start3A_105 = arith.constant 0 : i32
        %dma_start3A_106 = tpu.memref_slice %arg5[%arg1, %dma_start3A_104, %dma_start3A_105] : memref<16x46x128xi32, #tpu.memory_space<hbm>> -> memref<1x46x128xi32, #tpu.memory_space<hbm>>
        %dma_start3A_107 = tpu.memref_squeeze %dma_start3A_106 : memref<1x46x128xi32, #tpu.memory_space<hbm>> -> memref<46x128xi32, #tpu.memory_space<hbm>>
        %dma_start3A_108 = arith.constant 0 : i32
        %dma_start3A_109 = arith.constant 0 : i32
        %dma_start3A_110 = tpu.memref_slice %arg9[%dma_start3A_108, %dma_start3A_109] : memref<112x128xi32, #tpu.memory_space<vmem>> -> memref<46x128xi32, #tpu.memory_space<vmem>>
        %dma_start3A_111 = arith.constant 0 : i32
        %dma_start3A_112 = arith.constant 0 : i32
        %dma_start3A_113 = tpu.memref_slice %arg5[%arg1, %dma_start3A_111, %dma_start3A_112] : memref<16x46x128xi32, #tpu.memory_space<hbm>> -> memref<1x46x128xi32, #tpu.memory_space<hbm>>
        %dma_start3A_114 = tpu.memref_squeeze %dma_start3A_113 : memref<1x46x128xi32, #tpu.memory_space<hbm>> -> memref<46x128xi32, #tpu.memory_space<hbm>>
        tpu.enqueue_dma source(%dma_start3A_114 : memref<46x128xi32, #tpu.memory_space<hbm>>) target(%dma_start3A_110 : memref<46x128xi32, #tpu.memory_space<vmem>>) target_semaphore(%run_scoped3A : memref<!tpu.dma_semaphore, #tpu.memory_space<semaphore_mem>>)
        %dma_wait3A = arith.constant 0 : i32
        %dma_wait3A_115 = arith.constant 0 : i32
        %dma_wait3A_116 = tpu.memref_slice %arg9[%dma_wait3A, %dma_wait3A_115] : memref<112x128xi32, #tpu.memory_space<vmem>> -> memref<46x128xi32, #tpu.memory_space<vmem>>
        %dma_wait3A_117 = arith.constant 0 : i32
        %dma_wait3A_118 = arith.constant 0 : i32
        %dma_wait3A_119 = tpu.memref_slice %arg5[%arg1, %dma_wait3A_117, %dma_wait3A_118] : memref<16x46x128xi32, #tpu.memory_space<hbm>> -> memref<1x46x128xi32, #tpu.memory_space<hbm>>
        %dma_wait3A_120 = tpu.memref_squeeze %dma_wait3A_119 : memref<1x46x128xi32, #tpu.memory_space<hbm>> -> memref<46x128xi32, #tpu.memory_space<hbm>>
        %dma_wait3A_121 = arith.constant 0 : i32
        %dma_wait3A_122 = arith.constant 0 : i32
        %dma_wait3A_123 = tpu.memref_slice %arg9[%dma_wait3A_121, %dma_wait3A_122] : memref<112x128xi32, #tpu.memory_space<vmem>> -> memref<46x128xi32, #tpu.memory_space<vmem>>
        %dma_wait3A_124 = arith.constant 0 : i32
        %dma_wait3A_125 = arith.constant 0 : i32
        %dma_wait3A_126 = tpu.memref_slice %arg5[%arg1, %dma_wait3A_124, %dma_wait3A_125] : memref<16x46x128xi32, #tpu.memory_space<hbm>> -> memref<1x46x128xi32, #tpu.memory_space<hbm>>
        %dma_wait3A_127 = tpu.memref_squeeze %dma_wait3A_126 : memref<1x46x128xi32, #tpu.memory_space<hbm>> -> memref<46x128xi32, #tpu.memory_space<hbm>>
        tpu.wait_dma2 semaphore(%run_scoped3A : memref<!tpu.dma_semaphore, #tpu.memory_space<semaphore_mem>>) src(%dma_wait3A_127 : memref<46x128xi32, #tpu.memory_space<hbm>>) dst(%dma_wait3A_123 : memref<46x128xi32, #tpu.memory_space<vmem>>)
        tpu.yield
      }) : () -> ()
      %scan3A_96 = arith.constant 0 : i32
      %scan3A_97 = arith.constant 0 : i32
      %scan3A_98 = arith.constant 46 : i32
      %scan3A_99 = arith.addi %scan3A_97, %scan3A_98 : i32
      %scan3A_100 = arith.constant 1 : i32
      scf.for %scan3A_102 = %scan3A_97 to %scan3A_99 step %scan3A_100  : i32 {
        %dma_start3A = arith.constant 0 : i32
        %dma_start3A_103 = tpu.memref_slice %arg8[%scan3A_102, %dma_start3A] : memref<112x128xi32, #tpu.memory_space<vmem>> -> memref<1x128xi32, #tpu.memory_space<vmem>>
        %dma_start3A_104 = tpu.memref_squeeze %dma_start3A_103 : memref<1x128xi32, #tpu.memory_space<vmem>> -> memref<128xi32, #tpu.memory_space<vmem>>
        %dma_start3A_105 = arith.constant 0 : i32
        %dma_start3A_106 = arith.constant 0 : i32
        %dma_start3A_107 = tpu.memref_slice %arg6[%dma_start3A_105, %dma_start3A_106] : memref<10000x128xf32, #tpu.memory_space<hbm>> -> memref<10000x128xf32, #tpu.memory_space<hbm>>
        tpu.enqueue_indirect_dma source(%dma_start3A_107 : memref<10000x128xf32, #tpu.memory_space<hbm>>) target(%arg10 : memref<128x128xf32, #tpu.memory_space<vmem>>) offsets(%dma_start3A_104 : memref<128xi32, #tpu.memory_space<vmem>>) semaphore(%arg13 : memref<!tpu.dma_semaphore, #tpu.memory_space<semaphore_mem>>)
        %dma_wait3A = arith.constant 0 : i32
        %dma_wait3A_108 = tpu.memref_slice %arg8[%scan3A_102, %dma_wait3A] : memref<112x128xi32, #tpu.memory_space<vmem>> -> memref<1x128xi32, #tpu.memory_space<vmem>>
        %dma_wait3A_109 = tpu.memref_squeeze %dma_wait3A_108 : memref<1x128xi32, #tpu.memory_space<vmem>> -> memref<128xi32, #tpu.memory_space<vmem>>
        %dma_wait3A_110 = arith.constant 0 : i32
        %dma_wait3A_111 = arith.constant 0 : i32
        %dma_wait3A_112 = tpu.memref_slice %arg6[%dma_wait3A_110, %dma_wait3A_111] : memref<10000x128xf32, #tpu.memory_space<hbm>> -> memref<10000x128xf32, #tpu.memory_space<hbm>>
        tpu.wait_indirect_dma semaphore(%arg13 : memref<!tpu.dma_semaphore, #tpu.memory_space<semaphore_mem>>) src(%dma_wait3A_112 : memref<10000x128xf32, #tpu.memory_space<hbm>>) dst(%arg10 : memref<128x128xf32, #tpu.memory_space<vmem>>)
        "tpu.region"() ({
          %run_scoped3A = tpu.sem_alloc : memref<!tpu.dma_semaphore, #tpu.memory_space<semaphore_mem>>
          %dma_start3A_113 = arith.constant 0 : i32
          %dma_start3A_114 = tpu.memref_slice %arg9[%scan3A_102, %dma_start3A_113] : memref<112x128xi32, #tpu.memory_space<vmem>> -> memref<1x128xi32, #tpu.memory_space<vmem>>
          %dma_start3A_115 = tpu.memref_squeeze %dma_start3A_114 : memref<1x128xi32, #tpu.memory_space<vmem>> -> memref<128xi32, #tpu.memory_space<vmem>>
          %dma_start3A_116 = arith.constant 0 : i32
          %dma_start3A_117 = arith.constant 0 : i32
          %dma_start3A_118 = tpu.memref_slice %arg12[%dma_start3A_116, %dma_start3A_117] : memref<10240x128xf32, #tpu.memory_space<vmem_shared>> -> memref<10240x128xf32, #tpu.memory_space<vmem_shared>>
          tpu.enqueue_indirect_dma source(%arg10 : memref<128x128xf32, #tpu.memory_space<vmem>>) target(%dma_start3A_118 : memref<10240x128xf32, #tpu.memory_space<vmem_shared>>) offsets(%dma_start3A_115 : memref<128xi32, #tpu.memory_space<vmem>>) semaphore(%run_scoped3A : memref<!tpu.dma_semaphore, #tpu.memory_space<semaphore_mem>>) {add = true}
          %dma_wait3A_119 = arith.constant 0 : i32
          %dma_wait3A_120 = tpu.memref_slice %arg9[%scan3A_102, %dma_wait3A_119] : memref<112x128xi32, #tpu.memory_space<vmem>> -> memref<1x128xi32, #tpu.memory_space<vmem>>
          %dma_wait3A_121 = tpu.memref_squeeze %dma_wait3A_120 : memref<1x128xi32, #tpu.memory_space<vmem>> -> memref<128xi32, #tpu.memory_space<vmem>>
          %dma_wait3A_122 = arith.constant 0 : i32
          %dma_wait3A_123 = arith.constant 0 : i32
          %dma_wait3A_124 = tpu.memref_slice %arg12[%dma_wait3A_122, %dma_wait3A_123] : memref<10240x128xf32, #tpu.memory_space<vmem_shared>> -> memref<10240x128xf32, #tpu.memory_space<vmem_shared>>
          tpu.wait_indirect_dma semaphore(%run_scoped3A : memref<!tpu.dma_semaphore, #tpu.memory_space<semaphore_mem>>) src(%arg10 : memref<128x128xf32, #tpu.memory_space<vmem>>) dst(%dma_wait3A_124 : memref<10240x128xf32, #tpu.memory_space<vmem_shared>>)
          tpu.yield
        }) : () -> ()
      }
      %scan3A_101 = arith.constant 46 : i32
    } else {
    }
    %barrier3A_91 = arith.constant 0 : index
    tpu.barrier barrier_id(%barrier3A_91)
    %mul3A_92 = arith.constant 640 : i32
    %mul3A_93 = arith.muli %arg1, %mul3A_92 : i32
    %mul3A_94 = arith.constant 640 : i32
    %mul3A_95 = arith.muli %arg1, %mul3A_94 : i32
    "tpu.region"() ({
      %run_scoped3A = tpu.sem_alloc : memref<!tpu.dma_semaphore, #tpu.memory_space<semaphore_mem>>
      %dma_start3A = arith.constant 0 : i32
      %dma_start3A_96 = tpu.memref_slice %arg7[%arg0, %mul3A_95, %dma_start3A] : memref<2x10240x128xf32, #tpu.memory_space<hbm>> -> memref<1x640x128xf32, #tpu.memory_space<hbm>>
      %dma_start3A_97 = tpu.memref_squeeze %dma_start3A_96 : memref<1x640x128xf32, #tpu.memory_space<hbm>> -> memref<640x128xf32, #tpu.memory_space<hbm>>
      %dma_start3A_98 = arith.constant 0 : i32
      %dma_start3A_99 = tpu.memref_slice %arg12[%mul3A_93, %dma_start3A_98] : memref<10240x128xf32, #tpu.memory_space<vmem_shared>> -> memref<640x128xf32, #tpu.memory_space<vmem_shared>>
      tpu.enqueue_dma source(%dma_start3A_99 : memref<640x128xf32, #tpu.memory_space<vmem_shared>>) target(%dma_start3A_97 : memref<640x128xf32, #tpu.memory_space<hbm>>) target_semaphore(%run_scoped3A : memref<!tpu.dma_semaphore, #tpu.memory_space<semaphore_mem>>)
      %dma_wait3A = arith.constant 0 : i32
      %dma_wait3A_100 = tpu.memref_slice %arg7[%arg0, %mul3A_95, %dma_wait3A] : memref<2x10240x128xf32, #tpu.memory_space<hbm>> -> memref<1x640x128xf32, #tpu.memory_space<hbm>>
      %dma_wait3A_101 = tpu.memref_squeeze %dma_wait3A_100 : memref<1x640x128xf32, #tpu.memory_space<hbm>> -> memref<640x128xf32, #tpu.memory_space<hbm>>
      %dma_wait3A_102 = arith.constant 0 : i32
      %dma_wait3A_103 = tpu.memref_slice %arg12[%mul3A_93, %dma_wait3A_102] : memref<10240x128xf32, #tpu.memory_space<vmem_shared>> -> memref<640x128xf32, #tpu.memory_space<vmem_shared>>
      tpu.wait_dma2 semaphore(%run_scoped3A : memref<!tpu.dma_semaphore, #tpu.memory_space<semaphore_mem>>) src(%dma_wait3A_103 : memref<640x128xf32, #tpu.memory_space<vmem_shared>>) dst(%dma_wait3A_101 : memref<640x128xf32, #tpu.memory_space<hbm>>)
      tpu.yield
    }) : () -> ()
    return
  }
}

module attributes {stable_mosaic.version = 14 : i64} {
  func.func @_mlp_body(%arg0: i32, %arg1: memref<1x1xf32, #tpu.memory_space<smem>>, %arg2: memref<2000x128xf32, #tpu.memory_space<vmem>>, %arg3: memref<2000x128xf32, #tpu.memory_space<vmem>>, %arg4: memref<2000x128xf32, #tpu.memory_space<vmem>>, %arg5: memref<128x128xf32, #tpu.memory_space<vmem>>, %arg6: memref<1x128xf32, #tpu.memory_space<vmem>>, %arg7: memref<128x128xf32, #tpu.memory_space<vmem>>, %arg8: memref<1x128xf32, #tpu.memory_space<vmem>>, %arg9: memref<2000x128xf32, #tpu.memory_space<vmem>>) attributes {dimension_semantics = [#tpu.dimension_semantics<arbitrary>], iteration_bounds = array<i64: 5>, scalar_prefetch = 0 : i64, scratch_operands = 0 : i64, tpu.core_type = #tpu.core_type<tc>, window_params = [{transform_indices = @transform_0, window_bounds = array<i64: 1, 1>}, {transform_indices = @transform_1, window_bounds = array<i64: 2000, 128>}, {transform_indices = @transform_2, window_bounds = array<i64: 2000, 128>}, {transform_indices = @transform_3, window_bounds = array<i64: 2000, 128>}, {pipeline_mode = #tpu.pipeline_mode<synchronous>, transform_indices = @transform_4, window_bounds = array<i64: 128, 128>}, {pipeline_mode = #tpu.pipeline_mode<synchronous>, transform_indices = @transform_5, window_bounds = array<i64: 1, 128>}, {pipeline_mode = #tpu.pipeline_mode<synchronous>, transform_indices = @transform_6, window_bounds = array<i64: 128, 128>}, {pipeline_mode = #tpu.pipeline_mode<synchronous>, transform_indices = @transform_7, window_bounds = array<i64: 1, 128>}, {transform_indices = @transform_8, window_bounds = array<i64: 2000, 128>}]} {
    %get3A = arith.constant 0 : index
    %get3A_0 = arith.constant 0 : index
    %get3A_1 = memref.load %arg1[%get3A, %get3A_0] : memref<1x1xf32, #tpu.memory_space<smem>>
    %get3A_2 = arith.constant 0 : index
    %get3A_3 = arith.constant 0 : index
    %get3A_4 = vector.load %arg2[%get3A_2, %get3A_3] : memref<2000x128xf32, #tpu.memory_space<vmem>>, vector<2000x128xf32>
    %mul3A = vector.broadcast %get3A_1 : f32 to vector<2000x128xf32>
    %mul3A_5 = arith.mulf %mul3A, %get3A_4 : vector<2000x128xf32>
    %get3A_6 = arith.constant 0 : index
    %get3A_7 = arith.constant 0 : index
    %get3A_8 = vector.load %arg3[%get3A_6, %get3A_7] : memref<2000x128xf32, #tpu.memory_space<vmem>>, vector<2000x128xf32>
    %get3A_9 = arith.constant 0 : index
    %get3A_10 = arith.constant 0 : index
    %get3A_11 = vector.load %arg4[%get3A_9, %get3A_10] : memref<2000x128xf32, #tpu.memory_space<vmem>>, vector<2000x128xf32>
    %add3A = arith.addf %get3A_8, %get3A_11 : vector<2000x128xf32>
    %add3A_12 = arith.addf %mul3A_5, %add3A : vector<2000x128xf32>
    %get3A_13 = arith.constant 0 : index
    %get3A_14 = arith.constant 0 : index
    %get3A_15 = vector.load %arg5[%get3A_13, %get3A_14] : memref<128x128xf32, #tpu.memory_space<vmem>>, vector<128x128xf32>
    %dot_general3A = arith.constant dense<0.000000e+00> : vector<2000x128xf32>
    %dot_general3A_16 = tpu.matmul %add3A_12, %get3A_15, %dot_general3A {dimension_numbers = #tpu.dot_dimension_numbers<[1], [0], [0], [1], [0, 0, 1, 1], [], []>, transpose_lhs_hint = false} : vector<2000x128xf32>, vector<128x128xf32>, vector<2000x128xf32> -> vector<2000x128xf32>
    %get3A_17 = arith.constant 0 : index
    %get3A_18 = arith.constant 0 : index
    %get3A_19 = vector.load %arg6[%get3A_17, %get3A_18] : memref<1x128xf32, #tpu.memory_space<vmem>>, vector<1x128xf32>
    %add3A_20 = vector.broadcast %get3A_19 : vector<1x128xf32> to vector<2000x128xf32>
    %add3A_21 = arith.addf %dot_general3A_16, %add3A_20 : vector<2000x128xf32>
    %max3A = arith.constant 0.000000e+00 : f32
    %max3A_22 = vector.broadcast %max3A : f32 to vector<2000x128xf32>
    %max3A_23 = arith.maximumf %add3A_21, %max3A_22 : vector<2000x128xf32>
    %get3A_24 = arith.constant 0 : index
    %get3A_25 = arith.constant 0 : index
    %get3A_26 = vector.load %arg7[%get3A_24, %get3A_25] : memref<128x128xf32, #tpu.memory_space<vmem>>, vector<128x128xf32>
    %dot_general3A_27 = arith.constant dense<0.000000e+00> : vector<2000x128xf32>
    %dot_general3A_28 = tpu.matmul %max3A_23, %get3A_26, %dot_general3A_27 {dimension_numbers = #tpu.dot_dimension_numbers<[1], [0], [0], [1], [0, 0, 1, 1], [], []>, transpose_lhs_hint = false} : vector<2000x128xf32>, vector<128x128xf32>, vector<2000x128xf32> -> vector<2000x128xf32>
    %get3A_29 = arith.constant 0 : index
    %get3A_30 = arith.constant 0 : index
    %get3A_31 = vector.load %arg8[%get3A_29, %get3A_30] : memref<1x128xf32, #tpu.memory_space<vmem>>, vector<1x128xf32>
    %add3A_32 = vector.broadcast %get3A_31 : vector<1x128xf32> to vector<2000x128xf32>
    %add3A_33 = arith.addf %dot_general3A_28, %add3A_32 : vector<2000x128xf32>
    %swap3A = arith.constant 0 : index
    %swap3A_34 = arith.constant 0 : index
    %swap3A_35 = vector.load %arg9[%swap3A, %swap3A_34] : memref<2000x128xf32, #tpu.memory_space<vmem>>, vector<2000x128xf32>
    tpu.vector_store %arg9[%swap3A, %swap3A_34], %add3A_33 {strides = array<i32>} : memref<2000x128xf32, #tpu.memory_space<vmem>>, vector<2000x128xf32>,
    return
  }
  func.func @transform_0(%arg0: i32) -> (i32, i32) {
    %c0_i32 = arith.constant 0 : i32
    %c0_i32_0 = arith.constant 0 : i32
    %c0_i32_1 = arith.constant 0 : i32
    return %c0_i32, %c0_i32_0 : i32, i32
  }
  func.func @transform_1(%arg0: i32) -> (i32, i32) {
    %c0_i32 = arith.constant 0 : i32
    %c0_i32_0 = arith.constant 0 : i32
    return %arg0, %c0_i32 : i32, i32
  }
  func.func @transform_2(%arg0: i32) -> (i32, i32) {
    %c0_i32 = arith.constant 0 : i32
    %c0_i32_0 = arith.constant 0 : i32
    return %arg0, %c0_i32 : i32, i32
  }
  func.func @transform_3(%arg0: i32) -> (i32, i32) {
    %c0_i32 = arith.constant 0 : i32
    %c0_i32_0 = arith.constant 0 : i32
    return %arg0, %c0_i32 : i32, i32
  }
  func.func @transform_4(%arg0: i32) -> (i32, i32) {
    %c0_i32 = arith.constant 0 : i32
    %c0_i32_0 = arith.constant 0 : i32
    %c0_i32_1 = arith.constant 0 : i32
    return %c0_i32, %c0_i32_0 : i32, i32
  }
  func.func @transform_5(%arg0: i32) -> (i32, i32) {
    %c0_i32 = arith.constant 0 : i32
    %c0_i32_0 = arith.constant 0 : i32
    %c0_i32_1 = arith.constant 0 : i32
    return %c0_i32, %c0_i32_0 : i32, i32
  }
  func.func @transform_6(%arg0: i32) -> (i32, i32) {
    %c0_i32 = arith.constant 0 : i32
    %c0_i32_0 = arith.constant 0 : i32
    %c0_i32_1 = arith.constant 0 : i32
    return %c0_i32, %c0_i32_0 : i32, i32
  }
  func.func @transform_7(%arg0: i32) -> (i32, i32) {
    %c0_i32 = arith.constant 0 : i32
    %c0_i32_0 = arith.constant 0 : i32
    %c0_i32_1 = arith.constant 0 : i32
    return %c0_i32, %c0_i32_0 : i32, i32
  }
  func.func @transform_8(%arg0: i32) -> (i32, i32) {
    %c0_i32 = arith.constant 0 : i32
    %c0_i32_0 = arith.constant 0 : i32
    return %arg0, %c0_i32 : i32, i32
  }
}

module attributes {stable_mosaic.version = 14 : i64} {
  func.func @_final_body(%arg0: i32, %arg1: memref<2000x128xf32, #tpu.memory_space<vmem>>, %arg2: memref<2000x128xf32, #tpu.memory_space<vmem>>, %arg3: memref<2000x128xf32, #tpu.memory_space<vmem>>, %arg4: memref<2000x128xf32, #tpu.memory_space<vmem>>, %arg5: memref<4x128x128xf32, #tpu.memory_space<vmem>>, %arg6: memref<1x128xf32, #tpu.memory_space<vmem>>, %arg7: memref<2000x128xf32, #tpu.memory_space<vmem>>) attributes {dimension_semantics = [#tpu.dimension_semantics<arbitrary>], iteration_bounds = array<i64: 5>, scalar_prefetch = 0 : i64, scratch_operands = 0 : i64, tpu.core_type = #tpu.core_type<tc>, window_params = [{transform_indices = @transform_0, window_bounds = array<i64: 2000, 128>}, {transform_indices = @transform_1, window_bounds = array<i64: 2000, 128>}, {transform_indices = @transform_2, window_bounds = array<i64: 2000, 128>}, {transform_indices = @transform_3, window_bounds = array<i64: 2000, 128>}, {pipeline_mode = #tpu.pipeline_mode<synchronous>, transform_indices = @transform_4, window_bounds = array<i64: 4, 128, 128>}, {pipeline_mode = #tpu.pipeline_mode<synchronous>, transform_indices = @transform_5, window_bounds = array<i64: 1, 128>}, {transform_indices = @transform_6, window_bounds = array<i64: 2000, 128>}]} {
    %get3A = arith.constant 0 : index
    %get3A_0 = arith.constant 0 : index
    %get3A_1 = vector.load %arg1[%get3A, %get3A_0] : memref<2000x128xf32, #tpu.memory_space<vmem>>, vector<2000x128xf32>
    %get3A_2 = arith.constant 0 : index
    %get3A_3 = arith.constant 0 : index
    %get3A_4 = arith.constant 0 : index
    %get3A_5 = vector.load %arg5[%get3A_2, %get3A_3, %get3A_4] : memref<4x128x128xf32, #tpu.memory_space<vmem>>, vector<1x128x128xf32>
    %get3A_6 = vector.shape_cast %get3A_5 : vector<1x128x128xf32> to vector<128x128xf32>
    %dot_general3A = arith.constant dense<0.000000e+00> : vector<2000x128xf32>
    %dot_general3A_7 = tpu.matmul %get3A_1, %get3A_6, %dot_general3A {dimension_numbers = #tpu.dot_dimension_numbers<[1], [0], [0], [1], [0, 0, 1, 1], [], []>, transpose_lhs_hint = false} : vector<2000x128xf32>, vector<128x128xf32>, vector<2000x128xf32> -> vector<2000x128xf32>
    %get3A_8 = arith.constant 0 : index
    %get3A_9 = arith.constant 0 : index
    %get3A_10 = vector.load %arg2[%get3A_8, %get3A_9] : memref<2000x128xf32, #tpu.memory_space<vmem>>, vector<2000x128xf32>
    %get3A_11 = arith.constant 1 : index
    %get3A_12 = arith.constant 0 : index
    %get3A_13 = arith.constant 0 : index
    %get3A_14 = vector.load %arg5[%get3A_11, %get3A_12, %get3A_13] : memref<4x128x128xf32, #tpu.memory_space<vmem>>, vector<1x128x128xf32>
    %get3A_15 = vector.shape_cast %get3A_14 : vector<1x128x128xf32> to vector<128x128xf32>
    %dot_general3A_16 = arith.constant dense<0.000000e+00> : vector<2000x128xf32>
    %dot_general3A_17 = tpu.matmul %get3A_10, %get3A_15, %dot_general3A_16 {dimension_numbers = #tpu.dot_dimension_numbers<[1], [0], [0], [1], [0, 0, 1, 1], [], []>, transpose_lhs_hint = false} : vector<2000x128xf32>, vector<128x128xf32>, vector<2000x128xf32> -> vector<2000x128xf32>
    %add3A = arith.addf %dot_general3A_7, %dot_general3A_17 : vector<2000x128xf32>
    %get3A_18 = arith.constant 0 : index
    %get3A_19 = arith.constant 0 : index
    %get3A_20 = vector.load %arg3[%get3A_18, %get3A_19] : memref<2000x128xf32, #tpu.memory_space<vmem>>, vector<2000x128xf32>
    %get3A_21 = arith.constant 2 : index
    %get3A_22 = arith.constant 0 : index
    %get3A_23 = arith.constant 0 : index
    %get3A_24 = vector.load %arg5[%get3A_21, %get3A_22, %get3A_23] : memref<4x128x128xf32, #tpu.memory_space<vmem>>, vector<1x128x128xf32>
    %get3A_25 = vector.shape_cast %get3A_24 : vector<1x128x128xf32> to vector<128x128xf32>
    %dot_general3A_26 = arith.constant dense<0.000000e+00> : vector<2000x128xf32>
    %dot_general3A_27 = tpu.matmul %get3A_20, %get3A_25, %dot_general3A_26 {dimension_numbers = #tpu.dot_dimension_numbers<[1], [0], [0], [1], [0, 0, 1, 1], [], []>, transpose_lhs_hint = false} : vector<2000x128xf32>, vector<128x128xf32>, vector<2000x128xf32> -> vector<2000x128xf32>
    %add3A_28 = arith.addf %add3A, %dot_general3A_27 : vector<2000x128xf32>
    %get3A_29 = arith.constant 0 : index
    %get3A_30 = arith.constant 0 : index
    %get3A_31 = vector.load %arg4[%get3A_29, %get3A_30] : memref<2000x128xf32, #tpu.memory_space<vmem>>, vector<2000x128xf32>
    %get3A_32 = arith.constant 3 : index
    %get3A_33 = arith.constant 0 : index
    %get3A_34 = arith.constant 0 : index
    %get3A_35 = vector.load %arg5[%get3A_32, %get3A_33, %get3A_34] : memref<4x128x128xf32, #tpu.memory_space<vmem>>, vector<1x128x128xf32>
    %get3A_36 = vector.shape_cast %get3A_35 : vector<1x128x128xf32> to vector<128x128xf32>
    %dot_general3A_37 = arith.constant dense<0.000000e+00> : vector<2000x128xf32>
    %dot_general3A_38 = tpu.matmul %get3A_31, %get3A_36, %dot_general3A_37 {dimension_numbers = #tpu.dot_dimension_numbers<[1], [0], [0], [1], [0, 0, 1, 1], [], []>, transpose_lhs_hint = false} : vector<2000x128xf32>, vector<128x128xf32>, vector<2000x128xf32> -> vector<2000x128xf32>
    %add3A_39 = arith.addf %add3A_28, %dot_general3A_38 : vector<2000x128xf32>
    %get3A_40 = arith.constant 0 : index
    %get3A_41 = arith.constant 0 : index
    %get3A_42 = vector.load %arg6[%get3A_40, %get3A_41] : memref<1x128xf32, #tpu.memory_space<vmem>>, vector<1x128xf32>
    %add3A_43 = vector.broadcast %get3A_42 : vector<1x128xf32> to vector<2000x128xf32>
    %add3A_44 = arith.addf %add3A_39, %add3A_43 : vector<2000x128xf32>
    %swap3A = arith.constant 0 : index
    %swap3A_45 = arith.constant 0 : index
    %swap3A_46 = vector.load %arg7[%swap3A, %swap3A_45] : memref<2000x128xf32, #tpu.memory_space<vmem>>, vector<2000x128xf32>
    tpu.vector_store %arg7[%swap3A, %swap3A_45], %add3A_44 {strides = array<i32>} : memref<2000x128xf32, #tpu.memory_space<vmem>>, vector<2000x128xf32>,
    return
  }
  func.func @transform_0(%arg0: i32) -> (i32, i32) {
    %c0_i32 = arith.constant 0 : i32
    %c0_i32_0 = arith.constant 0 : i32
    return %arg0, %c0_i32 : i32, i32
  }
  func.func @transform_1(%arg0: i32) -> (i32, i32) {
    %c0_i32 = arith.constant 0 : i32
    %c0_i32_0 = arith.constant 0 : i32
    return %arg0, %c0_i32 : i32, i32
  }
  func.func @transform_2(%arg0: i32) -> (i32, i32) {
    %c0_i32 = arith.constant 0 : i32
    %c0_i32_0 = arith.constant 0 : i32
    return %arg0, %c0_i32 : i32, i32
  }
  func.func @transform_3(%arg0: i32) -> (i32, i32) {
    %c0_i32 = arith.constant 0 : i32
    %c0_i32_0 = arith.constant 0 : i32
    return %arg0, %c0_i32 : i32, i32
  }
  func.func @transform_4(%arg0: i32) -> (i32, i32, i32) {
    %c0_i32 = arith.constant 0 : i32
    %c0_i32_0 = arith.constant 0 : i32
    %c0_i32_1 = arith.constant 0 : i32
    %c0_i32_2 = arith.constant 0 : i32
    return %c0_i32, %c0_i32_0, %c0_i32_1 : i32, i32, i32
  }
  func.func @transform_5(%arg0: i32) -> (i32, i32) {
    %c0_i32 = arith.constant 0 : i32
    %c0_i32_0 = arith.constant 0 : i32
    %c0_i32_1 = arith.constant 0 : i32
    return %c0_i32, %c0_i32_0 : i32, i32
  }
  func.func @transform_6(%arg0: i32) -> (i32, i32) {
    %c0_i32 = arith.constant 0 : i32
    %c0_i32_0 = arith.constant 0 : i32
    return %arg0, %c0_i32 : i32, i32
  }
}

</mosaic_0001>

<sc_bundles>
// kernel: kernel.12.cloned.1.call-start
scs
__scs_entry_jumppad:
0x0: {  	(pc) =	sbr.rel $0x88, $3  }
0x1: {  	(tag) =	ssettag $0x0;
	lr =	simm.s32 $0x1  }
0x2: {  	[smem:$0x3F8E] =	sst lr;
	_ =	strace $0xD0000000  }
0x3: {  	_ = 	snop  }
0x4: {  	_ = 	snop  }
0x5: {  	_ = 	snop  }
0x6: {  	_ = 	snop  }
0x7: {  	_ = 	snop  }
__scs_overlays_trampoline_lowered:
0x8: {  	[smem:$0x3F9D] =	sst s0  }
0x9: {  	[smem:$0x3F9E] =	sst s1  }
0xa: {  	[smem:$0x3F9F] =	sst s2  }
0xb: {  	[smem:$0x3FA0] =	sst s3  }
0xc: {  	[smem:$0x3FA1] =	sst s4  }
0xd: {  	[smem:$0x3FA2] =	sst s5  }
0xe: {  	[smem:$0x3FA3] =	sst s6  }
0xf: {  	[smem:$0x3FA4] =	sst s7  }
0x10: {  	[smem:$0x3FA5] =	sst s8  }
0x11: {  	[smem:$0x3FA6] =	sst s9;
	s0 =	simm.s32 @!p0 $0x0  }
0x12: {  	s1 =	sld [smem:$0x3F8C];
	s0 =	simm.s32 @p0 $0x1  }
0x13: {  	[smem:$0x3FA7] =	sst s0;
	s0 =	simm.s32 @!p1 $0x0  }
0x14: {  	s2 =	sld [smem:$0x3F8B];
	s0 =	simm.s32 @p1 $0x1  }
0x15: {  	[smem:$0x3FA8] =	sst s0;
	s0 =	simm.s32 @!p2 $0x0  }
0x16: {  	s3 =	sld [smem:$0x3FDB];
	s0 =	simm.s32 @p2 $0x1  }
0x17: {  	s4 =	simm.s32 $0x1BF5;
	[smem:$0x3FAA] =	sst s0  }
0x18: {  	s0 =	sld [smem:$0x3F8D];
	_ =	swait.ge [sflag:s4], $0x0  }
0x19: {  	s7 =	sld [smem:$0x3F8E]  }
0x1a: {  	s8 =	sadd.s32 $0xFFFFE003, lr  }
0x1b: {  	s9 =	sadd.s32 $0xFFFFFEF7, lr;
	s5 =	simm.s32 $0xFFFFFFFF;
	p2 =	slt.u32 s8, $0xFFFFF086  }
0x1c: {  	p1 =	slt.u32 s9, $0xF7A;
	s5 =	simm.s32 @!p2 $0x0  }
0x1d: {  	s5 =	simm.s32 @p1 $0x1;
	p0 =	seq.s32 s7, s2  }
0x1e: {  	s7 =	smul.u32 @!p0 $0xF7A, s2;
	p2 =	seq.s32 @!p0 s5, $0x0  }
0x1f: {  	s9 =	smul.u32 $0xF7A, s1;
	s8 =	simm.s32 @!p0 $0x1BF5;
	p2 =	por !p2, p0  }
0x20: {  	[sflag:s8] =	ssyncset.s32 @!p0 $0xFFFFF086;
	s6 =	sadd.s32 @!p0 s3, s7;
	s7 =	simm.s32 @!p0 $0x108  }
0x21: {  	s3 =	sadd.s32 s3, s9;
	s6 =	sadd.s32 @!p0 $0x88, s6;
	s7 =	simm.s32 @p2 $0x1082  }
0x22: {  	[simem:s7], [sflag:s8] =	dma.local @!p0 [hbm:s6], $0xF7A  }
0x23: {  	s9 =	sor.u32 $0xD0000000, s2;
	s6 =	simm.s32 $0x108;
	_ =	swait.ge @!p0 [sflag:s8], $0x0  }
0x24: {  	s3 =	sadd.s32 $0x88, s3;
	s6 =	simm.s32 @!p1 $0x1082;
	[sflag:s4] =	ssyncset.s32 $0xFFFFF086  }
0x25: {  	[simem:s6], [sflag:s4] =	dma.local [hbm:s3], $0xF7A  }
0x26: {  	[smem:$0x3F8E] =	sst s1;
	(tag) =	ssettag s2;
	_ =	strace s9  }
0x27: {  	s1 =	sld [smem:$0x3F9E]  }
0x28: {  	s2 =	sld [smem:$0x3F9F]  }
0x29: {  	s4 =	sld [smem:$0x3FA1]  }
0x2a: {  	p0 =	seq.s32 s5, $0x0;
	s5 =	sld [smem:$0x3FA2]  }
0x2b: {  	s6 =	sld [smem:$0x3FA3]  }
0x2c: {  	s7 =	sld [smem:$0x3FA4]  }
0x2d: {  	s3 =	simm.s32 $0x108;
	s8 =	sld [smem:$0x3FA5]  }
0x2e: {  	s3 =	simm.s32 @!p0 $0x1082;
	s9 =	sld [smem:$0x3FA6]  }
0x2f: {  	lr =	sadd.s32 s0, s3;
	s0 =	sld [smem:$0x3F9D]  }
0x30: {  	s3 =	sld [smem:$0x3FA0]  }
0x31: {  	[smem:$0x3FA9] =	sst s10  }
0x32: {  	s10 =	sld [smem:$0x3FA7];
	_ =	sdelay $0x3  }
0x33: {  	p0 =	seq.s32 s10, $0x1;
	s10 =	sld [smem:$0x3FA9];
	_ =	sdelay $0x3  }
0x34: {  	[smem:$0x3FA9] =	sst s10  }
0x35: {  	s10 =	sld [smem:$0x3FA8];
	_ =	sdelay $0x3  }
0x36: {  	p1 =	seq.s32 s10, $0x1;
	s10 =	sld [smem:$0x3FA9];
	_ =	sdelay $0x3  }
0x37: {  	[smem:$0x3FA9] =	sst s10  }
0x38: {  	s10 =	sld [smem:$0x3FAA]  }
0x39: {  	_ = 	snop;
	(pc) =	sbr.ind lr, $3  }
0x3a: {  	_ = 	snop  }
0x3b: {  	_ = 	snop  }
0x3c: {  	p2 =	seq.s32 s10, $0x1;
	s10 =	sld [smem:$0x3FA9]  }
0x3d: {  	_ =	shalt  }
0x3e: {  	_ =	shalt  }
0x3f: {  	_ =	shalt  }
0x40: {  	_ =	shalt  }
0x41: {  	_ =	shalt  }
0x42: {  	_ =	shalt  }
0x43: {  	_ =	shalt  }
0x44: {  	_ =	shalt  }
0x45: {  	_ =	shalt  }
0x46: {  	_ =	shalt  }
0x47: {  	_ =	shalt  }
0x48: {  	_ =	shalt  }
0x49: {  	_ =	shalt  }
0x4a: {  	_ =	shalt  }
0x4b: {  	_ =	shalt  }
0x4c: {  	_ =	shalt  }
0x4d: {  	_ =	shalt  }
0x4e: {  	_ =	shalt  }
0x4f: {  	_ =	shalt  }
0x50: {  	_ =	shalt  }
0x51: {  	_ =	shalt  }
0x52: {  	_ =	shalt  }
0x53: {  	_ =	shalt  }
0x54: {  	_ =	shalt  }
0x55: {  	_ =	shalt  }
0x56: {  	_ =	shalt  }
0x57: {  	_ =	shalt  }
0x58: {  	_ =	shalt  }
0x59: {  	_ =	shalt  }
0x5a: {  	_ =	shalt  }
0x5b: {  	_ =	shalt  }
0x5c: {  	_ =	shalt  }
0x5d: {  	_ =	shalt  }
0x5e: {  	_ =	shalt  }
0x5f: {  	_ =	shalt  }
0x60: {  	_ =	shalt  }
0x61: {  	_ =	shalt  }
0x62: {  	_ =	shalt  }
0x63: {  	_ =	shalt  }
0x64: {  	_ =	shalt  }
0x65: {  	_ =	shalt  }
0x66: {  	_ =	shalt  }
0x67: {  	_ =	shalt  }
0x68: {  	_ =	shalt  }
0x69: {  	_ =	shalt  }
0x6a: {  	_ =	shalt  }
0x6b: {  	_ =	shalt  }
0x6c: {  	_ =	shalt  }
0x6d: {  	_ =	shalt  }
0x6e: {  	_ =	shalt  }
0x6f: {  	_ =	shalt  }
0x70: {  	_ =	shalt  }
0x71: {  	_ =	shalt  }
0x72: {  	_ =	shalt  }
0x73: {  	_ =	shalt  }
0x74: {  	_ =	shalt  }
0x75: {  	_ =	shalt  }
0x76: {  	_ =	shalt  }
0x77: {  	_ =	shalt  }
0x78: {  	_ =	shalt  }
0x79: {  	_ =	shalt  }
0x7a: {  	_ =	shalt  }
0x7b: {  	_ =	shalt  }
0x7c: {  	_ =	shalt  }
0x7d: {  	_ =	shalt  }
0x7e: {  	_ =	shalt  }
0x7f: {  	_ =	shalt  }
0x80: {  	_ =	shalt  }
0x81: {  	_ =	shalt  }
0x82: {  	_ =	shalt  }
0x83: {  	_ =	shalt  }
0x84: {  	_ =	shalt  }
0x85: {  	_ =	shalt  }
0x86: {  	_ =	shalt  }
0x87: {  	_ =	shalt  }
.Lfunc_end0:
.L_simem_size_0:
called_computation.1_lowered:
.L_overlay_start_0:
0x88: {  	s2 =	sld [smem:$0x3FD9]  }
0x89: {  	s3 =	sld [smem:$0x3FFE];
	_ =	sdelay $0x1  }
0x8a: {  	s1 =	srdreg.scid  }
0x8b: {  	s0 =	sand.u32 $0x1, s1  }
0x8c: {  	s17 =	sshll.u32 s0, $0xA;
	s2 =	sadd.s32 s3, s2  }
0x8d: {  	s2 =	sadd.s32 s2, s17  }
0x8e: {  	[smem:$0x3FB5] =	sst s2  }
0x8f: {  	_ = 	snop  }
0x90: {  	s2 =	sld [smem:$0x3FD0];
	(tm) =	ssettm $0x1  }
0x91: {  	s18 =	sld [smem:$0x3FFB];
	_ =	sdelay $0x3  }
0x92: {  	_ =	strace s18  }
0x93: {  	s3 =	sld [smem:$0x3FFC];
	_ =	sdelay $0x3  }
0x94: {  	_ =	strace s3  }
0x95: {  	s3 =	sld [smem:$0x3FFD];
	_ =	sdelay $0x3  }
0x96: {  	_ =	strace s3  }
0x97: {  	_ =	strace $0x8FFFFFFF  }
0x98: {  	s19 =	sld [smem:$0x3FDB];
	_ =	sdelay $0x1  }
0x99: {  	s4 =	simm.s32 $_scs_section_size  }
0x9a: {  	s5 =	simm.s32 $_size__tile_overlayer_lowered;
	s6 =	simm.s32 $_tile_overlayer_lowered  }
0x9b: {  	s22 =	simm.s32 $0x1BFF;
	s21 =	sshll.u32 s6, $0x1;
	s3 =	sadd.s32 s4, s19  }
0x9c: {  	s7 =	simm.s32 $0x0;
	s20 =	sshll.u32 s5, $0x1;
	s5 =	sadd.s32 s21, s3  }
0x9d: {  	[timem:s7], [sflag:s22] =	dma.local [hbm:s5], s20  }
0x9e: {  	_ =	swait.ge [sflag:s22], s20  }
0x9f: {  	s4 =	ssub.s32 $0x0, s20;
	[sflag:s22] =	ssyncset.done $0x0  }
0xa0: {  	[sflag:s22] =	ssyncadd.s32 s4;
	_ =	sdelay $0x1  }
0xa1: {  	s23 =	simm.s32 $0x1B8B  }
0xa2: {  	_ =	swait.ge [sflag:s23], $0x1  }
0xa3: {  	[sflag:s23] =	ssyncset.done $0x0  }
0xa4: {  	s25 =	simm.s32 $0x1B8E;
	s24 =	sld [smem:$0x3FFE];
	[sflag:s23] =	ssyncadd.s32 $0xFFFFFFFF  }
0xa5: {  	s26 =	simm.s32 $execute0_lowered;
	[smem:$0x3FD2] =	sst s25  }
0xa6: {  	s5 =	sshll.u32 s26, $0x1;
	_ =	strace $0x80000049;
	[dreg:$0x1] =	wrdreg $0xFFFFFFFF  }
0xa7: {  	s28 =	simm.s32 $_size_execute0_lowered;
	s3 =	sadd.s32 s3, s5;
	[dreg:$0x0] =	wrdreg $0x0  }
0xa8: {  	s5 =	sshll.u32 s28, $0x1;
	[dreg:$0x2] =	wrdreg s3  }
0xa9: {  	[dreg:$0x3] =	wrdreg s5  }
0xaa: {  	[dreg:$0x4] =	wrdreg $0xC0  }
0xab: {  	_ =	task [dreg:s7], $0x5FFFF  }
0xac: {  	[dreg:$0x1] =	wrdreg $0xFFFFFFFF  }
0xad: {  	[dreg:$0x0] =	wrdreg $0x60  }
0xae: {  	[dreg:$0x2] =	wrdreg s24  }
0xaf: {  	[dreg:$0x3] =	wrdreg s2  }
0xb0: {  	[dreg:$0x4] =	wrdreg $0xC0000  }
0xb1: {  	[dreg:$0x5] =	wrdreg $0x9  }
0xb2: {  	_ =	task.clear_ibuf [dreg:s7], $0x6FFFF;
	_ =	strace $0x90000049  }
0xb3: {  	s29 =	simm.s32 $0x9;
	_ =	strace $0x8000004B  }
0xb4: {  	_ =	swait.ge [sflag:s29], $0x1  }
0xb5: {  	[sflag:s29] =	ssyncadd.s32 $0xFFFFFFFF  }
0xb6: {  	_ =	strace $0x9000004B  }
0xb7: {  	_ =	sfence  }
0xb8: {  	s30 =	sld [smem:$0x0];
	_ =	sdelay $0x2  }
0xb9: {  	s31 =	sshll.u32 s1, $0xD;
	s1 =	sshrl.u32 s1, $0x2  }
0xba: {  	s3 =	sand.u32 $0x4000, s31;
	s1 =	sadd.s32 s1, s30  }
0xbb: {  	s0 =	sor.u32 s3, s0;
	s1 =	sshll.u32 s1, $0x11  }
0xbc: {  	s0 =	sor.u32 s1, s0  }
0xbd: {  	s0 =	sadd.s32 $0x8F2B, s0  }
0xbe: {  	[sflag:s0] =	ssyncadd.remote.s32 $0x1  }
0xbf: {  	_ =	sfence.sel $0xFFFF  }
0xc0: {  	[dreg:$0x0] =	wrdreg $0xFFFFFFFF;
	(pc) =	sbr.abs _section_cstart, $3  }
0xc1: {  	[dreg:$0x1] =	wrdreg $0xFFFFFFFF  }
0xc2: {  	_ =	task.clear_ibuf [dreg:s7], $0x2FFFF;
	_ =	strace $0x9FFFFFFF  }
0xc3: {  	(tm) =	ssettm $0x7FFFFFFF  }
tec
execute0_lowered:
.L_overlay_start_1:
0x0: {  	(tag) =	ssettag $0x1  }
0x1: {  	s0 =	rddreg [dreg:$0x0];
	s8 =	stileid.u32  }
0x2: {  	s1 =	rddreg [dreg:$0x1];
	s2 =	smul.u32 $0x700, s8  }
0x3: {  	s4 =	srdreg.scid;
	s5 =	smul.u32 $0x300, s8  }
0x4: {  	s3 =	rddreg [dreg:$0x2];
	s16 =	smul.u32 $0x14000, s8  }
0x5: {  	s7 =	simm.s32 $0x0;
	s4 =	sand.u32 $0x1, s4;
	s8 =	smul.u32 $0x50000, s8  }
0x6: {  	[smem:$0x7FF] =	sst s7;
	s6 =	smul.u32 $0x140000, s4  }
0x7: {  	_ =	strace $0x8000004A;
	s18 =	ssub.s32 $0x2, s4;
	p0 =	seq.s32 s4, $0x1  }
0x8: {  	s2 =	sadd.s32 s2, s0;
	s20 =	sadd.s32 s5, s0;
	s19 =	sshrl.u32 s18, $0x1  }
0x9: {  	s8 =	sshrl.u32 s8, $0x2;
	s17 =	sadd.s32 s16, s6;
	s24 =	sadd.s32 $0xC400, s2  }
0xa: {  	s6 =	ssub.s32 s18, s19;
	s2 =	sadd.s32 $0x5400, s2;
	[dreg:$0x7] =	wrdreg s24  }
0xb: {  	s25 =	sadd.s32 $0x13400, s20;
	s26 =	sadd.s32 $0x16400, s20;
	[dreg:$0x8] =	wrdreg s2  }
0xc: {  	s20 =	simm.s32 $0x0;
	s5 =	sshrl.u32 s17, $0x3;
	[dreg:$0x9] =	wrdreg s25  }
0xd: {  	[dreg:$0xa] =	wrdreg s26;
	s0 =	sadd.s32 s5, s0;
	s5 =	sadd.s32 s8, s3  }
0xe: {  	s25 =	smax.u32 s6, $0x1;
	s2 =	simm.s32 $0xB000;
	s21 =	sadd.s32 $0x1000, s5  }
0xf: {  	s22 =	sadd.s32 $0x2000, s5;
	s23 =	sadd.s32 $0x3000, s5;
	s9 =	sadd.s32 $0x4000, s5  }
0x10: {  	s10 =	sadd.s32 $0x5000, s5;
	s11 =	sadd.s32 $0x6000, s5;
	s12 =	sadd.s32 $0x7000, s5  }
0x11: {  	s13 =	sadd.s32 $0x8000, s5;
	s14 =	sadd.s32 $0x9000, s5;
	s15 =	sadd.s32 $0xA000, s5  }
0x12: {  	s16 =	sadd.s32 $0xB000, s5;
	s17 =	sadd.s32 $0xC000, s5;
	s18 =	sadd.s32 $0xD000, s5  }
.Ltmp0:
0x13: {  	s19 =	sadd.s32 $0xE000, s5;
	s24 =	sadd.s32 $0x19400, s0;
	(pc) =	sbr.rel .LBB2_1-.Ltmp0, $4  }
0x14: {  	s26 =	sadd.s32 $0xF000, s5;
	s28 =	sadd.s32 $0x10000, s5;
	[dreg:$0x4] =	wrdreg s21  }
0x15: {  	s29 =	sadd.s32 $0x11000, s5;
	s30 =	sadd.s32 $0x12000, s5;
	[dreg:$0x5] =	wrdreg s22  }
0x16: {  	s31 =	sadd.s32 $0x13000, s5;
	s0 =	simm.s32 $0x2;
	[dreg:$0x6] =	wrdreg s23  }
0x17: {  	v0 =	vimm.f32 $0.0e+00;
	s21 =	simm.s32 $0x80;
	s22 =	simm.s32 $0x7000;
	s23 =	simm.s32 $0x1  }
.LBB2_6:
0x18: {  	s4 =	sshra.s32 s4, $0x2;
	[sflag:s0] =	ssyncadd.s32 $0xFFFFC000  }
0x19: {  	[tilespmem:s22], [sflag:$0x1] =	stream.indirect.gather [hbm4b:s1+s21], $0x80, s4, s21, $0xb8;
	v63 =	vld [tilespmem:$0x0]  }
0x1a: {  	_ =	swait.ge [sflag:s23], $0x4000  }
0x1b: {  	[sflag:s23] =	ssyncset.done $0x0  }
0x1c: {  	s4 =	sadd.s32 $0x3800, s4;
	[sflag:s23] =	ssyncadd.s32 $0xFFFFC000  }
0x1d: {  	[spmem:s3] =	stream.indirect.scatter.add.f32 [tilespmem:s22], [sflag:$0x2], $0x80, s4, s21, $0xb8;
	v63 =	vld [tilespmem:$0x0]  }
0x1e: {  	_ =	swait.ge [sflag:s0], $0x4000  }
0x1f: {  	[sflag:s0] =	ssyncset.done $0x0  }
0x20: {  	[sflag:s0] =	ssyncadd.s32 $0xFFFFC000  }
.LBB2_10:
0x21: {  	s4 =	stileid.u32;
	s20 =	sadd.s32 $0x1, s20  }
0x22: {  	[bflag:$0x0] =	sbarrier.arrive $0xFFFF;
	s4 =	sshll.u32 s4, $0x6;
	p1 =	sne.s32 s20, s25  }
.Ltmp1:
0x23: {  	s6 =	sshrl.u32 s5, $0x3;
	s4 =	sor.u32 $0x1C02, s4;
	(pc) =	sbr.rel @!p1 .LBB2_11-.Ltmp1, $4  }
0x24: {  	[hbm:s24], [sflag:s4] =	dma.local [spmem:s6], $0x2800  }
0x25: {  	_ =	swait.ge [sflag:s0], $0x2800  }
0x26: {  	[sflag:s0] =	ssyncset.done $0x0  }
0x27: {  	[sflag:s0] =	ssyncadd.s32 $0xFFFFD800  }
.LBB2_1:
0x28: {  	s6 =	simm.s32 $0x0  }
0x29: {  	s4 =	sand.u32 $0x3E00, s6  }
0x2a: {  	s6 =	sand.u32 $0x70, s6;
	s7 =	sshrl.u32 s4, $0x2  }
0x2b: {  	s4 =	simm.s32 $0x40;
	s7 =	sor.u32 s6, s7;
	s6 =	simm.s32 $0x0  }
.LBB2_2:
0x2c: {  	p1 =	sne.s32 s4, $0x3FC0  }
0x2d: {  	[tilespmem:s7+$0xB000] =	vst v0;
	s6 =	sadd.s32 $0x10, s6;
	s7 =	smov.u32 s4;
	s4 =	sadd.s32 $0x40, s4  }
.Ltmp2:
0x2e: {  	(pc) =	sbr.rel @p1 .LBB2_2-.Ltmp2, $4  }
0x2f: {  	_ = 	snop  }
0x30: {  	s7 =	sand.u32 $0x3E00, s7  }
0x31: {  	s8 =	sand.u32 $0x70, s6;
	s7 =	sshrl.u32 s7, $0x2  }
0x32: {  	s7 =	sor.u32 s8, s7  }
0x33: {  	[tilespmem:s7+$0xB000] =	vst v0  }
0x34: {  	[spmem:s5] =	stream.linear.scatter [tilespmem:s2], [sflag:$0x2], $0x1000, $0x38;
	v63 =	vld [tilespmem:$0x0]  }
0x35: {  	_ =	swait.ge [sflag:s0], $0x1000  }
0x36: {  	[sflag:s0] =	ssyncset.done $0x0  }
0x37: {  	s4 =	rddreg [dreg:$0x4];
	[sflag:s0] =	ssyncadd.s32 $0xFFFFF000  }
0x38: {  	[spmem:s4] =	stream.linear.scatter [tilespmem:s2], [sflag:$0x2], $0x1000, $0x38;
	v63 =	vld [tilespmem:$0x0]  }
0x39: {  	_ =	swait.ge [sflag:s0], $0x1000  }
0x3a: {  	[sflag:s0] =	ssyncset.done $0x0  }
0x3b: {  	s7 =	rddreg [dreg:$0x5];
	[sflag:s0] =	ssyncadd.s32 $0xFFFFF000  }
0x3c: {  	[spmem:s7] =	stream.linear.scatter [tilespmem:s2], [sflag:$0x2], $0x1000, $0x38;
	v63 =	vld [tilespmem:$0x0]  }
0x3d: {  	_ =	swait.ge [sflag:s0], $0x1000  }
0x3e: {  	[sflag:s0] =	ssyncset.done $0x0  }
0x3f: {  	s8 =	rddreg [dreg:$0x6];
	[sflag:s0] =	ssyncadd.s32 $0xFFFFF000  }
0x40: {  	[spmem:s8] =	stream.linear.scatter [tilespmem:s2], [sflag:$0x2], $0x1000, $0x38;
	v63 =	vld [tilespmem:$0x0]  }
0x41: {  	_ =	swait.ge [sflag:s0], $0x1000  }
0x42: {  	[sflag:s0] =	ssyncset.done $0x0  }
0x43: {  	[sflag:s0] =	ssyncadd.s32 $0xFFFFF000  }
0x44: {  	[spmem:s9] =	stream.linear.scatter [tilespmem:s2], [sflag:$0x2], $0x1000, $0x38;
	v63 =	vld [tilespmem:$0x0]  }
0x45: {  	_ =	swait.ge [sflag:s0], $0x1000  }
0x46: {  	[sflag:s0] =	ssyncset.done $0x0  }
0x47: {  	[sflag:s0] =	ssyncadd.s32 $0xFFFFF000  }
0x48: {  	[spmem:s10] =	stream.linear.scatter [tilespmem:s2], [sflag:$0x2], $0x1000, $0x38;
	v63 =	vld [tilespmem:$0x0]  }
0x49: {  	_ =	swait.ge [sflag:s0], $0x1000  }
0x4a: {  	[sflag:s0] =	ssyncset.done $0x0  }
0x4b: {  	[sflag:s0] =	ssyncadd.s32 $0xFFFFF000  }
0x4c: {  	[spmem:s11] =	stream.linear.scatter [tilespmem:s2], [sflag:$0x2], $0x1000, $0x38;
	v63 =	vld [tilespmem:$0x0]  }
0x4d: {  	_ =	swait.ge [sflag:s0], $0x1000  }
0x4e: {  	[sflag:s0] =	ssyncset.done $0x0  }
0x4f: {  	[sflag:s0] =	ssyncadd.s32 $0xFFFFF000  }
0x50: {  	[spmem:s12] =	stream.linear.scatter [tilespmem:s2], [sflag:$0x2], $0x1000, $0x38;
	v63 =	vld [tilespmem:$0x0]  }
0x51: {  	_ =	swait.ge [sflag:s0], $0x1000  }
0x52: {  	[sflag:s0] =	ssyncset.done $0x0  }
0x53: {  	[sflag:s0] =	ssyncadd.s32 $0xFFFFF000  }
0x54: {  	[spmem:s13] =	stream.linear.scatter [tilespmem:s2], [sflag:$0x2], $0x1000, $0x38;
	v63 =	vld [tilespmem:$0x0]  }
0x55: {  	_ =	swait.ge [sflag:s0], $0x1000  }
0x56: {  	[sflag:s0] =	ssyncset.done $0x0  }
0x57: {  	[sflag:s0] =	ssyncadd.s32 $0xFFFFF000  }
0x58: {  	[spmem:s14] =	stream.linear.scatter [tilespmem:s2], [sflag:$0x2], $0x1000, $0x38;
	v63 =	vld [tilespmem:$0x0]  }
0x59: {  	_ =	swait.ge [sflag:s0], $0x1000  }
0x5a: {  	[sflag:s0] =	ssyncset.done $0x0  }
0x5b: {  	[sflag:s0] =	ssyncadd.s32 $0xFFFFF000  }
0x5c: {  	[spmem:s15] =	stream.linear.scatter [tilespmem:s2], [sflag:$0x2], $0x1000, $0x38;
	v63 =	vld [tilespmem:$0x0]  }
0x5d: {  	_ =	swait.ge [sflag:s0], $0x1000  }
0x5e: {  	[sflag:s0] =	ssyncset.done $0x0  }
0x5f: {  	[sflag:s0] =	ssyncadd.s32 $0xFFFFF000  }
0x60: {  	[spmem:s16] =	stream.linear.scatter [tilespmem:s2], [sflag:$0x2], $0x1000, $0x38;
	v63 =	vld [tilespmem:$0x0]  }
0x61: {  	_ =	swait.ge [sflag:s0], $0x1000  }
0x62: {  	[sflag:s0] =	ssyncset.done $0x0  }
0x63: {  	[sflag:s0] =	ssyncadd.s32 $0xFFFFF000  }
0x64: {  	[spmem:s17] =	stream.linear.scatter [tilespmem:s2], [sflag:$0x2], $0x1000, $0x38;
	v63 =	vld [tilespmem:$0x0]  }
0x65: {  	_ =	swait.ge [sflag:s0], $0x1000  }
0x66: {  	[sflag:s0] =	ssyncset.done $0x0  }
0x67: {  	[sflag:s0] =	ssyncadd.s32 $0xFFFFF000  }
0x68: {  	[spmem:s18] =	stream.linear.scatter [tilespmem:s2], [sflag:$0x2], $0x1000, $0x38;
	v63 =	vld [tilespmem:$0x0]  }
0x69: {  	_ =	swait.ge [sflag:s0], $0x1000  }
0x6a: {  	[sflag:s0] =	ssyncset.done $0x0  }
0x6b: {  	[sflag:s0] =	ssyncadd.s32 $0xFFFFF000  }
0x6c: {  	[spmem:s19] =	stream.linear.scatter [tilespmem:s2], [sflag:$0x2], $0x1000, $0x38;
	v63 =	vld [tilespmem:$0x0]  }
0x6d: {  	_ =	swait.ge [sflag:s0], $0x1000  }
0x6e: {  	[sflag:s0] =	ssyncset.done $0x0  }
0x6f: {  	[sflag:s0] =	ssyncadd.s32 $0xFFFFF000  }
0x70: {  	[spmem:s26] =	stream.linear.scatter [tilespmem:s2], [sflag:$0x2], $0x1000, $0x38;
	v63 =	vld [tilespmem:$0x0]  }
0x71: {  	_ =	swait.ge [sflag:s0], $0x1000  }
0x72: {  	[sflag:s0] =	ssyncset.done $0x0  }
0x73: {  	[sflag:s0] =	ssyncadd.s32 $0xFFFFF000  }
0x74: {  	[spmem:s28] =	stream.linear.scatter [tilespmem:s2], [sflag:$0x2], $0x1000, $0x38;
	v63 =	vld [tilespmem:$0x0]  }
0x75: {  	_ =	swait.ge [sflag:s0], $0x1000  }
0x76: {  	[sflag:s0] =	ssyncset.done $0x0  }
0x77: {  	[sflag:s0] =	ssyncadd.s32 $0xFFFFF000  }
0x78: {  	[spmem:s29] =	stream.linear.scatter [tilespmem:s2], [sflag:$0x2], $0x1000, $0x38;
	v63 =	vld [tilespmem:$0x0]  }
0x79: {  	_ =	swait.ge [sflag:s0], $0x1000  }
0x7a: {  	[sflag:s0] =	ssyncset.done $0x0  }
0x7b: {  	[sflag:s0] =	ssyncadd.s32 $0xFFFFF000  }
0x7c: {  	[spmem:s30] =	stream.linear.scatter [tilespmem:s2], [sflag:$0x2], $0x1000, $0x38;
	v63 =	vld [tilespmem:$0x0]  }
0x7d: {  	_ =	swait.ge [sflag:s0], $0x1000  }
0x7e: {  	[sflag:s0] =	ssyncset.done $0x0  }
0x7f: {  	[sflag:s0] =	ssyncadd.s32 $0xFFFFF000  }
0x80: {  	[spmem:s31] =	stream.linear.scatter [tilespmem:s2], [sflag:$0x2], $0x1000, $0x38;
	v63 =	vld [tilespmem:$0x0]  }
.Ltmp3:
0x81: {  	_ =	swait.ge [sflag:s0], $0x1000;
	(pc) =	sbr.rel @!p0 .LBB2_4-.Ltmp3, $4  }
0x82: {  	[sflag:s0] =	ssyncset.done $0x0  }
0x83: {  	[sflag:s0] =	ssyncadd.s32 $0xFFFFF000  }
0x84: {  	[bflag:$0x0] =	sbarrier.arrive $0xFFFF  }
0x85: {  	s4 =	simm.s32 $0x0  }
0x86: {  	s6 =	rddreg [dreg:$0x9]  }
0x87: {  	[tilespmem:s4], [sflag:$0x2] =	stream.linear.gather [hbm4b:s6+s4], $0x1700, $0x38;
	v63 =	vld [tilespmem:$0x0]  }
0x88: {  	_ =	swait.ge [sflag:s0], $0x1700  }
0x89: {  	[sflag:s0] =	ssyncset.done $0x0  }
0x8a: {  	s7 =	simm.s32 $0x3800;
	s8 =	rddreg [dreg:$0xa];
	[sflag:s0] =	ssyncadd.s32 $0xFFFFE900  }
0x8b: {  	[tilespmem:s7], [sflag:$0x2] =	stream.linear.gather [hbm4b:s8+s4], $0x1700, $0x38;
	v63 =	vld [tilespmem:$0x0]  }
0x8c: {  	_ =	swait.ge [sflag:s0], $0x1700  }
0x8d: {  	[sflag:s0] =	ssyncset.done $0x0  }
0x8e: {  	s7 =	simm.s32 $0x0;
	[sflag:s0] =	ssyncadd.s32 $0xFFFFE900  }
0x8f: {  	[tilespmem:s22], [sflag:$0x1] =	stream.indirect.gather [hbm4b:s1+s21], $0x80, s7, s21, $0xb8;
	v63 =	vld [tilespmem:$0x0]  }
0x90: {  	_ =	swait.ge [sflag:s23], $0x4000  }
0x91: {  	[sflag:s23] =	ssyncset.done $0x0  }
0x92: {  	s8 =	simm.s32 $0x3800;
	[sflag:s23] =	ssyncadd.s32 $0xFFFFC000  }
0x93: {  	[spmem:s3] =	stream.indirect.scatter.add.f32 [tilespmem:s22], [sflag:$0x2], $0x80, s8, s21, $0xb8;
	v63 =	vld [tilespmem:$0x0]  }
0x94: {  	_ =	swait.ge [sflag:s0], $0x4000  }
0x95: {  	s6 =	simm.s32 $0x400;
	s4 =	simm.s32 $0x200;
	[sflag:s0] =	ssyncset.done $0x0  }
.LBB2_8:
0x96: {  	s7 =	sshra.s32 s4, $0x2  }
0x97: {  	[sflag:s0] =	ssyncadd.s32 $0xFFFFC000;
	s4 =	smov.u32 s6;
	s8 =	sadd.s32 $0x200, s6  }
0x98: {  	[tilespmem:s22], [sflag:$0x1] =	stream.indirect.gather [hbm4b:s1+s21], $0x80, s7, s21, $0xb8;
	v63 =	vld [tilespmem:$0x0]  }
0x99: {  	p1 =	sne.s32 s6, $0x5A00;
	_ =	swait.ge [sflag:s23], $0x4000  }
.Ltmp4:
0x9a: {  	[sflag:s23] =	ssyncset.done $0x0;
	(pc) =	sbr.rel @p1 .LBB2_8-.Ltmp4, $4  }
0x9b: {  	s6 =	sadd.s32 $0x3800, s7;
	[sflag:s23] =	ssyncadd.s32 $0xFFFFC000  }
0x9c: {  	[spmem:s3] =	stream.indirect.scatter.add.f32 [tilespmem:s22], [sflag:$0x2], $0x80, s6, s21, $0xb8;
	v63 =	vld [tilespmem:$0x0]  }
0x9d: {  	_ =	swait.ge [sflag:s0], $0x4000  }
0x9e: {  	s6 =	smov.u32 s8;
	[sflag:s0] =	ssyncset.done $0x0  }
0x9f: {  	s4 =	sshra.s32 s4, $0x2;
	[sflag:s0] =	ssyncadd.s32 $0xFFFFC000  }
0xa0: {  	[tilespmem:s22], [sflag:$0x1] =	stream.indirect.gather [hbm4b:s1+s21], $0x80, s4, s21, $0xb8;
	v63 =	vld [tilespmem:$0x0]  }
0xa1: {  	_ =	swait.ge [sflag:s23], $0x4000  }
0xa2: {  	[sflag:s23] =	ssyncset.done $0x0  }
.Ltmp5:
0xa3: {  	s4 =	sadd.s32 $0x3800, s4;
	[sflag:s23] =	ssyncadd.s32 $0xFFFFC000;
	(pc) =	sbr.rel .LBB2_10-.Ltmp5, $4  }
0xa4: {  	[spmem:s3] =	stream.indirect.scatter.add.f32 [tilespmem:s22], [sflag:$0x2], $0x80, s4, s21, $0xb8;
	v63 =	vld [tilespmem:$0x0]  }
0xa5: {  	_ =	swait.ge [sflag:s0], $0x4000  }
0xa6: {  	[sflag:s0] =	ssyncset.done $0x0  }
0xa7: {  	[sflag:s0] =	ssyncadd.s32 $0xFFFFC000  }
.LBB2_4:
0xa8: {  	s6 =	rddreg [dreg:$0x7]  }
0xa9: {  	[tilespmem:s4], [sflag:$0x2] =	stream.linear.gather [hbm4b:s6+s4], $0x3800, $0x38;
	v63 =	vld [tilespmem:$0x0]  }
0xaa: {  	_ =	swait.ge [sflag:s0], $0x3800  }
0xab: {  	[sflag:s0] =	ssyncset.done $0x0  }
0xac: {  	s7 =	simm.s32 $0x3800;
	s8 =	rddreg [dreg:$0x8];
	[sflag:s0] =	ssyncadd.s32 $0xFFFFC800  }
0xad: {  	[tilespmem:s7], [sflag:$0x2] =	stream.linear.gather [hbm4b:s8+s4], $0x3800, $0x38;
	v63 =	vld [tilespmem:$0x0]  }
0xae: {  	_ =	swait.ge [sflag:s0], $0x3800  }
0xaf: {  	[sflag:s0] =	ssyncset.done $0x0  }
0xb0: {  	s7 =	simm.s32 $0x0;
	[sflag:s0] =	ssyncadd.s32 $0xFFFFC800  }
0xb1: {  	[tilespmem:s22], [sflag:$0x1] =	stream.indirect.gather [hbm4b:s1+s21], $0x80, s7, s21, $0xb8;
	v63 =	vld [tilespmem:$0x0]  }
0xb2: {  	_ =	swait.ge [sflag:s23], $0x4000  }
0xb3: {  	[sflag:s23] =	ssyncset.done $0x0  }
0xb4: {  	s8 =	simm.s32 $0x3800;
	[sflag:s23] =	ssyncadd.s32 $0xFFFFC000  }
0xb5: {  	[spmem:s3] =	stream.indirect.scatter.add.f32 [tilespmem:s22], [sflag:$0x2], $0x80, s8, s21, $0xb8;
	v63 =	vld [tilespmem:$0x0]  }
0xb6: {  	_ =	swait.ge [sflag:s0], $0x4000  }
0xb7: {  	s6 =	simm.s32 $0x400;
	s4 =	simm.s32 $0x200;
	[sflag:s0] =	ssyncset.done $0x0  }
.LBB2_5:
0xb8: {  	s7 =	sshra.s32 s4, $0x2  }
0xb9: {  	[sflag:s0] =	ssyncadd.s32 $0xFFFFC000;
	s4 =	smov.u32 s6;
	s8 =	sadd.s32 $0x200, s6  }
0xba: {  	[tilespmem:s22], [sflag:$0x1] =	stream.indirect.gather [hbm4b:s1+s21], $0x80, s7, s21, $0xb8;
	v63 =	vld [tilespmem:$0x0]  }
0xbb: {  	p1 =	seq.s32 s6, $0xDE00;
	_ =	swait.ge [sflag:s23], $0x4000  }
.Ltmp6:
0xbc: {  	[sflag:s23] =	ssyncset.done $0x0;
	(pc) =	sbr.rel @!p1 .LBB2_5-.Ltmp6, $4  }
0xbd: {  	s6 =	sadd.s32 $0x3800, s7;
	[sflag:s23] =	ssyncadd.s32 $0xFFFFC000  }
0xbe: {  	[spmem:s3] =	stream.indirect.scatter.add.f32 [tilespmem:s22], [sflag:$0x2], $0x80, s6, s21, $0xb8;
	v63 =	vld [tilespmem:$0x0]  }
0xbf: {  	_ =	swait.ge [sflag:s0], $0x4000  }
0xc0: {  	s6 =	smov.u32 s8;
	[sflag:s0] =	ssyncset.done $0x0  }
.Ltmp7:
0xc1: {  	_ = 	snop;
	(pc) =	sbr.rel .LBB2_6-.Ltmp7, $1  }
0xc2: {  	_ =	sdelay $0x3  }
.LBB2_11:
0xc3: {  	_ =	sfence.sel $0x180000  }
0xc4: {  	[bflag:$0x0] =	sbarrier.arrive $0xFFFF  }
0xc5: {  	_ =	strace $0x9000004A  }
0xc6: {  	s0 =	stileid.u32;
	[bflag:$0x2] =	sbarrier.arrive $0xFFFF  }
0xc7: {  	p0 =	sne.s32 s0, $0x0;
	s0 =	rddreg [dreg:$0x3]  }
0xc8: {  	s0 =	sadd.s32 @!p0 $0x100000, s0  }
0xc9: {  	[sflag:s0] =	ssyncadd.tile.s32 @!p0 $0x1;
	_ =	shalt  }
.Lfunc_end2:
_tile_overlayer_lowered:
.L_overlay_start_2:
0xca: {  	(tag) =	ssettag $0x2  }
0xcb: {  	s0 =	rddreg [dreg:$0x0];
	s2 =	stileid.u32  }
0xcc: {  	s1 =	rddreg [dreg:$0x1];
	p0 =	sne.s32 s2, $0x0  }
0xcd: {  	s3 =	rddreg [dreg:$0x2];
	[bflag:$0x3] =	sbarrier.arrive $0xFFFF;
	s2 =	simm.s32 @!p0 $0x1C02  }
0xce: {  	[timem:s3], [sflag:s2] =	dma.local @!p0 [hbm:s0], s1  }
0xcf: {  	s0 =	simm.s32 @!p0 $0x2  }
0xd0: {  	_ =	swait.ge @!p0 [sflag:s0], s1  }
0xd1: {  	s1 =	ssub.s32 @!p0 $0x0, s1;
	[sflag:s0] =	ssyncset.done @!p0 $0x0  }
0xd2: {  	[sflag:s0] =	ssyncadd.s32 @!p0 s1  }
0xd3: {  	[bflag:$0x3] =	sbarrier.arrive $0xFFFF  }
0xd4: {  	_ =	shalt  }

// kernel: kernel.15.cloned.1.call-start
scs
__scs_entry_jumppad:
0x0: {  	(pc) =	sbr.rel $0x88, $3  }
0x1: {  	(tag) =	ssettag $0x0;
	lr =	simm.s32 $0x1  }
0x2: {  	[smem:$0x3F8E] =	sst lr;
	_ =	strace $0xD0000000  }
0x3: {  	_ = 	snop  }
0x4: {  	_ = 	snop  }
0x5: {  	_ = 	snop  }
0x6: {  	_ = 	snop  }
0x7: {  	_ = 	snop  }
__scs_overlays_trampoline_lowered:
0x8: {  	[smem:$0x3F9D] =	sst s0  }
0x9: {  	[smem:$0x3F9E] =	sst s1  }
0xa: {  	[smem:$0x3F9F] =	sst s2  }
0xb: {  	[smem:$0x3FA0] =	sst s3  }
0xc: {  	[smem:$0x3FA1] =	sst s4  }
0xd: {  	[smem:$0x3FA2] =	sst s5  }
0xe: {  	[smem:$0x3FA3] =	sst s6  }
0xf: {  	[smem:$0x3FA4] =	sst s7  }
0x10: {  	[smem:$0x3FA5] =	sst s8  }
0x11: {  	[smem:$0x3FA6] =	sst s9;
	s0 =	simm.s32 @!p0 $0x0  }
0x12: {  	s1 =	sld [smem:$0x3F8C];
	s0 =	simm.s32 @p0 $0x1  }
0x13: {  	[smem:$0x3FA7] =	sst s0;
	s0 =	simm.s32 @!p1 $0x0  }
0x14: {  	s2 =	sld [smem:$0x3F8B];
	s0 =	simm.s32 @p1 $0x1  }
0x15: {  	[smem:$0x3FA8] =	sst s0;
	s0 =	simm.s32 @!p2 $0x0  }
0x16: {  	s3 =	sld [smem:$0x3FDB];
	s0 =	simm.s32 @p2 $0x1  }
0x17: {  	s4 =	simm.s32 $0x1BF5;
	[smem:$0x3FAA] =	sst s0  }
0x18: {  	s0 =	sld [smem:$0x3F8D];
	_ =	swait.ge [sflag:s4], $0x0  }
0x19: {  	s7 =	sld [smem:$0x3F8E]  }
0x1a: {  	s8 =	sadd.s32 $0xFFFFE003, lr  }
0x1b: {  	s9 =	sadd.s32 $0xFFFFFEF7, lr;
	s5 =	simm.s32 $0xFFFFFFFF;
	p2 =	slt.u32 s8, $0xFFFFF086  }
0x1c: {  	p1 =	slt.u32 s9, $0xF7A;
	s5 =	simm.s32 @!p2 $0x0  }
0x1d: {  	s5 =	simm.s32 @p1 $0x1;
	p0 =	seq.s32 s7, s2  }
0x1e: {  	s7 =	smul.u32 @!p0 $0xF7A, s2;
	p2 =	seq.s32 @!p0 s5, $0x0  }
0x1f: {  	s9 =	smul.u32 $0xF7A, s1;
	s8 =	simm.s32 @!p0 $0x1BF5;
	p2 =	por !p2, p0  }
0x20: {  	[sflag:s8] =	ssyncset.s32 @!p0 $0xFFFFF086;
	s6 =	sadd.s32 @!p0 s3, s7;
	s7 =	simm.s32 @!p0 $0x108  }
0x21: {  	s3 =	sadd.s32 s3, s9;
	s6 =	sadd.s32 @!p0 $0x88, s6;
	s7 =	simm.s32 @p2 $0x1082  }
0x22: {  	[simem:s7], [sflag:s8] =	dma.local @!p0 [hbm:s6], $0xF7A  }
0x23: {  	s9 =	sor.u32 $0xD0000000, s2;
	s6 =	simm.s32 $0x108;
	_ =	swait.ge @!p0 [sflag:s8], $0x0  }
0x24: {  	s3 =	sadd.s32 $0x88, s3;
	s6 =	simm.s32 @!p1 $0x1082;
	[sflag:s4] =	ssyncset.s32 $0xFFFFF086  }
0x25: {  	[simem:s6], [sflag:s4] =	dma.local [hbm:s3], $0xF7A  }
0x26: {  	[smem:$0x3F8E] =	sst s1;
	(tag) =	ssettag s2;
	_ =	strace s9  }
0x27: {  	s1 =	sld [smem:$0x3F9E]  }
0x28: {  	s2 =	sld [smem:$0x3F9F]  }
0x29: {  	s4 =	sld [smem:$0x3FA1]  }
0x2a: {  	p0 =	seq.s32 s5, $0x0;
	s5 =	sld [smem:$0x3FA2]  }
0x2b: {  	s6 =	sld [smem:$0x3FA3]  }
0x2c: {  	s7 =	sld [smem:$0x3FA4]  }
0x2d: {  	s3 =	simm.s32 $0x108;
	s8 =	sld [smem:$0x3FA5]  }
0x2e: {  	s3 =	simm.s32 @!p0 $0x1082;
	s9 =	sld [smem:$0x3FA6]  }
0x2f: {  	lr =	sadd.s32 s0, s3;
	s0 =	sld [smem:$0x3F9D]  }
0x30: {  	s3 =	sld [smem:$0x3FA0]  }
0x31: {  	[smem:$0x3FA9] =	sst s10  }
0x32: {  	s10 =	sld [smem:$0x3FA7];
	_ =	sdelay $0x3  }
0x33: {  	p0 =	seq.s32 s10, $0x1;
	s10 =	sld [smem:$0x3FA9];
	_ =	sdelay $0x3  }
0x34: {  	[smem:$0x3FA9] =	sst s10  }
0x35: {  	s10 =	sld [smem:$0x3FA8];
	_ =	sdelay $0x3  }
0x36: {  	p1 =	seq.s32 s10, $0x1;
	s10 =	sld [smem:$0x3FA9];
	_ =	sdelay $0x3  }
0x37: {  	[smem:$0x3FA9] =	sst s10  }
0x38: {  	s10 =	sld [smem:$0x3FAA]  }
0x39: {  	_ = 	snop;
	(pc) =	sbr.ind lr, $3  }
0x3a: {  	_ = 	snop  }
0x3b: {  	_ = 	snop  }
0x3c: {  	p2 =	seq.s32 s10, $0x1;
	s10 =	sld [smem:$0x3FA9]  }
0x3d: {  	_ =	shalt  }
0x3e: {  	_ =	shalt  }
0x3f: {  	_ =	shalt  }
0x40: {  	_ =	shalt  }
0x41: {  	_ =	shalt  }
0x42: {  	_ =	shalt  }
0x43: {  	_ =	shalt  }
0x44: {  	_ =	shalt  }
0x45: {  	_ =	shalt  }
0x46: {  	_ =	shalt  }
0x47: {  	_ =	shalt  }
0x48: {  	_ =	shalt  }
0x49: {  	_ =	shalt  }
0x4a: {  	_ =	shalt  }
0x4b: {  	_ =	shalt  }
0x4c: {  	_ =	shalt  }
0x4d: {  	_ =	shalt  }
0x4e: {  	_ =	shalt  }
0x4f: {  	_ =	shalt  }
0x50: {  	_ =	shalt  }
0x51: {  	_ =	shalt  }
0x52: {  	_ =	shalt  }
0x53: {  	_ =	shalt  }
0x54: {  	_ =	shalt  }
0x55: {  	_ =	shalt  }
0x56: {  	_ =	shalt  }
0x57: {  	_ =	shalt  }
0x58: {  	_ =	shalt  }
0x59: {  	_ =	shalt  }
0x5a: {  	_ =	shalt  }
0x5b: {  	_ =	shalt  }
0x5c: {  	_ =	shalt  }
0x5d: {  	_ =	shalt  }
0x5e: {  	_ =	shalt  }
0x5f: {  	_ =	shalt  }
0x60: {  	_ =	shalt  }
0x61: {  	_ =	shalt  }
0x62: {  	_ =	shalt  }
0x63: {  	_ =	shalt  }
0x64: {  	_ =	shalt  }
0x65: {  	_ =	shalt  }
0x66: {  	_ =	shalt  }
0x67: {  	_ =	shalt  }
0x68: {  	_ =	shalt  }
0x69: {  	_ =	shalt  }
0x6a: {  	_ =	shalt  }
0x6b: {  	_ =	shalt  }
0x6c: {  	_ =	shalt  }
0x6d: {  	_ =	shalt  }
0x6e: {  	_ =	shalt  }
0x6f: {  	_ =	shalt  }
0x70: {  	_ =	shalt  }
0x71: {  	_ =	shalt  }
0x72: {  	_ =	shalt  }
0x73: {  	_ =	shalt  }
0x74: {  	_ =	shalt  }
0x75: {  	_ =	shalt  }
0x76: {  	_ =	shalt  }
0x77: {  	_ =	shalt  }
0x78: {  	_ =	shalt  }
0x79: {  	_ =	shalt  }
0x7a: {  	_ =	shalt  }
0x7b: {  	_ =	shalt  }
0x7c: {  	_ =	shalt  }
0x7d: {  	_ =	shalt  }
0x7e: {  	_ =	shalt  }
0x7f: {  	_ =	shalt  }
0x80: {  	_ =	shalt  }
0x81: {  	_ =	shalt  }
0x82: {  	_ =	shalt  }
0x83: {  	_ =	shalt  }
0x84: {  	_ =	shalt  }
0x85: {  	_ =	shalt  }
0x86: {  	_ =	shalt  }
0x87: {  	_ =	shalt  }
.Lfunc_end0:
.L_simem_size_0:
called_computation.2_lowered:
.L_overlay_start_0:
0x88: {  	s2 =	sld [smem:$0x3FD9]  }
0x89: {  	s3 =	sld [smem:$0x3FFE];
	_ =	sdelay $0x1  }
0x8a: {  	s1 =	srdreg.scid  }
0x8b: {  	s0 =	sand.u32 $0x1, s1  }
0x8c: {  	s17 =	sshll.u32 s0, $0xA;
	s2 =	sadd.s32 s3, s2  }
0x8d: {  	s2 =	sadd.s32 s2, s17  }
0x8e: {  	[smem:$0x3FB5] =	sst s2  }
0x8f: {  	_ = 	snop  }
0x90: {  	s2 =	sld [smem:$0x3FD0];
	(tm) =	ssettm $0x1  }
0x91: {  	s18 =	sld [smem:$0x3FFB];
	_ =	sdelay $0x3  }
0x92: {  	_ =	strace s18  }
0x93: {  	s3 =	sld [smem:$0x3FFC];
	_ =	sdelay $0x3  }
0x94: {  	_ =	strace s3  }
0x95: {  	s3 =	sld [smem:$0x3FFD];
	_ =	sdelay $0x3  }
0x96: {  	_ =	strace s3  }
0x97: {  	_ =	strace $0x8FFFFFFF  }
0x98: {  	s19 =	sld [smem:$0x3FDB];
	_ =	sdelay $0x1  }
0x99: {  	s4 =	simm.s32 $_scs_section_size  }
0x9a: {  	s5 =	simm.s32 $_size__tile_overlayer_lowered;
	s6 =	simm.s32 $_tile_overlayer_lowered  }
0x9b: {  	s22 =	simm.s32 $0x1BFF;
	s21 =	sshll.u32 s6, $0x1;
	s3 =	sadd.s32 s4, s19  }
0x9c: {  	s7 =	simm.s32 $0x0;
	s20 =	sshll.u32 s5, $0x1;
	s5 =	sadd.s32 s21, s3  }
0x9d: {  	[timem:s7], [sflag:s22] =	dma.local [hbm:s5], s20  }
0x9e: {  	_ =	swait.ge [sflag:s22], s20  }
0x9f: {  	s4 =	ssub.s32 $0x0, s20;
	[sflag:s22] =	ssyncset.done $0x0  }
0xa0: {  	[sflag:s22] =	ssyncadd.s32 s4;
	_ =	sdelay $0x1  }
0xa1: {  	s23 =	simm.s32 $0x1B8B  }
0xa2: {  	_ =	swait.ge [sflag:s23], $0x1  }
0xa3: {  	[sflag:s23] =	ssyncset.done $0x0  }
0xa4: {  	s25 =	simm.s32 $0x1B8E;
	s24 =	sld [smem:$0x3FFE];
	[sflag:s23] =	ssyncadd.s32 $0xFFFFFFFF  }
0xa5: {  	s26 =	simm.s32 $execute0_lowered;
	[smem:$0x3FD2] =	sst s25  }
0xa6: {  	s5 =	sshll.u32 s26, $0x1;
	_ =	strace $0x8000004C;
	[dreg:$0x1] =	wrdreg $0xFFFFFFFF  }
0xa7: {  	s28 =	simm.s32 $_size_execute0_lowered;
	s3 =	sadd.s32 s3, s5;
	[dreg:$0x0] =	wrdreg $0x0  }
0xa8: {  	s5 =	sshll.u32 s28, $0x1;
	[dreg:$0x2] =	wrdreg s3  }
0xa9: {  	[dreg:$0x3] =	wrdreg s5  }
0xaa: {  	[dreg:$0x4] =	wrdreg $0xC0  }
0xab: {  	_ =	task [dreg:s7], $0x5FFFF  }
0xac: {  	[dreg:$0x1] =	wrdreg $0xFFFFFFFF  }
0xad: {  	[dreg:$0x0] =	wrdreg $0x60  }
0xae: {  	[dreg:$0x2] =	wrdreg s24  }
0xaf: {  	[dreg:$0x3] =	wrdreg s2  }
0xb0: {  	[dreg:$0x4] =	wrdreg $0xC0000  }
0xb1: {  	[dreg:$0x5] =	wrdreg $0x9  }
0xb2: {  	_ =	task.clear_ibuf [dreg:s7], $0x6FFFF;
	_ =	strace $0x9000004C  }
0xb3: {  	s29 =	simm.s32 $0x9;
	_ =	strace $0x8000004E  }
0xb4: {  	_ =	swait.ge [sflag:s29], $0x1  }
0xb5: {  	[sflag:s29] =	ssyncadd.s32 $0xFFFFFFFF  }
0xb6: {  	_ =	strace $0x9000004E  }
0xb7: {  	_ =	sfence  }
0xb8: {  	s30 =	sld [smem:$0x0];
	_ =	sdelay $0x2  }
0xb9: {  	s31 =	sshll.u32 s1, $0xD;
	s1 =	sshrl.u32 s1, $0x2  }
0xba: {  	s3 =	sand.u32 $0x4000, s31;
	s1 =	sadd.s32 s1, s30  }
0xbb: {  	s0 =	sor.u32 s3, s0;
	s1 =	sshll.u32 s1, $0x11  }
0xbc: {  	s0 =	sor.u32 s1, s0  }
0xbd: {  	s0 =	sadd.s32 $0x8F2B, s0  }
0xbe: {  	[sflag:s0] =	ssyncadd.remote.s32 $0x1  }
0xbf: {  	_ =	sfence.sel $0xFFFF  }
0xc0: {  	[dreg:$0x0] =	wrdreg $0xFFFFFFFF;
	(pc) =	sbr.abs _section_cstart, $3  }
0xc1: {  	[dreg:$0x1] =	wrdreg $0xFFFFFFFF  }
0xc2: {  	_ =	task.clear_ibuf [dreg:s7], $0x2FFFF;
	_ =	strace $0x9FFFFFFF  }
0xc3: {  	(tm) =	ssettm $0x7FFFFFFF  }
tec
execute0_lowered:
.L_overlay_start_1:
0x0: {  	(tag) =	ssettag $0x1  }
0x1: {  	s0 =	rddreg [dreg:$0x0];
	s8 =	stileid.u32  }
0x2: {  	s1 =	rddreg [dreg:$0x1];
	s2 =	smul.u32 $0x700, s8  }
0x3: {  	s4 =	srdreg.scid;
	s5 =	smul.u32 $0x300, s8  }
0x4: {  	s3 =	rddreg [dreg:$0x2];
	s16 =	smul.u32 $0x14000, s8  }
0x5: {  	s7 =	simm.s32 $0x0;
	s4 =	sand.u32 $0x1, s4;
	s8 =	smul.u32 $0x50000, s8  }
0x6: {  	[smem:$0x7FF] =	sst s7;
	s6 =	smul.u32 $0x140000, s4  }
0x7: {  	_ =	strace $0x8000004D;
	s18 =	ssub.s32 $0x2, s4;
	p0 =	seq.s32 s4, $0x1  }
0x8: {  	s2 =	sadd.s32 s2, s0;
	s20 =	sadd.s32 s5, s0;
	s19 =	sshrl.u32 s18, $0x1  }
0x9: {  	s8 =	sshrl.u32 s8, $0x2;
	s17 =	sadd.s32 s16, s6;
	s24 =	sadd.s32 $0xC400, s2  }
0xa: {  	s6 =	ssub.s32 s18, s19;
	s2 =	sadd.s32 $0x5400, s2;
	[dreg:$0x7] =	wrdreg s24  }
0xb: {  	s25 =	sadd.s32 $0x13400, s20;
	s26 =	sadd.s32 $0x16400, s20;
	[dreg:$0x8] =	wrdreg s2  }
0xc: {  	s20 =	simm.s32 $0x0;
	s5 =	sshrl.u32 s17, $0x3;
	[dreg:$0x9] =	wrdreg s25  }
0xd: {  	[dreg:$0xa] =	wrdreg s26;
	s0 =	sadd.s32 s5, s0;
	s5 =	sadd.s32 s8, s3  }
0xe: {  	s25 =	smax.u32 s6, $0x1;
	s2 =	simm.s32 $0xB000;
	s21 =	sadd.s32 $0x1000, s5  }
0xf: {  	s22 =	sadd.s32 $0x2000, s5;
	s23 =	sadd.s32 $0x3000, s5;
	s9 =	sadd.s32 $0x4000, s5  }
0x10: {  	s10 =	sadd.s32 $0x5000, s5;
	s11 =	sadd.s32 $0x6000, s5;
	s12 =	sadd.s32 $0x7000, s5  }
0x11: {  	s13 =	sadd.s32 $0x8000, s5;
	s14 =	sadd.s32 $0x9000, s5;
	s15 =	sadd.s32 $0xA000, s5  }
0x12: {  	s16 =	sadd.s32 $0xB000, s5;
	s17 =	sadd.s32 $0xC000, s5;
	s18 =	sadd.s32 $0xD000, s5  }
.Ltmp0:
0x13: {  	s19 =	sadd.s32 $0xE000, s5;
	s24 =	sadd.s32 $0x19400, s0;
	(pc) =	sbr.rel .LBB2_1-.Ltmp0, $4  }
0x14: {  	s26 =	sadd.s32 $0xF000, s5;
	s28 =	sadd.s32 $0x10000, s5;
	[dreg:$0x4] =	wrdreg s21  }
0x15: {  	s29 =	sadd.s32 $0x11000, s5;
	s30 =	sadd.s32 $0x12000, s5;
	[dreg:$0x5] =	wrdreg s22  }
0x16: {  	s31 =	sadd.s32 $0x13000, s5;
	s0 =	simm.s32 $0x2;
	[dreg:$0x6] =	wrdreg s23  }
0x17: {  	v0 =	vimm.f32 $0.0e+00;
	s21 =	simm.s32 $0x80;
	s22 =	simm.s32 $0x7000;
	s23 =	simm.s32 $0x1  }
.LBB2_6:
0x18: {  	s4 =	sshra.s32 s4, $0x2;
	[sflag:s0] =	ssyncadd.s32 $0xFFFFC000  }
0x19: {  	[tilespmem:s22], [sflag:$0x1] =	stream.indirect.gather [hbm4b:s1+s21], $0x80, s4, s21, $0xb8;
	v63 =	vld [tilespmem:$0x0]  }
0x1a: {  	_ =	swait.ge [sflag:s23], $0x4000  }
0x1b: {  	[sflag:s23] =	ssyncset.done $0x0  }
0x1c: {  	s4 =	sadd.s32 $0x3800, s4;
	[sflag:s23] =	ssyncadd.s32 $0xFFFFC000  }
0x1d: {  	[spmem:s3] =	stream.indirect.scatter.add.f32 [tilespmem:s22], [sflag:$0x2], $0x80, s4, s21, $0xb8;
	v63 =	vld [tilespmem:$0x0]  }
0x1e: {  	_ =	swait.ge [sflag:s0], $0x4000  }
0x1f: {  	[sflag:s0] =	ssyncset.done $0x0  }
0x20: {  	[sflag:s0] =	ssyncadd.s32 $0xFFFFC000  }
.LBB2_10:
0x21: {  	s4 =	stileid.u32;
	s20 =	sadd.s32 $0x1, s20  }
0x22: {  	[bflag:$0x0] =	sbarrier.arrive $0xFFFF;
	s4 =	sshll.u32 s4, $0x6;
	p1 =	sne.s32 s20, s25  }
.Ltmp1:
0x23: {  	s6 =	sshrl.u32 s5, $0x3;
	s4 =	sor.u32 $0x1C02, s4;
	(pc) =	sbr.rel @!p1 .LBB2_11-.Ltmp1, $4  }
0x24: {  	[hbm:s24], [sflag:s4] =	dma.local [spmem:s6], $0x2800  }
0x25: {  	_ =	swait.ge [sflag:s0], $0x2800  }
0x26: {  	[sflag:s0] =	ssyncset.done $0x0  }
0x27: {  	[sflag:s0] =	ssyncadd.s32 $0xFFFFD800  }
.LBB2_1:
0x28: {  	s6 =	simm.s32 $0x0  }
0x29: {  	s4 =	sand.u32 $0x3E00, s6  }
0x2a: {  	s6 =	sand.u32 $0x70, s6;
	s7 =	sshrl.u32 s4, $0x2  }
0x2b: {  	s4 =	simm.s32 $0x40;
	s7 =	sor.u32 s6, s7;
	s6 =	simm.s32 $0x0  }
.LBB2_2:
0x2c: {  	p1 =	sne.s32 s4, $0x3FC0  }
0x2d: {  	[tilespmem:s7+$0xB000] =	vst v0;
	s6 =	sadd.s32 $0x10, s6;
	s7 =	smov.u32 s4;
	s4 =	sadd.s32 $0x40, s4  }
.Ltmp2:
0x2e: {  	(pc) =	sbr.rel @p1 .LBB2_2-.Ltmp2, $4  }
0x2f: {  	_ = 	snop  }
0x30: {  	s7 =	sand.u32 $0x3E00, s7  }
0x31: {  	s8 =	sand.u32 $0x70, s6;
	s7 =	sshrl.u32 s7, $0x2  }
0x32: {  	s7 =	sor.u32 s8, s7  }
0x33: {  	[tilespmem:s7+$0xB000] =	vst v0  }
0x34: {  	[spmem:s5] =	stream.linear.scatter [tilespmem:s2], [sflag:$0x2], $0x1000, $0x38;
	v63 =	vld [tilespmem:$0x0]  }
0x35: {  	_ =	swait.ge [sflag:s0], $0x1000  }
0x36: {  	[sflag:s0] =	ssyncset.done $0x0  }
0x37: {  	s4 =	rddreg [dreg:$0x4];
	[sflag:s0] =	ssyncadd.s32 $0xFFFFF000  }
0x38: {  	[spmem:s4] =	stream.linear.scatter [tilespmem:s2], [sflag:$0x2], $0x1000, $0x38;
	v63 =	vld [tilespmem:$0x0]  }
0x39: {  	_ =	swait.ge [sflag:s0], $0x1000  }
0x3a: {  	[sflag:s0] =	ssyncset.done $0x0  }
0x3b: {  	s7 =	rddreg [dreg:$0x5];
	[sflag:s0] =	ssyncadd.s32 $0xFFFFF000  }
0x3c: {  	[spmem:s7] =	stream.linear.scatter [tilespmem:s2], [sflag:$0x2], $0x1000, $0x38;
	v63 =	vld [tilespmem:$0x0]  }
0x3d: {  	_ =	swait.ge [sflag:s0], $0x1000  }
0x3e: {  	[sflag:s0] =	ssyncset.done $0x0  }
0x3f: {  	s8 =	rddreg [dreg:$0x6];
	[sflag:s0] =	ssyncadd.s32 $0xFFFFF000  }
0x40: {  	[spmem:s8] =	stream.linear.scatter [tilespmem:s2], [sflag:$0x2], $0x1000, $0x38;
	v63 =	vld [tilespmem:$0x0]  }
0x41: {  	_ =	swait.ge [sflag:s0], $0x1000  }
0x42: {  	[sflag:s0] =	ssyncset.done $0x0  }
0x43: {  	[sflag:s0] =	ssyncadd.s32 $0xFFFFF000  }
0x44: {  	[spmem:s9] =	stream.linear.scatter [tilespmem:s2], [sflag:$0x2], $0x1000, $0x38;
	v63 =	vld [tilespmem:$0x0]  }
0x45: {  	_ =	swait.ge [sflag:s0], $0x1000  }
0x46: {  	[sflag:s0] =	ssyncset.done $0x0  }
0x47: {  	[sflag:s0] =	ssyncadd.s32 $0xFFFFF000  }
0x48: {  	[spmem:s10] =	stream.linear.scatter [tilespmem:s2], [sflag:$0x2], $0x1000, $0x38;
	v63 =	vld [tilespmem:$0x0]  }
0x49: {  	_ =	swait.ge [sflag:s0], $0x1000  }
0x4a: {  	[sflag:s0] =	ssyncset.done $0x0  }
0x4b: {  	[sflag:s0] =	ssyncadd.s32 $0xFFFFF000  }
0x4c: {  	[spmem:s11] =	stream.linear.scatter [tilespmem:s2], [sflag:$0x2], $0x1000, $0x38;
	v63 =	vld [tilespmem:$0x0]  }
0x4d: {  	_ =	swait.ge [sflag:s0], $0x1000  }
0x4e: {  	[sflag:s0] =	ssyncset.done $0x0  }
0x4f: {  	[sflag:s0] =	ssyncadd.s32 $0xFFFFF000  }
0x50: {  	[spmem:s12] =	stream.linear.scatter [tilespmem:s2], [sflag:$0x2], $0x1000, $0x38;
	v63 =	vld [tilespmem:$0x0]  }
0x51: {  	_ =	swait.ge [sflag:s0], $0x1000  }
0x52: {  	[sflag:s0] =	ssyncset.done $0x0  }
0x53: {  	[sflag:s0] =	ssyncadd.s32 $0xFFFFF000  }
0x54: {  	[spmem:s13] =	stream.linear.scatter [tilespmem:s2], [sflag:$0x2], $0x1000, $0x38;
	v63 =	vld [tilespmem:$0x0]  }
0x55: {  	_ =	swait.ge [sflag:s0], $0x1000  }
0x56: {  	[sflag:s0] =	ssyncset.done $0x0  }
0x57: {  	[sflag:s0] =	ssyncadd.s32 $0xFFFFF000  }
0x58: {  	[spmem:s14] =	stream.linear.scatter [tilespmem:s2], [sflag:$0x2], $0x1000, $0x38;
	v63 =	vld [tilespmem:$0x0]  }
0x59: {  	_ =	swait.ge [sflag:s0], $0x1000  }
0x5a: {  	[sflag:s0] =	ssyncset.done $0x0  }
0x5b: {  	[sflag:s0] =	ssyncadd.s32 $0xFFFFF000  }
0x5c: {  	[spmem:s15] =	stream.linear.scatter [tilespmem:s2], [sflag:$0x2], $0x1000, $0x38;
	v63 =	vld [tilespmem:$0x0]  }
0x5d: {  	_ =	swait.ge [sflag:s0], $0x1000  }
0x5e: {  	[sflag:s0] =	ssyncset.done $0x0  }
0x5f: {  	[sflag:s0] =	ssyncadd.s32 $0xFFFFF000  }
0x60: {  	[spmem:s16] =	stream.linear.scatter [tilespmem:s2], [sflag:$0x2], $0x1000, $0x38;
	v63 =	vld [tilespmem:$0x0]  }
0x61: {  	_ =	swait.ge [sflag:s0], $0x1000  }
0x62: {  	[sflag:s0] =	ssyncset.done $0x0  }
0x63: {  	[sflag:s0] =	ssyncadd.s32 $0xFFFFF000  }
0x64: {  	[spmem:s17] =	stream.linear.scatter [tilespmem:s2], [sflag:$0x2], $0x1000, $0x38;
	v63 =	vld [tilespmem:$0x0]  }
0x65: {  	_ =	swait.ge [sflag:s0], $0x1000  }
0x66: {  	[sflag:s0] =	ssyncset.done $0x0  }
0x67: {  	[sflag:s0] =	ssyncadd.s32 $0xFFFFF000  }
0x68: {  	[spmem:s18] =	stream.linear.scatter [tilespmem:s2], [sflag:$0x2], $0x1000, $0x38;
	v63 =	vld [tilespmem:$0x0]  }
0x69: {  	_ =	swait.ge [sflag:s0], $0x1000  }
0x6a: {  	[sflag:s0] =	ssyncset.done $0x0  }
0x6b: {  	[sflag:s0] =	ssyncadd.s32 $0xFFFFF000  }
0x6c: {  	[spmem:s19] =	stream.linear.scatter [tilespmem:s2], [sflag:$0x2], $0x1000, $0x38;
	v63 =	vld [tilespmem:$0x0]  }
0x6d: {  	_ =	swait.ge [sflag:s0], $0x1000  }
0x6e: {  	[sflag:s0] =	ssyncset.done $0x0  }
0x6f: {  	[sflag:s0] =	ssyncadd.s32 $0xFFFFF000  }
0x70: {  	[spmem:s26] =	stream.linear.scatter [tilespmem:s2], [sflag:$0x2], $0x1000, $0x38;
	v63 =	vld [tilespmem:$0x0]  }
0x71: {  	_ =	swait.ge [sflag:s0], $0x1000  }
0x72: {  	[sflag:s0] =	ssyncset.done $0x0  }
0x73: {  	[sflag:s0] =	ssyncadd.s32 $0xFFFFF000  }
0x74: {  	[spmem:s28] =	stream.linear.scatter [tilespmem:s2], [sflag:$0x2], $0x1000, $0x38;
	v63 =	vld [tilespmem:$0x0]  }
0x75: {  	_ =	swait.ge [sflag:s0], $0x1000  }
0x76: {  	[sflag:s0] =	ssyncset.done $0x0  }
0x77: {  	[sflag:s0] =	ssyncadd.s32 $0xFFFFF000  }
0x78: {  	[spmem:s29] =	stream.linear.scatter [tilespmem:s2], [sflag:$0x2], $0x1000, $0x38;
	v63 =	vld [tilespmem:$0x0]  }
0x79: {  	_ =	swait.ge [sflag:s0], $0x1000  }
0x7a: {  	[sflag:s0] =	ssyncset.done $0x0  }
0x7b: {  	[sflag:s0] =	ssyncadd.s32 $0xFFFFF000  }
0x7c: {  	[spmem:s30] =	stream.linear.scatter [tilespmem:s2], [sflag:$0x2], $0x1000, $0x38;
	v63 =	vld [tilespmem:$0x0]  }
0x7d: {  	_ =	swait.ge [sflag:s0], $0x1000  }
0x7e: {  	[sflag:s0] =	ssyncset.done $0x0  }
0x7f: {  	[sflag:s0] =	ssyncadd.s32 $0xFFFFF000  }
0x80: {  	[spmem:s31] =	stream.linear.scatter [tilespmem:s2], [sflag:$0x2], $0x1000, $0x38;
	v63 =	vld [tilespmem:$0x0]  }
.Ltmp3:
0x81: {  	_ =	swait.ge [sflag:s0], $0x1000;
	(pc) =	sbr.rel @!p0 .LBB2_4-.Ltmp3, $4  }
0x82: {  	[sflag:s0] =	ssyncset.done $0x0  }
0x83: {  	[sflag:s0] =	ssyncadd.s32 $0xFFFFF000  }
0x84: {  	[bflag:$0x0] =	sbarrier.arrive $0xFFFF  }
0x85: {  	s4 =	simm.s32 $0x0  }
0x86: {  	s6 =	rddreg [dreg:$0x9]  }
0x87: {  	[tilespmem:s4], [sflag:$0x2] =	stream.linear.gather [hbm4b:s6+s4], $0x1700, $0x38;
	v63 =	vld [tilespmem:$0x0]  }
0x88: {  	_ =	swait.ge [sflag:s0], $0x1700  }
0x89: {  	[sflag:s0] =	ssyncset.done $0x0  }
0x8a: {  	s7 =	simm.s32 $0x3800;
	s8 =	rddreg [dreg:$0xa];
	[sflag:s0] =	ssyncadd.s32 $0xFFFFE900  }
0x8b: {  	[tilespmem:s7], [sflag:$0x2] =	stream.linear.gather [hbm4b:s8+s4], $0x1700, $0x38;
	v63 =	vld [tilespmem:$0x0]  }
0x8c: {  	_ =	swait.ge [sflag:s0], $0x1700  }
0x8d: {  	[sflag:s0] =	ssyncset.done $0x0  }
0x8e: {  	s7 =	simm.s32 $0x0;
	[sflag:s0] =	ssyncadd.s32 $0xFFFFE900  }
0x8f: {  	[tilespmem:s22], [sflag:$0x1] =	stream.indirect.gather [hbm4b:s1+s21], $0x80, s7, s21, $0xb8;
	v63 =	vld [tilespmem:$0x0]  }
0x90: {  	_ =	swait.ge [sflag:s23], $0x4000  }
0x91: {  	[sflag:s23] =	ssyncset.done $0x0  }
0x92: {  	s8 =	simm.s32 $0x3800;
	[sflag:s23] =	ssyncadd.s32 $0xFFFFC000  }
0x93: {  	[spmem:s3] =	stream.indirect.scatter.add.f32 [tilespmem:s22], [sflag:$0x2], $0x80, s8, s21, $0xb8;
	v63 =	vld [tilespmem:$0x0]  }
0x94: {  	_ =	swait.ge [sflag:s0], $0x4000  }
0x95: {  	s6 =	simm.s32 $0x400;
	s4 =	simm.s32 $0x200;
	[sflag:s0] =	ssyncset.done $0x0  }
.LBB2_8:
0x96: {  	s7 =	sshra.s32 s4, $0x2  }
0x97: {  	[sflag:s0] =	ssyncadd.s32 $0xFFFFC000;
	s4 =	smov.u32 s6;
	s8 =	sadd.s32 $0x200, s6  }
0x98: {  	[tilespmem:s22], [sflag:$0x1] =	stream.indirect.gather [hbm4b:s1+s21], $0x80, s7, s21, $0xb8;
	v63 =	vld [tilespmem:$0x0]  }
0x99: {  	p1 =	sne.s32 s6, $0x5A00;
	_ =	swait.ge [sflag:s23], $0x4000  }
.Ltmp4:
0x9a: {  	[sflag:s23] =	ssyncset.done $0x0;
	(pc) =	sbr.rel @p1 .LBB2_8-.Ltmp4, $4  }
0x9b: {  	s6 =	sadd.s32 $0x3800, s7;
	[sflag:s23] =	ssyncadd.s32 $0xFFFFC000  }
0x9c: {  	[spmem:s3] =	stream.indirect.scatter.add.f32 [tilespmem:s22], [sflag:$0x2], $0x80, s6, s21, $0xb8;
	v63 =	vld [tilespmem:$0x0]  }
0x9d: {  	_ =	swait.ge [sflag:s0], $0x4000  }
0x9e: {  	s6 =	smov.u32 s8;
	[sflag:s0] =	ssyncset.done $0x0  }
0x9f: {  	s4 =	sshra.s32 s4, $0x2;
	[sflag:s0] =	ssyncadd.s32 $0xFFFFC000  }
0xa0: {  	[tilespmem:s22], [sflag:$0x1] =	stream.indirect.gather [hbm4b:s1+s21], $0x80, s4, s21, $0xb8;
	v63 =	vld [tilespmem:$0x0]  }
0xa1: {  	_ =	swait.ge [sflag:s23], $0x4000  }
0xa2: {  	[sflag:s23] =	ssyncset.done $0x0  }
.Ltmp5:
0xa3: {  	s4 =	sadd.s32 $0x3800, s4;
	[sflag:s23] =	ssyncadd.s32 $0xFFFFC000;
	(pc) =	sbr.rel .LBB2_10-.Ltmp5, $4  }
0xa4: {  	[spmem:s3] =	stream.indirect.scatter.add.f32 [tilespmem:s22], [sflag:$0x2], $0x80, s4, s21, $0xb8;
	v63 =	vld [tilespmem:$0x0]  }
0xa5: {  	_ =	swait.ge [sflag:s0], $0x4000  }
0xa6: {  	[sflag:s0] =	ssyncset.done $0x0  }
0xa7: {  	[sflag:s0] =	ssyncadd.s32 $0xFFFFC000  }
.LBB2_4:
0xa8: {  	s6 =	rddreg [dreg:$0x7]  }
0xa9: {  	[tilespmem:s4], [sflag:$0x2] =	stream.linear.gather [hbm4b:s6+s4], $0x3800, $0x38;
	v63 =	vld [tilespmem:$0x0]  }
0xaa: {  	_ =	swait.ge [sflag:s0], $0x3800  }
0xab: {  	[sflag:s0] =	ssyncset.done $0x0  }
0xac: {  	s7 =	simm.s32 $0x3800;
	s8 =	rddreg [dreg:$0x8];
	[sflag:s0] =	ssyncadd.s32 $0xFFFFC800  }
0xad: {  	[tilespmem:s7], [sflag:$0x2] =	stream.linear.gather [hbm4b:s8+s4], $0x3800, $0x38;
	v63 =	vld [tilespmem:$0x0]  }
0xae: {  	_ =	swait.ge [sflag:s0], $0x3800  }
0xaf: {  	[sflag:s0] =	ssyncset.done $0x0  }
0xb0: {  	s7 =	simm.s32 $0x0;
	[sflag:s0] =	ssyncadd.s32 $0xFFFFC800  }
0xb1: {  	[tilespmem:s22], [sflag:$0x1] =	stream.indirect.gather [hbm4b:s1+s21], $0x80, s7, s21, $0xb8;
	v63 =	vld [tilespmem:$0x0]  }
0xb2: {  	_ =	swait.ge [sflag:s23], $0x4000  }
0xb3: {  	[sflag:s23] =	ssyncset.done $0x0  }
0xb4: {  	s8 =	simm.s32 $0x3800;
	[sflag:s23] =	ssyncadd.s32 $0xFFFFC000  }
0xb5: {  	[spmem:s3] =	stream.indirect.scatter.add.f32 [tilespmem:s22], [sflag:$0x2], $0x80, s8, s21, $0xb8;
	v63 =	vld [tilespmem:$0x0]  }
0xb6: {  	_ =	swait.ge [sflag:s0], $0x4000  }
0xb7: {  	s6 =	simm.s32 $0x400;
	s4 =	simm.s32 $0x200;
	[sflag:s0] =	ssyncset.done $0x0  }
.LBB2_5:
0xb8: {  	s7 =	sshra.s32 s4, $0x2  }
0xb9: {  	[sflag:s0] =	ssyncadd.s32 $0xFFFFC000;
	s4 =	smov.u32 s6;
	s8 =	sadd.s32 $0x200, s6  }
0xba: {  	[tilespmem:s22], [sflag:$0x1] =	stream.indirect.gather [hbm4b:s1+s21], $0x80, s7, s21, $0xb8;
	v63 =	vld [tilespmem:$0x0]  }
0xbb: {  	p1 =	seq.s32 s6, $0xDE00;
	_ =	swait.ge [sflag:s23], $0x4000  }
.Ltmp6:
0xbc: {  	[sflag:s23] =	ssyncset.done $0x0;
	(pc) =	sbr.rel @!p1 .LBB2_5-.Ltmp6, $4  }
0xbd: {  	s6 =	sadd.s32 $0x3800, s7;
	[sflag:s23] =	ssyncadd.s32 $0xFFFFC000  }
0xbe: {  	[spmem:s3] =	stream.indirect.scatter.add.f32 [tilespmem:s22], [sflag:$0x2], $0x80, s6, s21, $0xb8;
	v63 =	vld [tilespmem:$0x0]  }
0xbf: {  	_ =	swait.ge [sflag:s0], $0x4000  }
0xc0: {  	s6 =	smov.u32 s8;
	[sflag:s0] =	ssyncset.done $0x0  }
.Ltmp7:
0xc1: {  	_ = 	snop;
	(pc) =	sbr.rel .LBB2_6-.Ltmp7, $1  }
0xc2: {  	_ =	sdelay $0x3  }
.LBB2_11:
0xc3: {  	_ =	sfence.sel $0x180000  }
0xc4: {  	[bflag:$0x0] =	sbarrier.arrive $0xFFFF  }
0xc5: {  	_ =	strace $0x9000004D  }
0xc6: {  	s0 =	stileid.u32;
	[bflag:$0x2] =	sbarrier.arrive $0xFFFF  }
0xc7: {  	p0 =	sne.s32 s0, $0x0;
	s0 =	rddreg [dreg:$0x3]  }
0xc8: {  	s0 =	sadd.s32 @!p0 $0x100000, s0  }
0xc9: {  	[sflag:s0] =	ssyncadd.tile.s32 @!p0 $0x1;
	_ =	shalt  }
.Lfunc_end2:
_tile_overlayer_lowered:
.L_overlay_start_2:
0xca: {  	(tag) =	ssettag $0x2  }
0xcb: {  	s0 =	rddreg [dreg:$0x0];
	s2 =	stileid.u32  }
0xcc: {  	s1 =	rddreg [dreg:$0x1];
	p0 =	sne.s32 s2, $0x0  }
0xcd: {  	s3 =	rddreg [dreg:$0x2];
	[bflag:$0x3] =	sbarrier.arrive $0xFFFF;
	s2 =	simm.s32 @!p0 $0x1C02  }
0xce: {  	[timem:s3], [sflag:s2] =	dma.local @!p0 [hbm:s0], s1  }
0xcf: {  	s0 =	simm.s32 @!p0 $0x2  }
0xd0: {  	_ =	swait.ge @!p0 [sflag:s0], s1  }
0xd1: {  	s1 =	ssub.s32 @!p0 $0x0, s1;
	[sflag:s0] =	ssyncset.done @!p0 $0x0  }
0xd2: {  	[sflag:s0] =	ssyncadd.s32 @!p0 s1  }
0xd3: {  	[bflag:$0x3] =	sbarrier.arrive $0xFFFF  }
0xd4: {  	_ =	shalt  }

// kernel: kernel.9.cloned.1.call-start
scs
__scs_entry_jumppad:
0x0: {  	(pc) =	sbr.rel $0x88, $3  }
0x1: {  	(tag) =	ssettag $0x0;
	lr =	simm.s32 $0x1  }
0x2: {  	[smem:$0x3F8E] =	sst lr;
	_ =	strace $0xD0000000  }
0x3: {  	_ = 	snop  }
0x4: {  	_ = 	snop  }
0x5: {  	_ = 	snop  }
0x6: {  	_ = 	snop  }
0x7: {  	_ = 	snop  }
__scs_overlays_trampoline_lowered:
0x8: {  	[smem:$0x3F9D] =	sst s0  }
0x9: {  	[smem:$0x3F9E] =	sst s1  }
0xa: {  	[smem:$0x3F9F] =	sst s2  }
0xb: {  	[smem:$0x3FA0] =	sst s3  }
0xc: {  	[smem:$0x3FA1] =	sst s4  }
0xd: {  	[smem:$0x3FA2] =	sst s5  }
0xe: {  	[smem:$0x3FA3] =	sst s6  }
0xf: {  	[smem:$0x3FA4] =	sst s7  }
0x10: {  	[smem:$0x3FA5] =	sst s8  }
0x11: {  	[smem:$0x3FA6] =	sst s9;
	s0 =	simm.s32 @!p0 $0x0  }
0x12: {  	s1 =	sld [smem:$0x3F8C];
	s0 =	simm.s32 @p0 $0x1  }
0x13: {  	[smem:$0x3FA7] =	sst s0;
	s0 =	simm.s32 @!p1 $0x0  }
0x14: {  	s2 =	sld [smem:$0x3F8B];
	s0 =	simm.s32 @p1 $0x1  }
0x15: {  	[smem:$0x3FA8] =	sst s0;
	s0 =	simm.s32 @!p2 $0x0  }
0x16: {  	s3 =	sld [smem:$0x3FDB];
	s0 =	simm.s32 @p2 $0x1  }
0x17: {  	s4 =	simm.s32 $0x1BF5;
	[smem:$0x3FAA] =	sst s0  }
0x18: {  	s0 =	sld [smem:$0x3F8D];
	_ =	swait.ge [sflag:s4], $0x0  }
0x19: {  	s7 =	sld [smem:$0x3F8E]  }
0x1a: {  	s8 =	sadd.s32 $0xFFFFE003, lr  }
0x1b: {  	s9 =	sadd.s32 $0xFFFFFEF7, lr;
	s5 =	simm.s32 $0xFFFFFFFF;
	p2 =	slt.u32 s8, $0xFFFFF086  }
0x1c: {  	p1 =	slt.u32 s9, $0xF7A;
	s5 =	simm.s32 @!p2 $0x0  }
0x1d: {  	s5 =	simm.s32 @p1 $0x1;
	p0 =	seq.s32 s7, s2  }
0x1e: {  	s7 =	smul.u32 @!p0 $0xF7A, s2;
	p2 =	seq.s32 @!p0 s5, $0x0  }
0x1f: {  	s9 =	smul.u32 $0xF7A, s1;
	s8 =	simm.s32 @!p0 $0x1BF5;
	p2 =	por !p2, p0  }
0x20: {  	[sflag:s8] =	ssyncset.s32 @!p0 $0xFFFFF086;
	s6 =	sadd.s32 @!p0 s3, s7;
	s7 =	simm.s32 @!p0 $0x108  }
0x21: {  	s3 =	sadd.s32 s3, s9;
	s6 =	sadd.s32 @!p0 $0x88, s6;
	s7 =	simm.s32 @p2 $0x1082  }
0x22: {  	[simem:s7], [sflag:s8] =	dma.local @!p0 [hbm:s6], $0xF7A  }
0x23: {  	s9 =	sor.u32 $0xD0000000, s2;
	s6 =	simm.s32 $0x108;
	_ =	swait.ge @!p0 [sflag:s8], $0x0  }
0x24: {  	s3 =	sadd.s32 $0x88, s3;
	s6 =	simm.s32 @!p1 $0x1082;
	[sflag:s4] =	ssyncset.s32 $0xFFFFF086  }
0x25: {  	[simem:s6], [sflag:s4] =	dma.local [hbm:s3], $0xF7A  }
0x26: {  	[smem:$0x3F8E] =	sst s1;
	(tag) =	ssettag s2;
	_ =	strace s9  }
0x27: {  	s1 =	sld [smem:$0x3F9E]  }
0x28: {  	s2 =	sld [smem:$0x3F9F]  }
0x29: {  	s4 =	sld [smem:$0x3FA1]  }
0x2a: {  	p0 =	seq.s32 s5, $0x0;
	s5 =	sld [smem:$0x3FA2]  }
0x2b: {  	s6 =	sld [smem:$0x3FA3]  }
0x2c: {  	s7 =	sld [smem:$0x3FA4]  }
0x2d: {  	s3 =	simm.s32 $0x108;
	s8 =	sld [smem:$0x3FA5]  }
0x2e: {  	s3 =	simm.s32 @!p0 $0x1082;
	s9 =	sld [smem:$0x3FA6]  }
0x2f: {  	lr =	sadd.s32 s0, s3;
	s0 =	sld [smem:$0x3F9D]  }
0x30: {  	s3 =	sld [smem:$0x3FA0]  }
0x31: {  	[smem:$0x3FA9] =	sst s10  }
0x32: {  	s10 =	sld [smem:$0x3FA7];
	_ =	sdelay $0x3  }
0x33: {  	p0 =	seq.s32 s10, $0x1;
	s10 =	sld [smem:$0x3FA9];
	_ =	sdelay $0x3  }
0x34: {  	[smem:$0x3FA9] =	sst s10  }
0x35: {  	s10 =	sld [smem:$0x3FA8];
	_ =	sdelay $0x3  }
0x36: {  	p1 =	seq.s32 s10, $0x1;
	s10 =	sld [smem:$0x3FA9];
	_ =	sdelay $0x3  }
0x37: {  	[smem:$0x3FA9] =	sst s10  }
0x38: {  	s10 =	sld [smem:$0x3FAA]  }
0x39: {  	_ = 	snop;
	(pc) =	sbr.ind lr, $3  }
0x3a: {  	_ = 	snop  }
0x3b: {  	_ = 	snop  }
0x3c: {  	p2 =	seq.s32 s10, $0x1;
	s10 =	sld [smem:$0x3FA9]  }
0x3d: {  	_ =	shalt  }
0x3e: {  	_ =	shalt  }
0x3f: {  	_ =	shalt  }
0x40: {  	_ =	shalt  }
0x41: {  	_ =	shalt  }
0x42: {  	_ =	shalt  }
0x43: {  	_ =	shalt  }
0x44: {  	_ =	shalt  }
0x45: {  	_ =	shalt  }
0x46: {  	_ =	shalt  }
0x47: {  	_ =	shalt  }
0x48: {  	_ =	shalt  }
0x49: {  	_ =	shalt  }
0x4a: {  	_ =	shalt  }
0x4b: {  	_ =	shalt  }
0x4c: {  	_ =	shalt  }
0x4d: {  	_ =	shalt  }
0x4e: {  	_ =	shalt  }
0x4f: {  	_ =	shalt  }
0x50: {  	_ =	shalt  }
0x51: {  	_ =	shalt  }
0x52: {  	_ =	shalt  }
0x53: {  	_ =	shalt  }
0x54: {  	_ =	shalt  }
0x55: {  	_ =	shalt  }
0x56: {  	_ =	shalt  }
0x57: {  	_ =	shalt  }
0x58: {  	_ =	shalt  }
0x59: {  	_ =	shalt  }
0x5a: {  	_ =	shalt  }
0x5b: {  	_ =	shalt  }
0x5c: {  	_ =	shalt  }
0x5d: {  	_ =	shalt  }
0x5e: {  	_ =	shalt  }
0x5f: {  	_ =	shalt  }
0x60: {  	_ =	shalt  }
0x61: {  	_ =	shalt  }
0x62: {  	_ =	shalt  }
0x63: {  	_ =	shalt  }
0x64: {  	_ =	shalt  }
0x65: {  	_ =	shalt  }
0x66: {  	_ =	shalt  }
0x67: {  	_ =	shalt  }
0x68: {  	_ =	shalt  }
0x69: {  	_ =	shalt  }
0x6a: {  	_ =	shalt  }
0x6b: {  	_ =	shalt  }
0x6c: {  	_ =	shalt  }
0x6d: {  	_ =	shalt  }
0x6e: {  	_ =	shalt  }
0x6f: {  	_ =	shalt  }
0x70: {  	_ =	shalt  }
0x71: {  	_ =	shalt  }
0x72: {  	_ =	shalt  }
0x73: {  	_ =	shalt  }
0x74: {  	_ =	shalt  }
0x75: {  	_ =	shalt  }
0x76: {  	_ =	shalt  }
0x77: {  	_ =	shalt  }
0x78: {  	_ =	shalt  }
0x79: {  	_ =	shalt  }
0x7a: {  	_ =	shalt  }
0x7b: {  	_ =	shalt  }
0x7c: {  	_ =	shalt  }
0x7d: {  	_ =	shalt  }
0x7e: {  	_ =	shalt  }
0x7f: {  	_ =	shalt  }
0x80: {  	_ =	shalt  }
0x81: {  	_ =	shalt  }
0x82: {  	_ =	shalt  }
0x83: {  	_ =	shalt  }
0x84: {  	_ =	shalt  }
0x85: {  	_ =	shalt  }
0x86: {  	_ =	shalt  }
0x87: {  	_ =	shalt  }
.Lfunc_end0:
.L_simem_size_0:
called_computation_lowered:
.L_overlay_start_0:
0x88: {  	s2 =	sld [smem:$0x3FD9]  }
0x89: {  	s3 =	sld [smem:$0x3FFE];
	_ =	sdelay $0x1  }
0x8a: {  	s1 =	srdreg.scid  }
0x8b: {  	s0 =	sand.u32 $0x1, s1  }
0x8c: {  	s17 =	sshll.u32 s0, $0xA;
	s2 =	sadd.s32 s3, s2  }
0x8d: {  	s2 =	sadd.s32 s2, s17  }
0x8e: {  	[smem:$0x3FB5] =	sst s2  }
0x8f: {  	_ = 	snop  }
0x90: {  	s2 =	sld [smem:$0x3FC9];
	(tm) =	ssettm $0x1  }
0x91: {  	s18 =	sld [smem:$0x3FFB];
	_ =	sdelay $0x3  }
0x92: {  	_ =	strace s18  }
0x93: {  	s3 =	sld [smem:$0x3FFC];
	_ =	sdelay $0x3  }
0x94: {  	_ =	strace s3  }
0x95: {  	s3 =	sld [smem:$0x3FFD];
	_ =	sdelay $0x3  }
0x96: {  	_ =	strace s3  }
0x97: {  	_ =	strace $0x8FFFFFFF  }
0x98: {  	s19 =	sld [smem:$0x3FDB];
	_ =	sdelay $0x1  }
0x99: {  	s4 =	simm.s32 $_scs_section_size  }
0x9a: {  	s5 =	simm.s32 $_size__tile_overlayer_lowered;
	s6 =	simm.s32 $_tile_overlayer_lowered  }
0x9b: {  	s22 =	simm.s32 $0x1BFF;
	s21 =	sshll.u32 s6, $0x1;
	s3 =	sadd.s32 s4, s19  }
0x9c: {  	s7 =	simm.s32 $0x0;
	s20 =	sshll.u32 s5, $0x1;
	s5 =	sadd.s32 s21, s3  }
0x9d: {  	[timem:s7], [sflag:s22] =	dma.local [hbm:s5], s20  }
0x9e: {  	_ =	swait.ge [sflag:s22], s20  }
0x9f: {  	s4 =	ssub.s32 $0x0, s20;
	[sflag:s22] =	ssyncset.done $0x0  }
0xa0: {  	[sflag:s22] =	ssyncadd.s32 s4;
	_ =	sdelay $0x1  }
0xa1: {  	s23 =	simm.s32 $0x1B8B  }
0xa2: {  	_ =	swait.ge [sflag:s23], $0x1  }
0xa3: {  	[sflag:s23] =	ssyncset.done $0x0  }
0xa4: {  	s25 =	simm.s32 $0x1B8E;
	s24 =	sld [smem:$0x3FFE];
	[sflag:s23] =	ssyncadd.s32 $0xFFFFFFFF  }
0xa5: {  	s26 =	simm.s32 $execute0_lowered;
	[smem:$0x3FD2] =	sst s25  }
0xa6: {  	s5 =	sshll.u32 s26, $0x1;
	_ =	strace $0x80000046;
	[dreg:$0x1] =	wrdreg $0xFFFFFFFF  }
0xa7: {  	s28 =	simm.s32 $_size_execute0_lowered;
	s3 =	sadd.s32 s3, s5;
	[dreg:$0x0] =	wrdreg $0x0  }
0xa8: {  	s5 =	sshll.u32 s28, $0x1;
	[dreg:$0x2] =	wrdreg s3  }
0xa9: {  	[dreg:$0x3] =	wrdreg s5  }
0xaa: {  	[dreg:$0x4] =	wrdreg $0xC0  }
0xab: {  	_ =	task [dreg:s7], $0x5FFFF  }
0xac: {  	[dreg:$0x1] =	wrdreg $0xFFFFFFFF  }
0xad: {  	[dreg:$0x0] =	wrdreg $0x60  }
0xae: {  	[dreg:$0x2] =	wrdreg s24  }
0xaf: {  	[dreg:$0x3] =	wrdreg s2  }
0xb0: {  	[dreg:$0x4] =	wrdreg $0xC0000  }
0xb1: {  	[dreg:$0x5] =	wrdreg $0x9  }
0xb2: {  	_ =	task.clear_ibuf [dreg:s7], $0x6FFFF;
	_ =	strace $0x90000046  }
0xb3: {  	s29 =	simm.s32 $0x9;
	_ =	strace $0x80000048  }
0xb4: {  	_ =	swait.ge [sflag:s29], $0x1  }
0xb5: {  	[sflag:s29] =	ssyncadd.s32 $0xFFFFFFFF  }
0xb6: {  	_ =	strace $0x90000048  }
0xb7: {  	_ =	sfence  }
0xb8: {  	s30 =	sld [smem:$0x0];
	_ =	sdelay $0x2  }
0xb9: {  	s31 =	sshll.u32 s1, $0xD;
	s1 =	sshrl.u32 s1, $0x2  }
0xba: {  	s3 =	sand.u32 $0x4000, s31;
	s1 =	sadd.s32 s1, s30  }
0xbb: {  	s0 =	sor.u32 s3, s0;
	s1 =	sshll.u32 s1, $0x11  }
0xbc: {  	s0 =	sor.u32 s1, s0  }
0xbd: {  	s0 =	sadd.s32 $0x8F2B, s0  }
0xbe: {  	[sflag:s0] =	ssyncadd.remote.s32 $0x1  }
0xbf: {  	_ =	sfence.sel $0xFFFF  }
0xc0: {  	[dreg:$0x0] =	wrdreg $0xFFFFFFFF;
	(pc) =	sbr.abs _section_cstart, $3  }
0xc1: {  	[dreg:$0x1] =	wrdreg $0xFFFFFFFF  }
0xc2: {  	_ =	task.clear_ibuf [dreg:s7], $0x2FFFF;
	_ =	strace $0x9FFFFFFF  }
0xc3: {  	(tm) =	ssettm $0x7FFFFFFF  }
tec
execute0_lowered:
.L_overlay_start_1:
0x0: {  	(tag) =	ssettag $0x1  }
0x1: {  	s0 =	rddreg [dreg:$0x0];
	s8 =	stileid.u32  }
0x2: {  	s1 =	rddreg [dreg:$0x1];
	s2 =	smul.u32 $0x700, s8  }
0x3: {  	s4 =	srdreg.scid;
	s5 =	smul.u32 $0x300, s8  }
0x4: {  	s3 =	rddreg [dreg:$0x2];
	s16 =	smul.u32 $0x14000, s8  }
0x5: {  	s7 =	simm.s32 $0x0;
	s4 =	sand.u32 $0x1, s4;
	s8 =	smul.u32 $0x50000, s8  }
0x6: {  	[smem:$0x7FF] =	sst s7;
	s6 =	smul.u32 $0x140000, s4  }
0x7: {  	_ =	strace $0x80000047;
	s18 =	ssub.s32 $0x2, s4;
	p0 =	seq.s32 s4, $0x1  }
0x8: {  	s2 =	sadd.s32 s2, s0;
	s20 =	sadd.s32 s5, s0;
	s19 =	sshrl.u32 s18, $0x1  }
0x9: {  	s8 =	sshrl.u32 s8, $0x2;
	s17 =	sadd.s32 s16, s6;
	s24 =	sadd.s32 $0xC400, s2  }
0xa: {  	s6 =	ssub.s32 s18, s19;
	s2 =	sadd.s32 $0x5400, s2;
	[dreg:$0x7] =	wrdreg s24  }
0xb: {  	s25 =	sadd.s32 $0x13400, s20;
	s26 =	sadd.s32 $0x16400, s20;
	[dreg:$0x8] =	wrdreg s2  }
0xc: {  	s20 =	simm.s32 $0x0;
	s5 =	sshrl.u32 s17, $0x3;
	[dreg:$0x9] =	wrdreg s25  }
0xd: {  	[dreg:$0xa] =	wrdreg s26;
	s0 =	sadd.s32 s5, s0;
	s5 =	sadd.s32 s8, s3  }
0xe: {  	s25 =	smax.u32 s6, $0x1;
	s2 =	simm.s32 $0xB000;
	s21 =	sadd.s32 $0x1000, s5  }
0xf: {  	s22 =	sadd.s32 $0x2000, s5;
	s23 =	sadd.s32 $0x3000, s5;
	s9 =	sadd.s32 $0x4000, s5  }
0x10: {  	s10 =	sadd.s32 $0x5000, s5;
	s11 =	sadd.s32 $0x6000, s5;
	s12 =	sadd.s32 $0x7000, s5  }
0x11: {  	s13 =	sadd.s32 $0x8000, s5;
	s14 =	sadd.s32 $0x9000, s5;
	s15 =	sadd.s32 $0xA000, s5  }
0x12: {  	s16 =	sadd.s32 $0xB000, s5;
	s17 =	sadd.s32 $0xC000, s5;
	s18 =	sadd.s32 $0xD000, s5  }
.Ltmp0:
0x13: {  	s19 =	sadd.s32 $0xE000, s5;
	s24 =	sadd.s32 $0x19400, s0;
	(pc) =	sbr.rel .LBB2_1-.Ltmp0, $4  }
0x14: {  	s26 =	sadd.s32 $0xF000, s5;
	s28 =	sadd.s32 $0x10000, s5;
	[dreg:$0x4] =	wrdreg s21  }
0x15: {  	s29 =	sadd.s32 $0x11000, s5;
	s30 =	sadd.s32 $0x12000, s5;
	[dreg:$0x5] =	wrdreg s22  }
0x16: {  	s31 =	sadd.s32 $0x13000, s5;
	s0 =	simm.s32 $0x2;
	[dreg:$0x6] =	wrdreg s23  }
0x17: {  	v0 =	vimm.f32 $0.0e+00;
	s21 =	simm.s32 $0x80;
	s22 =	simm.s32 $0x7000;
	s23 =	simm.s32 $0x1  }
.LBB2_6:
0x18: {  	s4 =	sshra.s32 s4, $0x2;
	[sflag:s0] =	ssyncadd.s32 $0xFFFFC000  }
0x19: {  	[tilespmem:s22], [sflag:$0x1] =	stream.indirect.gather [hbm4b:s1+s21], $0x80, s4, s21, $0xb8;
	v63 =	vld [tilespmem:$0x0]  }
0x1a: {  	_ =	swait.ge [sflag:s23], $0x4000  }
0x1b: {  	[sflag:s23] =	ssyncset.done $0x0  }
0x1c: {  	s4 =	sadd.s32 $0x3800, s4;
	[sflag:s23] =	ssyncadd.s32 $0xFFFFC000  }
0x1d: {  	[spmem:s3] =	stream.indirect.scatter.add.f32 [tilespmem:s22], [sflag:$0x2], $0x80, s4, s21, $0xb8;
	v63 =	vld [tilespmem:$0x0]  }
0x1e: {  	_ =	swait.ge [sflag:s0], $0x4000  }
0x1f: {  	[sflag:s0] =	ssyncset.done $0x0  }
0x20: {  	[sflag:s0] =	ssyncadd.s32 $0xFFFFC000  }
.LBB2_10:
0x21: {  	s4 =	stileid.u32;
	s20 =	sadd.s32 $0x1, s20  }
0x22: {  	[bflag:$0x0] =	sbarrier.arrive $0xFFFF;
	s4 =	sshll.u32 s4, $0x6;
	p1 =	sne.s32 s20, s25  }
.Ltmp1:
0x23: {  	s6 =	sshrl.u32 s5, $0x3;
	s4 =	sor.u32 $0x1C02, s4;
	(pc) =	sbr.rel @!p1 .LBB2_11-.Ltmp1, $4  }
0x24: {  	[hbm:s24], [sflag:s4] =	dma.local [spmem:s6], $0x2800  }
0x25: {  	_ =	swait.ge [sflag:s0], $0x2800  }
0x26: {  	[sflag:s0] =	ssyncset.done $0x0  }
0x27: {  	[sflag:s0] =	ssyncadd.s32 $0xFFFFD800  }
.LBB2_1:
0x28: {  	s6 =	simm.s32 $0x0  }
0x29: {  	s4 =	sand.u32 $0x3E00, s6  }
0x2a: {  	s6 =	sand.u32 $0x70, s6;
	s7 =	sshrl.u32 s4, $0x2  }
0x2b: {  	s4 =	simm.s32 $0x40;
	s7 =	sor.u32 s6, s7;
	s6 =	simm.s32 $0x0  }
.LBB2_2:
0x2c: {  	p1 =	sne.s32 s4, $0x3FC0  }
0x2d: {  	[tilespmem:s7+$0xB000] =	vst v0;
	s6 =	sadd.s32 $0x10, s6;
	s7 =	smov.u32 s4;
	s4 =	sadd.s32 $0x40, s4  }
.Ltmp2:
0x2e: {  	(pc) =	sbr.rel @p1 .LBB2_2-.Ltmp2, $4  }
0x2f: {  	_ = 	snop  }
0x30: {  	s7 =	sand.u32 $0x3E00, s7  }
0x31: {  	s8 =	sand.u32 $0x70, s6;
	s7 =	sshrl.u32 s7, $0x2  }
0x32: {  	s7 =	sor.u32 s8, s7  }
0x33: {  	[tilespmem:s7+$0xB000] =	vst v0  }
0x34: {  	[spmem:s5] =	stream.linear.scatter [tilespmem:s2], [sflag:$0x2], $0x1000, $0x38;
	v63 =	vld [tilespmem:$0x0]  }
0x35: {  	_ =	swait.ge [sflag:s0], $0x1000  }
0x36: {  	[sflag:s0] =	ssyncset.done $0x0  }
0x37: {  	s4 =	rddreg [dreg:$0x4];
	[sflag:s0] =	ssyncadd.s32 $0xFFFFF000  }
0x38: {  	[spmem:s4] =	stream.linear.scatter [tilespmem:s2], [sflag:$0x2], $0x1000, $0x38;
	v63 =	vld [tilespmem:$0x0]  }
0x39: {  	_ =	swait.ge [sflag:s0], $0x1000  }
0x3a: {  	[sflag:s0] =	ssyncset.done $0x0  }
0x3b: {  	s7 =	rddreg [dreg:$0x5];
	[sflag:s0] =	ssyncadd.s32 $0xFFFFF000  }
0x3c: {  	[spmem:s7] =	stream.linear.scatter [tilespmem:s2], [sflag:$0x2], $0x1000, $0x38;
	v63 =	vld [tilespmem:$0x0]  }
0x3d: {  	_ =	swait.ge [sflag:s0], $0x1000  }
0x3e: {  	[sflag:s0] =	ssyncset.done $0x0  }
0x3f: {  	s8 =	rddreg [dreg:$0x6];
	[sflag:s0] =	ssyncadd.s32 $0xFFFFF000  }
0x40: {  	[spmem:s8] =	stream.linear.scatter [tilespmem:s2], [sflag:$0x2], $0x1000, $0x38;
	v63 =	vld [tilespmem:$0x0]  }
0x41: {  	_ =	swait.ge [sflag:s0], $0x1000  }
0x42: {  	[sflag:s0] =	ssyncset.done $0x0  }
0x43: {  	[sflag:s0] =	ssyncadd.s32 $0xFFFFF000  }
0x44: {  	[spmem:s9] =	stream.linear.scatter [tilespmem:s2], [sflag:$0x2], $0x1000, $0x38;
	v63 =	vld [tilespmem:$0x0]  }
0x45: {  	_ =	swait.ge [sflag:s0], $0x1000  }
0x46: {  	[sflag:s0] =	ssyncset.done $0x0  }
0x47: {  	[sflag:s0] =	ssyncadd.s32 $0xFFFFF000  }
0x48: {  	[spmem:s10] =	stream.linear.scatter [tilespmem:s2], [sflag:$0x2], $0x1000, $0x38;
	v63 =	vld [tilespmem:$0x0]  }
0x49: {  	_ =	swait.ge [sflag:s0], $0x1000  }
0x4a: {  	[sflag:s0] =	ssyncset.done $0x0  }
0x4b: {  	[sflag:s0] =	ssyncadd.s32 $0xFFFFF000  }
0x4c: {  	[spmem:s11] =	stream.linear.scatter [tilespmem:s2], [sflag:$0x2], $0x1000, $0x38;
	v63 =	vld [tilespmem:$0x0]  }
0x4d: {  	_ =	swait.ge [sflag:s0], $0x1000  }
0x4e: {  	[sflag:s0] =	ssyncset.done $0x0  }
0x4f: {  	[sflag:s0] =	ssyncadd.s32 $0xFFFFF000  }
0x50: {  	[spmem:s12] =	stream.linear.scatter [tilespmem:s2], [sflag:$0x2], $0x1000, $0x38;
	v63 =	vld [tilespmem:$0x0]  }
0x51: {  	_ =	swait.ge [sflag:s0], $0x1000  }
0x52: {  	[sflag:s0] =	ssyncset.done $0x0  }
0x53: {  	[sflag:s0] =	ssyncadd.s32 $0xFFFFF000  }
0x54: {  	[spmem:s13] =	stream.linear.scatter [tilespmem:s2], [sflag:$0x2], $0x1000, $0x38;
	v63 =	vld [tilespmem:$0x0]  }
0x55: {  	_ =	swait.ge [sflag:s0], $0x1000  }
0x56: {  	[sflag:s0] =	ssyncset.done $0x0  }
0x57: {  	[sflag:s0] =	ssyncadd.s32 $0xFFFFF000  }
0x58: {  	[spmem:s14] =	stream.linear.scatter [tilespmem:s2], [sflag:$0x2], $0x1000, $0x38;
	v63 =	vld [tilespmem:$0x0]  }
0x59: {  	_ =	swait.ge [sflag:s0], $0x1000  }
0x5a: {  	[sflag:s0] =	ssyncset.done $0x0  }
0x5b: {  	[sflag:s0] =	ssyncadd.s32 $0xFFFFF000  }
0x5c: {  	[spmem:s15] =	stream.linear.scatter [tilespmem:s2], [sflag:$0x2], $0x1000, $0x38;
	v63 =	vld [tilespmem:$0x0]  }
0x5d: {  	_ =	swait.ge [sflag:s0], $0x1000  }
0x5e: {  	[sflag:s0] =	ssyncset.done $0x0  }
0x5f: {  	[sflag:s0] =	ssyncadd.s32 $0xFFFFF000  }
0x60: {  	[spmem:s16] =	stream.linear.scatter [tilespmem:s2], [sflag:$0x2], $0x1000, $0x38;
	v63 =	vld [tilespmem:$0x0]  }
0x61: {  	_ =	swait.ge [sflag:s0], $0x1000  }
0x62: {  	[sflag:s0] =	ssyncset.done $0x0  }
0x63: {  	[sflag:s0] =	ssyncadd.s32 $0xFFFFF000  }
0x64: {  	[spmem:s17] =	stream.linear.scatter [tilespmem:s2], [sflag:$0x2], $0x1000, $0x38;
	v63 =	vld [tilespmem:$0x0]  }
0x65: {  	_ =	swait.ge [sflag:s0], $0x1000  }
0x66: {  	[sflag:s0] =	ssyncset.done $0x0  }
0x67: {  	[sflag:s0] =	ssyncadd.s32 $0xFFFFF000  }
0x68: {  	[spmem:s18] =	stream.linear.scatter [tilespmem:s2], [sflag:$0x2], $0x1000, $0x38;
	v63 =	vld [tilespmem:$0x0]  }
0x69: {  	_ =	swait.ge [sflag:s0], $0x1000  }
0x6a: {  	[sflag:s0] =	ssyncset.done $0x0  }
0x6b: {  	[sflag:s0] =	ssyncadd.s32 $0xFFFFF000  }
0x6c: {  	[spmem:s19] =	stream.linear.scatter [tilespmem:s2], [sflag:$0x2], $0x1000, $0x38;
	v63 =	vld [tilespmem:$0x0]  }
0x6d: {  	_ =	swait.ge [sflag:s0], $0x1000  }
0x6e: {  	[sflag:s0] =	ssyncset.done $0x0  }
0x6f: {  	[sflag:s0] =	ssyncadd.s32 $0xFFFFF000  }
0x70: {  	[spmem:s26] =	stream.linear.scatter [tilespmem:s2], [sflag:$0x2], $0x1000, $0x38;
	v63 =	vld [tilespmem:$0x0]  }
0x71: {  	_ =	swait.ge [sflag:s0], $0x1000  }
0x72: {  	[sflag:s0] =	ssyncset.done $0x0  }
0x73: {  	[sflag:s0] =	ssyncadd.s32 $0xFFFFF000  }
0x74: {  	[spmem:s28] =	stream.linear.scatter [tilespmem:s2], [sflag:$0x2], $0x1000, $0x38;
	v63 =	vld [tilespmem:$0x0]  }
0x75: {  	_ =	swait.ge [sflag:s0], $0x1000  }
0x76: {  	[sflag:s0] =	ssyncset.done $0x0  }
0x77: {  	[sflag:s0] =	ssyncadd.s32 $0xFFFFF000  }
0x78: {  	[spmem:s29] =	stream.linear.scatter [tilespmem:s2], [sflag:$0x2], $0x1000, $0x38;
	v63 =	vld [tilespmem:$0x0]  }
0x79: {  	_ =	swait.ge [sflag:s0], $0x1000  }
0x7a: {  	[sflag:s0] =	ssyncset.done $0x0  }
0x7b: {  	[sflag:s0] =	ssyncadd.s32 $0xFFFFF000  }
0x7c: {  	[spmem:s30] =	stream.linear.scatter [tilespmem:s2], [sflag:$0x2], $0x1000, $0x38;
	v63 =	vld [tilespmem:$0x0]  }
0x7d: {  	_ =	swait.ge [sflag:s0], $0x1000  }
0x7e: {  	[sflag:s0] =	ssyncset.done $0x0  }
0x7f: {  	[sflag:s0] =	ssyncadd.s32 $0xFFFFF000  }
0x80: {  	[spmem:s31] =	stream.linear.scatter [tilespmem:s2], [sflag:$0x2], $0x1000, $0x38;
	v63 =	vld [tilespmem:$0x0]  }
.Ltmp3:
0x81: {  	_ =	swait.ge [sflag:s0], $0x1000;
	(pc) =	sbr.rel @!p0 .LBB2_4-.Ltmp3, $4  }
0x82: {  	[sflag:s0] =	ssyncset.done $0x0  }
0x83: {  	[sflag:s0] =	ssyncadd.s32 $0xFFFFF000  }
0x84: {  	[bflag:$0x0] =	sbarrier.arrive $0xFFFF  }
0x85: {  	s4 =	simm.s32 $0x0  }
0x86: {  	s6 =	rddreg [dreg:$0x9]  }
0x87: {  	[tilespmem:s4], [sflag:$0x2] =	stream.linear.gather [hbm4b:s6+s4], $0x1700, $0x38;
	v63 =	vld [tilespmem:$0x0]  }
0x88: {  	_ =	swait.ge [sflag:s0], $0x1700  }
0x89: {  	[sflag:s0] =	ssyncset.done $0x0  }
0x8a: {  	s7 =	simm.s32 $0x3800;
	s8 =	rddreg [dreg:$0xa];
	[sflag:s0] =	ssyncadd.s32 $0xFFFFE900  }
0x8b: {  	[tilespmem:s7], [sflag:$0x2] =	stream.linear.gather [hbm4b:s8+s4], $0x1700, $0x38;
	v63 =	vld [tilespmem:$0x0]  }
0x8c: {  	_ =	swait.ge [sflag:s0], $0x1700  }
0x8d: {  	[sflag:s0] =	ssyncset.done $0x0  }
0x8e: {  	s7 =	simm.s32 $0x0;
	[sflag:s0] =	ssyncadd.s32 $0xFFFFE900  }
0x8f: {  	[tilespmem:s22], [sflag:$0x1] =	stream.indirect.gather [hbm4b:s1+s21], $0x80, s7, s21, $0xb8;
	v63 =	vld [tilespmem:$0x0]  }
0x90: {  	_ =	swait.ge [sflag:s23], $0x4000  }
0x91: {  	[sflag:s23] =	ssyncset.done $0x0  }
0x92: {  	s8 =	simm.s32 $0x3800;
	[sflag:s23] =	ssyncadd.s32 $0xFFFFC000  }
0x93: {  	[spmem:s3] =	stream.indirect.scatter.add.f32 [tilespmem:s22], [sflag:$0x2], $0x80, s8, s21, $0xb8;
	v63 =	vld [tilespmem:$0x0]  }
0x94: {  	_ =	swait.ge [sflag:s0], $0x4000  }
0x95: {  	s6 =	simm.s32 $0x400;
	s4 =	simm.s32 $0x200;
	[sflag:s0] =	ssyncset.done $0x0  }
.LBB2_8:
0x96: {  	s7 =	sshra.s32 s4, $0x2  }
0x97: {  	[sflag:s0] =	ssyncadd.s32 $0xFFFFC000;
	s4 =	smov.u32 s6;
	s8 =	sadd.s32 $0x200, s6  }
0x98: {  	[tilespmem:s22], [sflag:$0x1] =	stream.indirect.gather [hbm4b:s1+s21], $0x80, s7, s21, $0xb8;
	v63 =	vld [tilespmem:$0x0]  }
0x99: {  	p1 =	sne.s32 s6, $0x5A00;
	_ =	swait.ge [sflag:s23], $0x4000  }
.Ltmp4:
0x9a: {  	[sflag:s23] =	ssyncset.done $0x0;
	(pc) =	sbr.rel @p1 .LBB2_8-.Ltmp4, $4  }
0x9b: {  	s6 =	sadd.s32 $0x3800, s7;
	[sflag:s23] =	ssyncadd.s32 $0xFFFFC000  }
0x9c: {  	[spmem:s3] =	stream.indirect.scatter.add.f32 [tilespmem:s22], [sflag:$0x2], $0x80, s6, s21, $0xb8;
	v63 =	vld [tilespmem:$0x0]  }
0x9d: {  	_ =	swait.ge [sflag:s0], $0x4000  }
0x9e: {  	s6 =	smov.u32 s8;
	[sflag:s0] =	ssyncset.done $0x0  }
0x9f: {  	s4 =	sshra.s32 s4, $0x2;
	[sflag:s0] =	ssyncadd.s32 $0xFFFFC000  }
0xa0: {  	[tilespmem:s22], [sflag:$0x1] =	stream.indirect.gather [hbm4b:s1+s21], $0x80, s4, s21, $0xb8;
	v63 =	vld [tilespmem:$0x0]  }
0xa1: {  	_ =	swait.ge [sflag:s23], $0x4000  }
0xa2: {  	[sflag:s23] =	ssyncset.done $0x0  }
.Ltmp5:
0xa3: {  	s4 =	sadd.s32 $0x3800, s4;
	[sflag:s23] =	ssyncadd.s32 $0xFFFFC000;
	(pc) =	sbr.rel .LBB2_10-.Ltmp5, $4  }
0xa4: {  	[spmem:s3] =	stream.indirect.scatter.add.f32 [tilespmem:s22], [sflag:$0x2], $0x80, s4, s21, $0xb8;
	v63 =	vld [tilespmem:$0x0]  }
0xa5: {  	_ =	swait.ge [sflag:s0], $0x4000  }
0xa6: {  	[sflag:s0] =	ssyncset.done $0x0  }
0xa7: {  	[sflag:s0] =	ssyncadd.s32 $0xFFFFC000  }
.LBB2_4:
0xa8: {  	s6 =	rddreg [dreg:$0x7]  }
0xa9: {  	[tilespmem:s4], [sflag:$0x2] =	stream.linear.gather [hbm4b:s6+s4], $0x3800, $0x38;
	v63 =	vld [tilespmem:$0x0]  }
0xaa: {  	_ =	swait.ge [sflag:s0], $0x3800  }
0xab: {  	[sflag:s0] =	ssyncset.done $0x0  }
0xac: {  	s7 =	simm.s32 $0x3800;
	s8 =	rddreg [dreg:$0x8];
	[sflag:s0] =	ssyncadd.s32 $0xFFFFC800  }
0xad: {  	[tilespmem:s7], [sflag:$0x2] =	stream.linear.gather [hbm4b:s8+s4], $0x3800, $0x38;
	v63 =	vld [tilespmem:$0x0]  }
0xae: {  	_ =	swait.ge [sflag:s0], $0x3800  }
0xaf: {  	[sflag:s0] =	ssyncset.done $0x0  }
0xb0: {  	s7 =	simm.s32 $0x0;
	[sflag:s0] =	ssyncadd.s32 $0xFFFFC800  }
0xb1: {  	[tilespmem:s22], [sflag:$0x1] =	stream.indirect.gather [hbm4b:s1+s21], $0x80, s7, s21, $0xb8;
	v63 =	vld [tilespmem:$0x0]  }
0xb2: {  	_ =	swait.ge [sflag:s23], $0x4000  }
0xb3: {  	[sflag:s23] =	ssyncset.done $0x0  }
0xb4: {  	s8 =	simm.s32 $0x3800;
	[sflag:s23] =	ssyncadd.s32 $0xFFFFC000  }
0xb5: {  	[spmem:s3] =	stream.indirect.scatter.add.f32 [tilespmem:s22], [sflag:$0x2], $0x80, s8, s21, $0xb8;
	v63 =	vld [tilespmem:$0x0]  }
0xb6: {  	_ =	swait.ge [sflag:s0], $0x4000  }
0xb7: {  	s6 =	simm.s32 $0x400;
	s4 =	simm.s32 $0x200;
	[sflag:s0] =	ssyncset.done $0x0  }
.LBB2_5:
0xb8: {  	s7 =	sshra.s32 s4, $0x2  }
0xb9: {  	[sflag:s0] =	ssyncadd.s32 $0xFFFFC000;
	s4 =	smov.u32 s6;
	s8 =	sadd.s32 $0x200, s6  }
0xba: {  	[tilespmem:s22], [sflag:$0x1] =	stream.indirect.gather [hbm4b:s1+s21], $0x80, s7, s21, $0xb8;
	v63 =	vld [tilespmem:$0x0]  }
0xbb: {  	p1 =	seq.s32 s6, $0xDE00;
	_ =	swait.ge [sflag:s23], $0x4000  }
.Ltmp6:
0xbc: {  	[sflag:s23] =	ssyncset.done $0x0;
	(pc) =	sbr.rel @!p1 .LBB2_5-.Ltmp6, $4  }
0xbd: {  	s6 =	sadd.s32 $0x3800, s7;
	[sflag:s23] =	ssyncadd.s32 $0xFFFFC000  }
0xbe: {  	[spmem:s3] =	stream.indirect.scatter.add.f32 [tilespmem:s22], [sflag:$0x2], $0x80, s6, s21, $0xb8;
	v63 =	vld [tilespmem:$0x0]  }
0xbf: {  	_ =	swait.ge [sflag:s0], $0x4000  }
0xc0: {  	s6 =	smov.u32 s8;
	[sflag:s0] =	ssyncset.done $0x0  }
.Ltmp7:
0xc1: {  	_ = 	snop;
	(pc) =	sbr.rel .LBB2_6-.Ltmp7, $1  }
0xc2: {  	_ =	sdelay $0x3  }
.LBB2_11:
0xc3: {  	_ =	sfence.sel $0x180000  }
0xc4: {  	[bflag:$0x0] =	sbarrier.arrive $0xFFFF  }
0xc5: {  	_ =	strace $0x90000047  }
0xc6: {  	s0 =	stileid.u32;
	[bflag:$0x2] =	sbarrier.arrive $0xFFFF  }
0xc7: {  	p0 =	sne.s32 s0, $0x0;
	s0 =	rddreg [dreg:$0x3]  }
0xc8: {  	s0 =	sadd.s32 @!p0 $0x100000, s0  }
0xc9: {  	[sflag:s0] =	ssyncadd.tile.s32 @!p0 $0x1;
	_ =	shalt  }
.Lfunc_end2:
_tile_overlayer_lowered:
.L_overlay_start_2:
0xca: {  	(tag) =	ssettag $0x2  }
0xcb: {  	s0 =	rddreg [dreg:$0x0];
	s2 =	stileid.u32  }
0xcc: {  	s1 =	rddreg [dreg:$0x1];
	p0 =	sne.s32 s2, $0x0  }
0xcd: {  	s3 =	rddreg [dreg:$0x2];
	[bflag:$0x3] =	sbarrier.arrive $0xFFFF;
	s2 =	simm.s32 @!p0 $0x1C02  }
0xce: {  	[timem:s3], [sflag:s2] =	dma.local @!p0 [hbm:s0], s1  }
0xcf: {  	s0 =	simm.s32 @!p0 $0x2  }
0xd0: {  	_ =	swait.ge @!p0 [sflag:s0], s1  }
0xd1: {  	s1 =	ssub.s32 @!p0 $0x0, s1;
	[sflag:s0] =	ssyncset.done @!p0 $0x0  }
0xd2: {  	[sflag:s0] =	ssyncadd.s32 @!p0 s1  }
0xd3: {  	[bflag:$0x3] =	sbarrier.arrive $0xFFFF  }
0xd4: {  	_ =	shalt  }

</sc_bundles>
